<compile_context>
chip_gen: v7x
topology: tpu7x:2x2x1
jax: 0.10.2.dev20260603
libtpu: 0.0.44.dev20260713+nightly
codegen_flags: <defaults>
</compile_context>

<pallas_src>
import functools

import jax
import jax.numpy as jnp
from jax import lax
from jax.experimental import pallas as pl
from jax.experimental.pallas import tpu as pltpu
from jax.experimental.pallas import tpu_sc as plsc

B = 131072
D = 64
HMASK = 524288 - 1
P0, P1, P2 = 73856093, 19349663, 83492791
L = 16
C = 128
NW = 32
PTS_PER_W = B // NW
N_CHUNKS = PTS_PER_W // C


def _i32(v):
    return jnp.asarray(v, jnp.int32)


def _grid_body(x0h, x1h, x2h, W, out, xv, idxv, wv, rowsv, outv, sem):
    wid = (lax.axis_index("s").astype(jnp.int32) * _i32(2)
           + lax.axis_index("c").astype(jnp.int32))
    base0 = wid * _i32(PTS_PER_W)

    def chunk(g, carry):
        base = base0 + g * _i32(C)
        for d, xh in enumerate((x0h, x1h, x2h)):
            pltpu.sync_copy(xh.at[pl.ds(base, C)], xv.at[d])

        def vec(v, carry2):
            off = v * _i32(L)
            sl = pl.ds(off, L)
            x0 = xv[0, sl]
            x1 = xv[1, sl]
            x2 = xv[2, sl]
            xx0 = (x0 + 1.0) * 64.0
            xx1 = (x1 + 1.0) * 64.0
            xx2 = (x2 + 1.0) * 64.0
            i0 = xx0.astype(jnp.int32)
            i1 = xx1.astype(jnp.int32)
            i2 = xx2.astype(jnp.int32)
            f0 = xx0 - i0.astype(jnp.float32)
            f1 = xx1 - i1.astype(jnp.float32)
            f2 = xx2 - i2.astype(jnp.float32)
            m0 = (i0 * _i32(P0), i0 * _i32(P0) + _i32(P0))
            m1 = (i1 * _i32(P1), i1 * _i32(P1) + _i32(P1))
            m2 = (i2 * _i32(P2), i2 * _i32(P2) + _i32(P2))
            w0 = (1.0 - f0, f0)
            w1 = (1.0 - f1, f1)
            w2 = (1.0 - f2, f2)
            pts = off + lax.iota(jnp.int32, L)
            for c in range(8):
                b0, b1, b2 = c & 1, (c >> 1) & 1, (c >> 2) & 1
                idxv[c, sl] = (m0[b0] ^ m1[b1] ^ m2[b2]) & _i32(HMASK)
                plsc.store_scatter(
                    wv, [pts, jnp.full((L,), c, jnp.int32)],
                    w0[b0] * w1[b1] * w2[b2])
            return carry2

        lax.fori_loop(_i32(0), _i32(C // L), vec, _i32(0))

        copies = [pltpu.async_copy(W.at[idxv.at[c]], rowsv.at[c], sem)
                  for c in range(8)]
        for cp in copies:
            cp.wait()

        def acc(p, carry2):
            wrow = wv[p, :]
            ws = [wrow[c] for c in range(8)]
            for j in range(D // L):
                sl = pl.ds(j * L, L)
                s = ws[0] * rowsv[0, p, sl]
                for c in range(1, 8):
                    s = s + ws[c] * rowsv[c, p, sl]
                outv[p, sl] = s
            return carry2

        lax.fori_loop(_i32(0), _i32(C), acc, _i32(0))
        pltpu.sync_copy(outv, out.at[pl.ds(base, C)])
        return carry

    lax.fori_loop(_i32(0), _i32(N_CHUNKS), chunk, _i32(0))


@jax.jit
def kernel(x, W):
    from jax._src import config as _jax_config
    with _jax_config.enable_x64(False):
        return _kernel_impl(x, W)


def _kernel_impl(x, W):
    x0, x1, x2 = x[:, 0], x[:, 1], x[:, 2]
    mesh = plsc.VectorSubcoreMesh(core_axis_name="c", subcore_axis_name="s")
    f = pl.kernel(
        _grid_body,
        out_type=jax.ShapeDtypeStruct((B, D), jnp.float32),
        mesh=mesh,
        scratch_types=[
            pltpu.VMEM((3, C), jnp.float32),
            pltpu.VMEM((8, C), jnp.int32),
            pltpu.VMEM((C, L), jnp.float32),
            pltpu.VMEM((8, C, D), jnp.float32),
            pltpu.VMEM((C, D), jnp.float32),
            pltpu.SemaphoreType.DMA,
        ],
        compiler_params=pltpu.CompilerParams(
            needs_layout_passes=False, use_tc_tiling_on_sc=False),
    )
    return f(x0, x1, x2, W)

# --- scband reference (transcript-rebuilt; emitter-appended) ---
"""Pipeline reference for scband-grid-4097398800632 (READ-ONLY COPY).

The authoritative reference and input builder live on the scoring server;
editing this copy changes nothing except your own understanding.
"""

import jax, jax.numpy as jnp
import numpy as np
jax.config.update("jax_enable_x64", True)

INPUT_DIM = 3
N_FEATURES = 64
HASHMAP_SIZE = 524288
RESOLUTION = 128.0
PRIMES = [73856093, 19349663, 83492791, 49979687, 97755331, 13623469, 31912469, 2654435761]


def setup_inputs(seed: int = 0):
    key = jax.random.key(seed)
    k1, k2 = jax.random.split(key)
    x = jax.random.uniform(k1, (131072, 3), dtype=jnp.float32)
    W = jax.random.uniform(k2, (HASHMAP_SIZE, N_FEATURES), minval=-0.0001, maxval=0.0001, dtype=jnp.float32)
    return {"x": x, "W": W}


def reference(x, W):
    primes = jnp.array(PRIMES, dtype=jnp.int64)
    n_neighbors = 1 << INPUT_DIM
    neighbors = np.arange(n_neighbors, dtype=np.int64).reshape((-1, 1))
    dims = np.arange(INPUT_DIM, dtype=np.int64).reshape((1, -1))
    binary_mask = jnp.asarray((neighbors & (1 << dims)) == 0)
    xx = (x + 1.0) / 2.0 * RESOLUTION
    x_i = xx.astype(jnp.int64)
    x_f = xx - x_i.astype(xx.dtype)
    x_i = x_i[..., None, :]
    x_f = x_f[..., None, :]
    indices = jnp.where(binary_mask, x_i, x_i + 1)
    weights = jnp.where(binary_mask, 1.0 - x_f, x_f)
    weight = jnp.prod(weights, axis=-1, keepdims=True)
    hashed = indices[..., 0] * primes[0]
    for i in range(1, INPUT_DIM):
        hashed = hashed ^ (indices[..., i] * primes[i])
    hash_ids = hashed % HASHMAP_SIZE
    neighbor_data = jnp.take(W, hash_ids, axis=0)
    return jnp.sum(neighbor_data * weight, axis=-2)

if __name__ == "__main__":
    import jax
    _d = setup_inputs()
    print(jax.jit(kernel)(*tuple(_d.values())))

</pallas_src>

<mosaic_0001>
#map = affine_map<(d0, d1) -> (0)>
#map1 = affine_map<(d0, d1) -> (0, 0)>
module attributes {stable_mosaic.version = 14 : i64} {
  func.func @_grid_body(%arg0: i32, %arg1: i32, %arg2: memref<131072xf32, #tpu.memory_space<hbm>>, %arg3: memref<131072xf32, #tpu.memory_space<hbm>>, %arg4: memref<131072xf32, #tpu.memory_space<hbm>>, %arg5: memref<524288x64xf32, #tpu.memory_space<hbm>>, %arg6: memref<131072x64xf32, #tpu.memory_space<hbm>>, %arg7: memref<3x128xf32, #tpu.memory_space<vmem>>, %arg8: memref<8x128xi32, #tpu.memory_space<vmem>>, %arg9: memref<128x16xf32, #tpu.memory_space<vmem>>, %arg10: memref<8x128x64xf32, #tpu.memory_space<vmem>>, %arg11: memref<128x64xf32, #tpu.memory_space<vmem>>, %arg12: memref<!tpu.dma_semaphore, #tpu.memory_space<semaphore_mem>>) attributes {dimension_semantics = [#tpu.dimension_semantics<core_parallel>, #tpu.dimension_semantics<subcore_parallel>], iteration_bounds = array<i64: 2, 16>, scalar_prefetch = 0 : i64, scratch_operands = 6 : i64, tpu.core_type = #tpu.core_type<sc_vector_subcore>, window_params = [{transform_indices = #map}, {transform_indices = #map}, {transform_indices = #map}, {transform_indices = #map1}, {transform_indices = #map1}]} {
    %mul3A = arith.constant 2 : i32
    %mul3A_0 = arith.muli %arg1, %mul3A : i32
    %add3A = arith.addi %mul3A_0, %arg0 : i32
    %mul3A_1 = arith.constant 4096 : i32
    %mul3A_2 = arith.muli %add3A, %mul3A_1 : i32
    %while3A = arith.constant 0 : i32
    %while3A_3 = arith.constant 0 : i32
    %while3A_4 = arith.constant 32 : i32
    %while3A_5 = arith.subi %while3A_4, %while3A_3 : i32
    %while3A_6 = arith.addi %while3A_3, %while3A_5 : i32
    %while3A_7 = arith.constant 1 : i32
    %while3A_8 = arith.divsi %while3A_5, %while3A_7 : i32
    %while3A_9 = arith.muli %while3A_8, %while3A_7 : i32
    %while3A_10 = arith.addi %while3A_3, %while3A_9 : i32
    %while3A_11 = arith.constant 1 : i32
    scf.for %while3A_13 = %while3A_3 to %while3A_10 step %while3A_11  : i32 {
      %mul3A_14 = arith.constant 128 : i32
      %mul3A_15 = arith.muli %while3A_13, %mul3A_14 : i32
      %add3A_16 = arith.addi %mul3A_2, %mul3A_15 : i32
      %run_scoped3A = arith.constant 0 : i32
      "tpu.region"() ({
        %run_scoped3A_231 = tpu.sem_alloc : memref<!tpu.dma_semaphore, #tpu.memory_space<semaphore_mem>>
        %dma_start3A_232 = arith.constant 0 : i32
        %dma_start3A_233 = tpu.memref_slice %arg7[%run_scoped3A, %dma_start3A_232] : memref<3x128xf32, #tpu.memory_space<vmem>> -> memref<1x128xf32, #tpu.memory_space<vmem>>
        %dma_start3A_234 = tpu.memref_squeeze %dma_start3A_233 : memref<1x128xf32, #tpu.memory_space<vmem>> -> memref<128xf32, #tpu.memory_space<vmem>>
        %dma_start3A_235 = tpu.memref_slice %arg2[%add3A_16] : memref<131072xf32, #tpu.memory_space<hbm>> -> memref<128xf32, #tpu.memory_space<hbm>>
        %dma_start3A_236 = arith.constant 0 : i32
        %dma_start3A_237 = tpu.memref_slice %arg7[%run_scoped3A, %dma_start3A_236] : memref<3x128xf32, #tpu.memory_space<vmem>> -> memref<1x128xf32, #tpu.memory_space<vmem>>
        %dma_start3A_238 = tpu.memref_squeeze %dma_start3A_237 : memref<1x128xf32, #tpu.memory_space<vmem>> -> memref<128xf32, #tpu.memory_space<vmem>>
        %dma_start3A_239 = tpu.memref_slice %arg2[%add3A_16] : memref<131072xf32, #tpu.memory_space<hbm>> -> memref<128xf32, #tpu.memory_space<hbm>>
        tpu.enqueue_dma source(%dma_start3A_239 : memref<128xf32, #tpu.memory_space<hbm>>) target(%dma_start3A_238 : memref<128xf32, #tpu.memory_space<vmem>>) target_semaphore(%run_scoped3A_231 : memref<!tpu.dma_semaphore, #tpu.memory_space<semaphore_mem>>)
        %dma_wait3A_240 = arith.constant 0 : i32
        %dma_wait3A_241 = tpu.memref_slice %arg7[%run_scoped3A, %dma_wait3A_240] : memref<3x128xf32, #tpu.memory_space<vmem>> -> memref<1x128xf32, #tpu.memory_space<vmem>>
        %dma_wait3A_242 = tpu.memref_squeeze %dma_wait3A_241 : memref<1x128xf32, #tpu.memory_space<vmem>> -> memref<128xf32, #tpu.memory_space<vmem>>
        %dma_wait3A_243 = tpu.memref_slice %arg2[%add3A_16] : memref<131072xf32, #tpu.memory_space<hbm>> -> memref<128xf32, #tpu.memory_space<hbm>>
        %dma_wait3A_244 = arith.constant 0 : i32
        %dma_wait3A_245 = tpu.memref_slice %arg7[%run_scoped3A, %dma_wait3A_244] : memref<3x128xf32, #tpu.memory_space<vmem>> -> memref<1x128xf32, #tpu.memory_space<vmem>>
        %dma_wait3A_246 = tpu.memref_squeeze %dma_wait3A_245 : memref<1x128xf32, #tpu.memory_space<vmem>> -> memref<128xf32, #tpu.memory_space<vmem>>
        %dma_wait3A_247 = tpu.memref_slice %arg2[%add3A_16] : memref<131072xf32, #tpu.memory_space<hbm>> -> memref<128xf32, #tpu.memory_space<hbm>>
        tpu.wait_dma2 semaphore(%run_scoped3A_231 : memref<!tpu.dma_semaphore, #tpu.memory_space<semaphore_mem>>) src(%dma_wait3A_247 : memref<128xf32, #tpu.memory_space<hbm>>) dst(%dma_wait3A_246 : memref<128xf32, #tpu.memory_space<vmem>>)
        tpu.yield
      }) : () -> ()
      %run_scoped3A_17 = arith.constant 1 : i32
      "tpu.region"() ({
        %run_scoped3A_231 = tpu.sem_alloc : memref<!tpu.dma_semaphore, #tpu.memory_space<semaphore_mem>>
        %dma_start3A_232 = arith.constant 0 : i32
        %dma_start3A_233 = tpu.memref_slice %arg7[%run_scoped3A_17, %dma_start3A_232] : memref<3x128xf32, #tpu.memory_space<vmem>> -> memref<1x128xf32, #tpu.memory_space<vmem>>
        %dma_start3A_234 = tpu.memref_squeeze %dma_start3A_233 : memref<1x128xf32, #tpu.memory_space<vmem>> -> memref<128xf32, #tpu.memory_space<vmem>>
        %dma_start3A_235 = tpu.memref_slice %arg3[%add3A_16] : memref<131072xf32, #tpu.memory_space<hbm>> -> memref<128xf32, #tpu.memory_space<hbm>>
        %dma_start3A_236 = arith.constant 0 : i32
        %dma_start3A_237 = tpu.memref_slice %arg7[%run_scoped3A_17, %dma_start3A_236] : memref<3x128xf32, #tpu.memory_space<vmem>> -> memref<1x128xf32, #tpu.memory_space<vmem>>
        %dma_start3A_238 = tpu.memref_squeeze %dma_start3A_237 : memref<1x128xf32, #tpu.memory_space<vmem>> -> memref<128xf32, #tpu.memory_space<vmem>>
        %dma_start3A_239 = tpu.memref_slice %arg3[%add3A_16] : memref<131072xf32, #tpu.memory_space<hbm>> -> memref<128xf32, #tpu.memory_space<hbm>>
        tpu.enqueue_dma source(%dma_start3A_239 : memref<128xf32, #tpu.memory_space<hbm>>) target(%dma_start3A_238 : memref<128xf32, #tpu.memory_space<vmem>>) target_semaphore(%run_scoped3A_231 : memref<!tpu.dma_semaphore, #tpu.memory_space<semaphore_mem>>)
        %dma_wait3A_240 = arith.constant 0 : i32
        %dma_wait3A_241 = tpu.memref_slice %arg7[%run_scoped3A_17, %dma_wait3A_240] : memref<3x128xf32, #tpu.memory_space<vmem>> -> memref<1x128xf32, #tpu.memory_space<vmem>>
        %dma_wait3A_242 = tpu.memref_squeeze %dma_wait3A_241 : memref<1x128xf32, #tpu.memory_space<vmem>> -> memref<128xf32, #tpu.memory_space<vmem>>
        %dma_wait3A_243 = tpu.memref_slice %arg3[%add3A_16] : memref<131072xf32, #tpu.memory_space<hbm>> -> memref<128xf32, #tpu.memory_space<hbm>>
        %dma_wait3A_244 = arith.constant 0 : i32
        %dma_wait3A_245 = tpu.memref_slice %arg7[%run_scoped3A_17, %dma_wait3A_244] : memref<3x128xf32, #tpu.memory_space<vmem>> -> memref<1x128xf32, #tpu.memory_space<vmem>>
        %dma_wait3A_246 = tpu.memref_squeeze %dma_wait3A_245 : memref<1x128xf32, #tpu.memory_space<vmem>> -> memref<128xf32, #tpu.memory_space<vmem>>
        %dma_wait3A_247 = tpu.memref_slice %arg3[%add3A_16] : memref<131072xf32, #tpu.memory_space<hbm>> -> memref<128xf32, #tpu.memory_space<hbm>>
        tpu.wait_dma2 semaphore(%run_scoped3A_231 : memref<!tpu.dma_semaphore, #tpu.memory_space<semaphore_mem>>) src(%dma_wait3A_247 : memref<128xf32, #tpu.memory_space<hbm>>) dst(%dma_wait3A_246 : memref<128xf32, #tpu.memory_space<vmem>>)
        tpu.yield
      }) : () -> ()
      %run_scoped3A_18 = arith.constant 2 : i32
      "tpu.region"() ({
        %run_scoped3A_231 = tpu.sem_alloc : memref<!tpu.dma_semaphore, #tpu.memory_space<semaphore_mem>>
        %dma_start3A_232 = arith.constant 0 : i32
        %dma_start3A_233 = tpu.memref_slice %arg7[%run_scoped3A_18, %dma_start3A_232] : memref<3x128xf32, #tpu.memory_space<vmem>> -> memref<1x128xf32, #tpu.memory_space<vmem>>
        %dma_start3A_234 = tpu.memref_squeeze %dma_start3A_233 : memref<1x128xf32, #tpu.memory_space<vmem>> -> memref<128xf32, #tpu.memory_space<vmem>>
        %dma_start3A_235 = tpu.memref_slice %arg4[%add3A_16] : memref<131072xf32, #tpu.memory_space<hbm>> -> memref<128xf32, #tpu.memory_space<hbm>>
        %dma_start3A_236 = arith.constant 0 : i32
        %dma_start3A_237 = tpu.memref_slice %arg7[%run_scoped3A_18, %dma_start3A_236] : memref<3x128xf32, #tpu.memory_space<vmem>> -> memref<1x128xf32, #tpu.memory_space<vmem>>
        %dma_start3A_238 = tpu.memref_squeeze %dma_start3A_237 : memref<1x128xf32, #tpu.memory_space<vmem>> -> memref<128xf32, #tpu.memory_space<vmem>>
        %dma_start3A_239 = tpu.memref_slice %arg4[%add3A_16] : memref<131072xf32, #tpu.memory_space<hbm>> -> memref<128xf32, #tpu.memory_space<hbm>>
        tpu.enqueue_dma source(%dma_start3A_239 : memref<128xf32, #tpu.memory_space<hbm>>) target(%dma_start3A_238 : memref<128xf32, #tpu.memory_space<vmem>>) target_semaphore(%run_scoped3A_231 : memref<!tpu.dma_semaphore, #tpu.memory_space<semaphore_mem>>)
        %dma_wait3A_240 = arith.constant 0 : i32
        %dma_wait3A_241 = tpu.memref_slice %arg7[%run_scoped3A_18, %dma_wait3A_240] : memref<3x128xf32, #tpu.memory_space<vmem>> -> memref<1x128xf32, #tpu.memory_space<vmem>>
        %dma_wait3A_242 = tpu.memref_squeeze %dma_wait3A_241 : memref<1x128xf32, #tpu.memory_space<vmem>> -> memref<128xf32, #tpu.memory_space<vmem>>
        %dma_wait3A_243 = tpu.memref_slice %arg4[%add3A_16] : memref<131072xf32, #tpu.memory_space<hbm>> -> memref<128xf32, #tpu.memory_space<hbm>>
        %dma_wait3A_244 = arith.constant 0 : i32
        %dma_wait3A_245 = tpu.memref_slice %arg7[%run_scoped3A_18, %dma_wait3A_244] : memref<3x128xf32, #tpu.memory_space<vmem>> -> memref<1x128xf32, #tpu.memory_space<vmem>>
        %dma_wait3A_246 = tpu.memref_squeeze %dma_wait3A_245 : memref<1x128xf32, #tpu.memory_space<vmem>> -> memref<128xf32, #tpu.memory_space<vmem>>
        %dma_wait3A_247 = tpu.memref_slice %arg4[%add3A_16] : memref<131072xf32, #tpu.memory_space<hbm>> -> memref<128xf32, #tpu.memory_space<hbm>>
        tpu.wait_dma2 semaphore(%run_scoped3A_231 : memref<!tpu.dma_semaphore, #tpu.memory_space<semaphore_mem>>) src(%dma_wait3A_247 : memref<128xf32, #tpu.memory_space<hbm>>) dst(%dma_wait3A_246 : memref<128xf32, #tpu.memory_space<vmem>>)
        tpu.yield
      }) : () -> ()
      %while3A_19 = arith.constant 0 : i32
      %while3A_20 = arith.constant 0 : i32
      %while3A_21 = arith.constant 8 : i32
      %while3A_22 = arith.subi %while3A_21, %while3A_20 : i32
      %while3A_23 = arith.addi %while3A_20, %while3A_22 : i32
      %while3A_24 = arith.constant 1 : i32
      %while3A_25 = arith.divsi %while3A_22, %while3A_24 : i32
      %while3A_26 = arith.muli %while3A_25, %while3A_24 : i32
      %while3A_27 = arith.addi %while3A_20, %while3A_26 : i32
      %while3A_28 = arith.constant 1 : i32
      scf.for %while3A_231 = %while3A_20 to %while3A_27 step %while3A_28  : i32 {
        %mul3A_232 = arith.constant 16 : i32
        %mul3A_233 = arith.muli %while3A_231, %mul3A_232 : i32
        %get3A = arith.constant 0 : i32
        %get3A_234 = arith.index_cast %get3A : i32 to index
        %get3A_235 = arith.index_cast %mul3A_233 : i32 to index
        %get3A_236 = tpu.vector_load %arg7[%get3A_234, %get3A_235] {strides = array<i32>} : memref<3x128xf32, #tpu.memory_space<vmem>>, vector<16xf32>,
        %get3A_237 = arith.constant 1 : i32
        %get3A_238 = arith.index_cast %get3A_237 : i32 to index
        %get3A_239 = arith.index_cast %mul3A_233 : i32 to index
        %get3A_240 = tpu.vector_load %arg7[%get3A_238, %get3A_239] {strides = array<i32>} : memref<3x128xf32, #tpu.memory_space<vmem>>, vector<16xf32>,
        %get3A_241 = arith.constant 2 : i32
        %get3A_242 = arith.index_cast %get3A_241 : i32 to index
        %get3A_243 = arith.index_cast %mul3A_233 : i32 to index
        %get3A_244 = tpu.vector_load %arg7[%get3A_242, %get3A_243] {strides = array<i32>} : memref<3x128xf32, #tpu.memory_space<vmem>>, vector<16xf32>,
        %add3A_245 = arith.constant 1.000000e+00 : f32
        %add3A_246 = vector.broadcast %add3A_245 : f32 to vector<16xf32>
        %add3A_247 = arith.addf %get3A_236, %add3A_246 : vector<16xf32>
        %mul3A_248 = arith.constant 6.400000e+01 : f32
        %mul3A_249 = vector.broadcast %mul3A_248 : f32 to vector<16xf32>
        %mul3A_250 = arith.mulf %add3A_247, %mul3A_249 : vector<16xf32>
        %add3A_251 = arith.constant 1.000000e+00 : f32
        %add3A_252 = vector.broadcast %add3A_251 : f32 to vector<16xf32>
        %add3A_253 = arith.addf %get3A_240, %add3A_252 : vector<16xf32>
        %mul3A_254 = arith.constant 6.400000e+01 : f32
        %mul3A_255 = vector.broadcast %mul3A_254 : f32 to vector<16xf32>
        %mul3A_256 = arith.mulf %add3A_253, %mul3A_255 : vector<16xf32>
        %add3A_257 = arith.constant 1.000000e+00 : f32
        %add3A_258 = vector.broadcast %add3A_257 : f32 to vector<16xf32>
        %add3A_259 = arith.addf %get3A_244, %add3A_258 : vector<16xf32>
        %mul3A_260 = arith.constant 6.400000e+01 : f32
        %mul3A_261 = vector.broadcast %mul3A_260 : f32 to vector<16xf32>
        %mul3A_262 = arith.mulf %add3A_259, %mul3A_261 : vector<16xf32>
        %convert_element_type3A = arith.fptosi %mul3A_250 : vector<16xf32> to vector<16xi32>
        %convert_element_type3A_263 = arith.fptosi %mul3A_256 : vector<16xf32> to vector<16xi32>
        %convert_element_type3A_264 = arith.fptosi %mul3A_262 : vector<16xf32> to vector<16xi32>
        %convert_element_type3A_265 = arith.sitofp %convert_element_type3A : vector<16xi32> to vector<16xf32>
        %sub3A = arith.subf %mul3A_250, %convert_element_type3A_265 : vector<16xf32>
        %convert_element_type3A_266 = arith.sitofp %convert_element_type3A_263 : vector<16xi32> to vector<16xf32>
        %sub3A_267 = arith.subf %mul3A_256, %convert_element_type3A_266 : vector<16xf32>
        %convert_element_type3A_268 = arith.sitofp %convert_element_type3A_264 : vector<16xi32> to vector<16xf32>
        %sub3A_269 = arith.subf %mul3A_262, %convert_element_type3A_268 : vector<16xf32>
        %mul3A_270 = arith.constant 73856093 : i32
        %mul3A_271 = vector.broadcast %mul3A_270 : i32 to vector<16xi32>
        %mul3A_272 = arith.muli %convert_element_type3A, %mul3A_271 : vector<16xi32>
        %mul3A_273 = arith.constant 73856093 : i32
        %mul3A_274 = vector.broadcast %mul3A_273 : i32 to vector<16xi32>
        %mul3A_275 = arith.muli %convert_element_type3A, %mul3A_274 : vector<16xi32>
        %add3A_276 = arith.constant 73856093 : i32
        %add3A_277 = vector.broadcast %add3A_276 : i32 to vector<16xi32>
        %add3A_278 = arith.addi %mul3A_275, %add3A_277 : vector<16xi32>
        %mul3A_279 = arith.constant 19349663 : i32
        %mul3A_280 = vector.broadcast %mul3A_279 : i32 to vector<16xi32>
        %mul3A_281 = arith.muli %convert_element_type3A_263, %mul3A_280 : vector<16xi32>
        %mul3A_282 = arith.constant 19349663 : i32
        %mul3A_283 = vector.broadcast %mul3A_282 : i32 to vector<16xi32>
        %mul3A_284 = arith.muli %convert_element_type3A_263, %mul3A_283 : vector<16xi32>
        %add3A_285 = arith.constant 19349663 : i32
        %add3A_286 = vector.broadcast %add3A_285 : i32 to vector<16xi32>
        %add3A_287 = arith.addi %mul3A_284, %add3A_286 : vector<16xi32>
        %mul3A_288 = arith.constant 83492791 : i32
        %mul3A_289 = vector.broadcast %mul3A_288 : i32 to vector<16xi32>
        %mul3A_290 = arith.muli %convert_element_type3A_264, %mul3A_289 : vector<16xi32>
        %mul3A_291 = arith.constant 83492791 : i32
        %mul3A_292 = vector.broadcast %mul3A_291 : i32 to vector<16xi32>
        %mul3A_293 = arith.muli %convert_element_type3A_264, %mul3A_292 : vector<16xi32>
        %add3A_294 = arith.constant 83492791 : i32
        %add3A_295 = vector.broadcast %add3A_294 : i32 to vector<16xi32>
        %add3A_296 = arith.addi %mul3A_293, %add3A_295 : vector<16xi32>
        %sub3A_297 = arith.constant 1.000000e+00 : f32
        %sub3A_298 = vector.broadcast %sub3A_297 : f32 to vector<16xf32>
        %sub3A_299 = arith.subf %sub3A_298, %sub3A : vector<16xf32>
        %sub3A_300 = arith.constant 1.000000e+00 : f32
        %sub3A_301 = vector.broadcast %sub3A_300 : f32 to vector<16xf32>
        %sub3A_302 = arith.subf %sub3A_301, %sub3A_267 : vector<16xf32>
        %sub3A_303 = arith.constant 1.000000e+00 : f32
        %sub3A_304 = vector.broadcast %sub3A_303 : f32 to vector<16xf32>
        %sub3A_305 = arith.subf %sub3A_304, %sub3A_269 : vector<16xf32>
        %iota3A = tpu.iota {dimensions = array<i32: 0>} : vector<16xi32>
        %add3A_306 = vector.broadcast %mul3A_233 : i32 to vector<16xi32>
        %add3A_307 = arith.addi %add3A_306, %iota3A : vector<16xi32>
        %xor3A = arith.xori %mul3A_272, %mul3A_281 : vector<16xi32>
        %xor3A_308 = arith.xori %xor3A, %mul3A_290 : vector<16xi32>
        %and3A = arith.constant 524287 : i32
        %and3A_309 = vector.broadcast %and3A : i32 to vector<16xi32>
        %and3A_310 = arith.andi %xor3A_308, %and3A_309 : vector<16xi32>
        %swap3A = arith.constant 0 : i32
        %swap3A_311 = arith.index_cast %swap3A : i32 to index
        %swap3A_312 = arith.index_cast %mul3A_233 : i32 to index
        %swap3A_313 = tpu.vector_load %arg8[%swap3A_311, %swap3A_312] {strides = array<i32>} : memref<8x128xi32, #tpu.memory_space<vmem>>, vector<16xi32>,
        tpu.vector_store %arg8[%swap3A_311, %swap3A_312], %and3A_310 {strides = array<i32>} : memref<8x128xi32, #tpu.memory_space<vmem>>, vector<16xi32>,
        %broadcast_in_dim3A = arith.constant 0 : i32
        %broadcast_in_dim3A_314 = vector.broadcast %broadcast_in_dim3A : i32 to vector<16xi32>
        %mul3A_315 = arith.mulf %sub3A_299, %sub3A_302 : vector<16xf32>
        %mul3A_316 = arith.mulf %mul3A_315, %sub3A_305 : vector<16xf32>
        tpu.vector_store_idx %arg9[%add3A_307, %broadcast_in_dim3A_314], %mul3A_316 : memref<128x16xf32, #tpu.memory_space<vmem>>[vector<16xi32>, vector<16xi32>], vector<16xf32>,
        %xor3A_317 = arith.xori %add3A_278, %mul3A_281 : vector<16xi32>
        %xor3A_318 = arith.xori %xor3A_317, %mul3A_290 : vector<16xi32>
        %and3A_319 = arith.constant 524287 : i32
        %and3A_320 = vector.broadcast %and3A_319 : i32 to vector<16xi32>
        %and3A_321 = arith.andi %xor3A_318, %and3A_320 : vector<16xi32>
        %swap3A_322 = arith.constant 1 : i32
        %swap3A_323 = arith.index_cast %swap3A_322 : i32 to index
        %swap3A_324 = arith.index_cast %mul3A_233 : i32 to index
        %swap3A_325 = tpu.vector_load %arg8[%swap3A_323, %swap3A_324] {strides = array<i32>} : memref<8x128xi32, #tpu.memory_space<vmem>>, vector<16xi32>,
        tpu.vector_store %arg8[%swap3A_323, %swap3A_324], %and3A_321 {strides = array<i32>} : memref<8x128xi32, #tpu.memory_space<vmem>>, vector<16xi32>,
        %broadcast_in_dim3A_326 = arith.constant 1 : i32
        %broadcast_in_dim3A_327 = vector.broadcast %broadcast_in_dim3A_326 : i32 to vector<16xi32>
        %mul3A_328 = arith.mulf %sub3A, %sub3A_302 : vector<16xf32>
        %mul3A_329 = arith.mulf %mul3A_328, %sub3A_305 : vector<16xf32>
        tpu.vector_store_idx %arg9[%add3A_307, %broadcast_in_dim3A_327], %mul3A_329 : memref<128x16xf32, #tpu.memory_space<vmem>>[vector<16xi32>, vector<16xi32>], vector<16xf32>,
        %xor3A_330 = arith.xori %mul3A_272, %add3A_287 : vector<16xi32>
        %xor3A_331 = arith.xori %xor3A_330, %mul3A_290 : vector<16xi32>
        %and3A_332 = arith.constant 524287 : i32
        %and3A_333 = vector.broadcast %and3A_332 : i32 to vector<16xi32>
        %and3A_334 = arith.andi %xor3A_331, %and3A_333 : vector<16xi32>
        %swap3A_335 = arith.constant 2 : i32
        %swap3A_336 = arith.index_cast %swap3A_335 : i32 to index
        %swap3A_337 = arith.index_cast %mul3A_233 : i32 to index
        %swap3A_338 = tpu.vector_load %arg8[%swap3A_336, %swap3A_337] {strides = array<i32>} : memref<8x128xi32, #tpu.memory_space<vmem>>, vector<16xi32>,
        tpu.vector_store %arg8[%swap3A_336, %swap3A_337], %and3A_334 {strides = array<i32>} : memref<8x128xi32, #tpu.memory_space<vmem>>, vector<16xi32>,
        %broadcast_in_dim3A_339 = arith.constant 2 : i32
        %broadcast_in_dim3A_340 = vector.broadcast %broadcast_in_dim3A_339 : i32 to vector<16xi32>
        %mul3A_341 = arith.mulf %sub3A_299, %sub3A_267 : vector<16xf32>
        %mul3A_342 = arith.mulf %mul3A_341, %sub3A_305 : vector<16xf32>
        tpu.vector_store_idx %arg9[%add3A_307, %broadcast_in_dim3A_340], %mul3A_342 : memref<128x16xf32, #tpu.memory_space<vmem>>[vector<16xi32>, vector<16xi32>], vector<16xf32>,
        %xor3A_343 = arith.xori %add3A_278, %add3A_287 : vector<16xi32>
        %xor3A_344 = arith.xori %xor3A_343, %mul3A_290 : vector<16xi32>
        %and3A_345 = arith.constant 524287 : i32
        %and3A_346 = vector.broadcast %and3A_345 : i32 to vector<16xi32>
        %and3A_347 = arith.andi %xor3A_344, %and3A_346 : vector<16xi32>
        %swap3A_348 = arith.constant 3 : i32
        %swap3A_349 = arith.index_cast %swap3A_348 : i32 to index
        %swap3A_350 = arith.index_cast %mul3A_233 : i32 to index
        %swap3A_351 = tpu.vector_load %arg8[%swap3A_349, %swap3A_350] {strides = array<i32>} : memref<8x128xi32, #tpu.memory_space<vmem>>, vector<16xi32>,
        tpu.vector_store %arg8[%swap3A_349, %swap3A_350], %and3A_347 {strides = array<i32>} : memref<8x128xi32, #tpu.memory_space<vmem>>, vector<16xi32>,
        %broadcast_in_dim3A_352 = arith.constant 3 : i32
        %broadcast_in_dim3A_353 = vector.broadcast %broadcast_in_dim3A_352 : i32 to vector<16xi32>
        %mul3A_354 = arith.mulf %sub3A, %sub3A_267 : vector<16xf32>
        %mul3A_355 = arith.mulf %mul3A_354, %sub3A_305 : vector<16xf32>
        tpu.vector_store_idx %arg9[%add3A_307, %broadcast_in_dim3A_353], %mul3A_355 : memref<128x16xf32, #tpu.memory_space<vmem>>[vector<16xi32>, vector<16xi32>], vector<16xf32>,
        %xor3A_356 = arith.xori %mul3A_272, %mul3A_281 : vector<16xi32>
        %xor3A_357 = arith.xori %xor3A_356, %add3A_296 : vector<16xi32>
        %and3A_358 = arith.constant 524287 : i32
        %and3A_359 = vector.broadcast %and3A_358 : i32 to vector<16xi32>
        %and3A_360 = arith.andi %xor3A_357, %and3A_359 : vector<16xi32>
        %swap3A_361 = arith.constant 4 : i32
        %swap3A_362 = arith.index_cast %swap3A_361 : i32 to index
        %swap3A_363 = arith.index_cast %mul3A_233 : i32 to index
        %swap3A_364 = tpu.vector_load %arg8[%swap3A_362, %swap3A_363] {strides = array<i32>} : memref<8x128xi32, #tpu.memory_space<vmem>>, vector<16xi32>,
        tpu.vector_store %arg8[%swap3A_362, %swap3A_363], %and3A_360 {strides = array<i32>} : memref<8x128xi32, #tpu.memory_space<vmem>>, vector<16xi32>,
        %broadcast_in_dim3A_365 = arith.constant 4 : i32
        %broadcast_in_dim3A_366 = vector.broadcast %broadcast_in_dim3A_365 : i32 to vector<16xi32>
        %mul3A_367 = arith.mulf %sub3A_299, %sub3A_302 : vector<16xf32>
        %mul3A_368 = arith.mulf %mul3A_367, %sub3A_269 : vector<16xf32>
        tpu.vector_store_idx %arg9[%add3A_307, %broadcast_in_dim3A_366], %mul3A_368 : memref<128x16xf32, #tpu.memory_space<vmem>>[vector<16xi32>, vector<16xi32>], vector<16xf32>,
        %xor3A_369 = arith.xori %add3A_278, %mul3A_281 : vector<16xi32>
        %xor3A_370 = arith.xori %xor3A_369, %add3A_296 : vector<16xi32>
        %and3A_371 = arith.constant 524287 : i32
        %and3A_372 = vector.broadcast %and3A_371 : i32 to vector<16xi32>
        %and3A_373 = arith.andi %xor3A_370, %and3A_372 : vector<16xi32>
        %swap3A_374 = arith.constant 5 : i32
        %swap3A_375 = arith.index_cast %swap3A_374 : i32 to index
        %swap3A_376 = arith.index_cast %mul3A_233 : i32 to index
        %swap3A_377 = tpu.vector_load %arg8[%swap3A_375, %swap3A_376] {strides = array<i32>} : memref<8x128xi32, #tpu.memory_space<vmem>>, vector<16xi32>,
        tpu.vector_store %arg8[%swap3A_375, %swap3A_376], %and3A_373 {strides = array<i32>} : memref<8x128xi32, #tpu.memory_space<vmem>>, vector<16xi32>,
        %broadcast_in_dim3A_378 = arith.constant 5 : i32
        %broadcast_in_dim3A_379 = vector.broadcast %broadcast_in_dim3A_378 : i32 to vector<16xi32>
        %mul3A_380 = arith.mulf %sub3A, %sub3A_302 : vector<16xf32>
        %mul3A_381 = arith.mulf %mul3A_380, %sub3A_269 : vector<16xf32>
        tpu.vector_store_idx %arg9[%add3A_307, %broadcast_in_dim3A_379], %mul3A_381 : memref<128x16xf32, #tpu.memory_space<vmem>>[vector<16xi32>, vector<16xi32>], vector<16xf32>,
        %xor3A_382 = arith.xori %mul3A_272, %add3A_287 : vector<16xi32>
        %xor3A_383 = arith.xori %xor3A_382, %add3A_296 : vector<16xi32>
        %and3A_384 = arith.constant 524287 : i32
        %and3A_385 = vector.broadcast %and3A_384 : i32 to vector<16xi32>
        %and3A_386 = arith.andi %xor3A_383, %and3A_385 : vector<16xi32>
        %swap3A_387 = arith.constant 6 : i32
        %swap3A_388 = arith.index_cast %swap3A_387 : i32 to index
        %swap3A_389 = arith.index_cast %mul3A_233 : i32 to index
        %swap3A_390 = tpu.vector_load %arg8[%swap3A_388, %swap3A_389] {strides = array<i32>} : memref<8x128xi32, #tpu.memory_space<vmem>>, vector<16xi32>,
        tpu.vector_store %arg8[%swap3A_388, %swap3A_389], %and3A_386 {strides = array<i32>} : memref<8x128xi32, #tpu.memory_space<vmem>>, vector<16xi32>,
        %broadcast_in_dim3A_391 = arith.constant 6 : i32
        %broadcast_in_dim3A_392 = vector.broadcast %broadcast_in_dim3A_391 : i32 to vector<16xi32>
        %mul3A_393 = arith.mulf %sub3A_299, %sub3A_267 : vector<16xf32>
        %mul3A_394 = arith.mulf %mul3A_393, %sub3A_269 : vector<16xf32>
        tpu.vector_store_idx %arg9[%add3A_307, %broadcast_in_dim3A_392], %mul3A_394 : memref<128x16xf32, #tpu.memory_space<vmem>>[vector<16xi32>, vector<16xi32>], vector<16xf32>,
        %xor3A_395 = arith.xori %add3A_278, %add3A_287 : vector<16xi32>
        %xor3A_396 = arith.xori %xor3A_395, %add3A_296 : vector<16xi32>
        %and3A_397 = arith.constant 524287 : i32
        %and3A_398 = vector.broadcast %and3A_397 : i32 to vector<16xi32>
        %and3A_399 = arith.andi %xor3A_396, %and3A_398 : vector<16xi32>
        %swap3A_400 = arith.constant 7 : i32
        %swap3A_401 = arith.index_cast %swap3A_400 : i32 to index
        %swap3A_402 = arith.index_cast %mul3A_233 : i32 to index
        %swap3A_403 = tpu.vector_load %arg8[%swap3A_401, %swap3A_402] {strides = array<i32>} : memref<8x128xi32, #tpu.memory_space<vmem>>, vector<16xi32>,
        tpu.vector_store %arg8[%swap3A_401, %swap3A_402], %and3A_399 {strides = array<i32>} : memref<8x128xi32, #tpu.memory_space<vmem>>, vector<16xi32>,
        %broadcast_in_dim3A_404 = arith.constant 7 : i32
        %broadcast_in_dim3A_405 = vector.broadcast %broadcast_in_dim3A_404 : i32 to vector<16xi32>
        %mul3A_406 = arith.mulf %sub3A, %sub3A_267 : vector<16xf32>
        %mul3A_407 = arith.mulf %mul3A_406, %sub3A_269 : vector<16xf32>
        tpu.vector_store_idx %arg9[%add3A_307, %broadcast_in_dim3A_405], %mul3A_407 : memref<128x16xf32, #tpu.memory_space<vmem>>[vector<16xi32>, vector<16xi32>], vector<16xf32>,
      }
      %while3A_29 = arith.constant 1 : i32
      scf.for %while3A_231 = %while3A_27 to %while3A_23 step %while3A_29  : i32 {
        %mul3A_232 = arith.constant 16 : i32
        %mul3A_233 = arith.muli %while3A_231, %mul3A_232 : i32
        %get3A = arith.constant 0 : i32
        %get3A_234 = arith.index_cast %get3A : i32 to index
        %get3A_235 = arith.index_cast %mul3A_233 : i32 to index
        %get3A_236 = tpu.vector_load %arg7[%get3A_234, %get3A_235] {strides = array<i32>} : memref<3x128xf32, #tpu.memory_space<vmem>>, vector<16xf32>,
        %get3A_237 = arith.constant 1 : i32
        %get3A_238 = arith.index_cast %get3A_237 : i32 to index
        %get3A_239 = arith.index_cast %mul3A_233 : i32 to index
        %get3A_240 = tpu.vector_load %arg7[%get3A_238, %get3A_239] {strides = array<i32>} : memref<3x128xf32, #tpu.memory_space<vmem>>, vector<16xf32>,
        %get3A_241 = arith.constant 2 : i32
        %get3A_242 = arith.index_cast %get3A_241 : i32 to index
        %get3A_243 = arith.index_cast %mul3A_233 : i32 to index
        %get3A_244 = tpu.vector_load %arg7[%get3A_242, %get3A_243] {strides = array<i32>} : memref<3x128xf32, #tpu.memory_space<vmem>>, vector<16xf32>,
        %add3A_245 = arith.constant 1.000000e+00 : f32
        %add3A_246 = vector.broadcast %add3A_245 : f32 to vector<16xf32>
        %add3A_247 = arith.addf %get3A_236, %add3A_246 : vector<16xf32>
        %mul3A_248 = arith.constant 6.400000e+01 : f32
        %mul3A_249 = vector.broadcast %mul3A_248 : f32 to vector<16xf32>
        %mul3A_250 = arith.mulf %add3A_247, %mul3A_249 : vector<16xf32>
        %add3A_251 = arith.constant 1.000000e+00 : f32
        %add3A_252 = vector.broadcast %add3A_251 : f32 to vector<16xf32>
        %add3A_253 = arith.addf %get3A_240, %add3A_252 : vector<16xf32>
        %mul3A_254 = arith.constant 6.400000e+01 : f32
        %mul3A_255 = vector.broadcast %mul3A_254 : f32 to vector<16xf32>
        %mul3A_256 = arith.mulf %add3A_253, %mul3A_255 : vector<16xf32>
        %add3A_257 = arith.constant 1.000000e+00 : f32
        %add3A_258 = vector.broadcast %add3A_257 : f32 to vector<16xf32>
        %add3A_259 = arith.addf %get3A_244, %add3A_258 : vector<16xf32>
        %mul3A_260 = arith.constant 6.400000e+01 : f32
        %mul3A_261 = vector.broadcast %mul3A_260 : f32 to vector<16xf32>
        %mul3A_262 = arith.mulf %add3A_259, %mul3A_261 : vector<16xf32>
        %convert_element_type3A = arith.fptosi %mul3A_250 : vector<16xf32> to vector<16xi32>
        %convert_element_type3A_263 = arith.fptosi %mul3A_256 : vector<16xf32> to vector<16xi32>
        %convert_element_type3A_264 = arith.fptosi %mul3A_262 : vector<16xf32> to vector<16xi32>
        %convert_element_type3A_265 = arith.sitofp %convert_element_type3A : vector<16xi32> to vector<16xf32>
        %sub3A = arith.subf %mul3A_250, %convert_element_type3A_265 : vector<16xf32>
        %convert_element_type3A_266 = arith.sitofp %convert_element_type3A_263 : vector<16xi32> to vector<16xf32>
        %sub3A_267 = arith.subf %mul3A_256, %convert_element_type3A_266 : vector<16xf32>
        %convert_element_type3A_268 = arith.sitofp %convert_element_type3A_264 : vector<16xi32> to vector<16xf32>
        %sub3A_269 = arith.subf %mul3A_262, %convert_element_type3A_268 : vector<16xf32>
        %mul3A_270 = arith.constant 73856093 : i32
        %mul3A_271 = vector.broadcast %mul3A_270 : i32 to vector<16xi32>
        %mul3A_272 = arith.muli %convert_element_type3A, %mul3A_271 : vector<16xi32>
        %mul3A_273 = arith.constant 73856093 : i32
        %mul3A_274 = vector.broadcast %mul3A_273 : i32 to vector<16xi32>
        %mul3A_275 = arith.muli %convert_element_type3A, %mul3A_274 : vector<16xi32>
        %add3A_276 = arith.constant 73856093 : i32
        %add3A_277 = vector.broadcast %add3A_276 : i32 to vector<16xi32>
        %add3A_278 = arith.addi %mul3A_275, %add3A_277 : vector<16xi32>
        %mul3A_279 = arith.constant 19349663 : i32
        %mul3A_280 = vector.broadcast %mul3A_279 : i32 to vector<16xi32>
        %mul3A_281 = arith.muli %convert_element_type3A_263, %mul3A_280 : vector<16xi32>
        %mul3A_282 = arith.constant 19349663 : i32
        %mul3A_283 = vector.broadcast %mul3A_282 : i32 to vector<16xi32>
        %mul3A_284 = arith.muli %convert_element_type3A_263, %mul3A_283 : vector<16xi32>
        %add3A_285 = arith.constant 19349663 : i32
        %add3A_286 = vector.broadcast %add3A_285 : i32 to vector<16xi32>
        %add3A_287 = arith.addi %mul3A_284, %add3A_286 : vector<16xi32>
        %mul3A_288 = arith.constant 83492791 : i32
        %mul3A_289 = vector.broadcast %mul3A_288 : i32 to vector<16xi32>
        %mul3A_290 = arith.muli %convert_element_type3A_264, %mul3A_289 : vector<16xi32>
        %mul3A_291 = arith.constant 83492791 : i32
        %mul3A_292 = vector.broadcast %mul3A_291 : i32 to vector<16xi32>
        %mul3A_293 = arith.muli %convert_element_type3A_264, %mul3A_292 : vector<16xi32>
        %add3A_294 = arith.constant 83492791 : i32
        %add3A_295 = vector.broadcast %add3A_294 : i32 to vector<16xi32>
        %add3A_296 = arith.addi %mul3A_293, %add3A_295 : vector<16xi32>
        %sub3A_297 = arith.constant 1.000000e+00 : f32
        %sub3A_298 = vector.broadcast %sub3A_297 : f32 to vector<16xf32>
        %sub3A_299 = arith.subf %sub3A_298, %sub3A : vector<16xf32>
        %sub3A_300 = arith.constant 1.000000e+00 : f32
        %sub3A_301 = vector.broadcast %sub3A_300 : f32 to vector<16xf32>
        %sub3A_302 = arith.subf %sub3A_301, %sub3A_267 : vector<16xf32>
        %sub3A_303 = arith.constant 1.000000e+00 : f32
        %sub3A_304 = vector.broadcast %sub3A_303 : f32 to vector<16xf32>
        %sub3A_305 = arith.subf %sub3A_304, %sub3A_269 : vector<16xf32>
        %iota3A = tpu.iota {dimensions = array<i32: 0>} : vector<16xi32>
        %add3A_306 = vector.broadcast %mul3A_233 : i32 to vector<16xi32>
        %add3A_307 = arith.addi %add3A_306, %iota3A : vector<16xi32>
        %xor3A = arith.xori %mul3A_272, %mul3A_281 : vector<16xi32>
        %xor3A_308 = arith.xori %xor3A, %mul3A_290 : vector<16xi32>
        %and3A = arith.constant 524287 : i32
        %and3A_309 = vector.broadcast %and3A : i32 to vector<16xi32>
        %and3A_310 = arith.andi %xor3A_308, %and3A_309 : vector<16xi32>
        %swap3A = arith.constant 0 : i32
        %swap3A_311 = arith.index_cast %swap3A : i32 to index
        %swap3A_312 = arith.index_cast %mul3A_233 : i32 to index
        %swap3A_313 = tpu.vector_load %arg8[%swap3A_311, %swap3A_312] {strides = array<i32>} : memref<8x128xi32, #tpu.memory_space<vmem>>, vector<16xi32>,
        tpu.vector_store %arg8[%swap3A_311, %swap3A_312], %and3A_310 {strides = array<i32>} : memref<8x128xi32, #tpu.memory_space<vmem>>, vector<16xi32>,
        %broadcast_in_dim3A = arith.constant 0 : i32
        %broadcast_in_dim3A_314 = vector.broadcast %broadcast_in_dim3A : i32 to vector<16xi32>
        %mul3A_315 = arith.mulf %sub3A_299, %sub3A_302 : vector<16xf32>
        %mul3A_316 = arith.mulf %mul3A_315, %sub3A_305 : vector<16xf32>
        tpu.vector_store_idx %arg9[%add3A_307, %broadcast_in_dim3A_314], %mul3A_316 : memref<128x16xf32, #tpu.memory_space<vmem>>[vector<16xi32>, vector<16xi32>], vector<16xf32>,
        %xor3A_317 = arith.xori %add3A_278, %mul3A_281 : vector<16xi32>
        %xor3A_318 = arith.xori %xor3A_317, %mul3A_290 : vector<16xi32>
        %and3A_319 = arith.constant 524287 : i32
        %and3A_320 = vector.broadcast %and3A_319 : i32 to vector<16xi32>
        %and3A_321 = arith.andi %xor3A_318, %and3A_320 : vector<16xi32>
        %swap3A_322 = arith.constant 1 : i32
        %swap3A_323 = arith.index_cast %swap3A_322 : i32 to index
        %swap3A_324 = arith.index_cast %mul3A_233 : i32 to index
        %swap3A_325 = tpu.vector_load %arg8[%swap3A_323, %swap3A_324] {strides = array<i32>} : memref<8x128xi32, #tpu.memory_space<vmem>>, vector<16xi32>,
        tpu.vector_store %arg8[%swap3A_323, %swap3A_324], %and3A_321 {strides = array<i32>} : memref<8x128xi32, #tpu.memory_space<vmem>>, vector<16xi32>,
        %broadcast_in_dim3A_326 = arith.constant 1 : i32
        %broadcast_in_dim3A_327 = vector.broadcast %broadcast_in_dim3A_326 : i32 to vector<16xi32>
        %mul3A_328 = arith.mulf %sub3A, %sub3A_302 : vector<16xf32>
        %mul3A_329 = arith.mulf %mul3A_328, %sub3A_305 : vector<16xf32>
        tpu.vector_store_idx %arg9[%add3A_307, %broadcast_in_dim3A_327], %mul3A_329 : memref<128x16xf32, #tpu.memory_space<vmem>>[vector<16xi32>, vector<16xi32>], vector<16xf32>,
        %xor3A_330 = arith.xori %mul3A_272, %add3A_287 : vector<16xi32>
        %xor3A_331 = arith.xori %xor3A_330, %mul3A_290 : vector<16xi32>
        %and3A_332 = arith.constant 524287 : i32
        %and3A_333 = vector.broadcast %and3A_332 : i32 to vector<16xi32>
        %and3A_334 = arith.andi %xor3A_331, %and3A_333 : vector<16xi32>
        %swap3A_335 = arith.constant 2 : i32
        %swap3A_336 = arith.index_cast %swap3A_335 : i32 to index
        %swap3A_337 = arith.index_cast %mul3A_233 : i32 to index
        %swap3A_338 = tpu.vector_load %arg8[%swap3A_336, %swap3A_337] {strides = array<i32>} : memref<8x128xi32, #tpu.memory_space<vmem>>, vector<16xi32>,
        tpu.vector_store %arg8[%swap3A_336, %swap3A_337], %and3A_334 {strides = array<i32>} : memref<8x128xi32, #tpu.memory_space<vmem>>, vector<16xi32>,
        %broadcast_in_dim3A_339 = arith.constant 2 : i32
        %broadcast_in_dim3A_340 = vector.broadcast %broadcast_in_dim3A_339 : i32 to vector<16xi32>
        %mul3A_341 = arith.mulf %sub3A_299, %sub3A_267 : vector<16xf32>
        %mul3A_342 = arith.mulf %mul3A_341, %sub3A_305 : vector<16xf32>
        tpu.vector_store_idx %arg9[%add3A_307, %broadcast_in_dim3A_340], %mul3A_342 : memref<128x16xf32, #tpu.memory_space<vmem>>[vector<16xi32>, vector<16xi32>], vector<16xf32>,
        %xor3A_343 = arith.xori %add3A_278, %add3A_287 : vector<16xi32>
        %xor3A_344 = arith.xori %xor3A_343, %mul3A_290 : vector<16xi32>
        %and3A_345 = arith.constant 524287 : i32
        %and3A_346 = vector.broadcast %and3A_345 : i32 to vector<16xi32>
        %and3A_347 = arith.andi %xor3A_344, %and3A_346 : vector<16xi32>
        %swap3A_348 = arith.constant 3 : i32
        %swap3A_349 = arith.index_cast %swap3A_348 : i32 to index
        %swap3A_350 = arith.index_cast %mul3A_233 : i32 to index
        %swap3A_351 = tpu.vector_load %arg8[%swap3A_349, %swap3A_350] {strides = array<i32>} : memref<8x128xi32, #tpu.memory_space<vmem>>, vector<16xi32>,
        tpu.vector_store %arg8[%swap3A_349, %swap3A_350], %and3A_347 {strides = array<i32>} : memref<8x128xi32, #tpu.memory_space<vmem>>, vector<16xi32>,
        %broadcast_in_dim3A_352 = arith.constant 3 : i32
        %broadcast_in_dim3A_353 = vector.broadcast %broadcast_in_dim3A_352 : i32 to vector<16xi32>
        %mul3A_354 = arith.mulf %sub3A, %sub3A_267 : vector<16xf32>
        %mul3A_355 = arith.mulf %mul3A_354, %sub3A_305 : vector<16xf32>
        tpu.vector_store_idx %arg9[%add3A_307, %broadcast_in_dim3A_353], %mul3A_355 : memref<128x16xf32, #tpu.memory_space<vmem>>[vector<16xi32>, vector<16xi32>], vector<16xf32>,
        %xor3A_356 = arith.xori %mul3A_272, %mul3A_281 : vector<16xi32>
        %xor3A_357 = arith.xori %xor3A_356, %add3A_296 : vector<16xi32>
        %and3A_358 = arith.constant 524287 : i32
        %and3A_359 = vector.broadcast %and3A_358 : i32 to vector<16xi32>
        %and3A_360 = arith.andi %xor3A_357, %and3A_359 : vector<16xi32>
        %swap3A_361 = arith.constant 4 : i32
        %swap3A_362 = arith.index_cast %swap3A_361 : i32 to index
        %swap3A_363 = arith.index_cast %mul3A_233 : i32 to index
        %swap3A_364 = tpu.vector_load %arg8[%swap3A_362, %swap3A_363] {strides = array<i32>} : memref<8x128xi32, #tpu.memory_space<vmem>>, vector<16xi32>,
        tpu.vector_store %arg8[%swap3A_362, %swap3A_363], %and3A_360 {strides = array<i32>} : memref<8x128xi32, #tpu.memory_space<vmem>>, vector<16xi32>,
        %broadcast_in_dim3A_365 = arith.constant 4 : i32
        %broadcast_in_dim3A_366 = vector.broadcast %broadcast_in_dim3A_365 : i32 to vector<16xi32>
        %mul3A_367 = arith.mulf %sub3A_299, %sub3A_302 : vector<16xf32>
        %mul3A_368 = arith.mulf %mul3A_367, %sub3A_269 : vector<16xf32>
        tpu.vector_store_idx %arg9[%add3A_307, %broadcast_in_dim3A_366], %mul3A_368 : memref<128x16xf32, #tpu.memory_space<vmem>>[vector<16xi32>, vector<16xi32>], vector<16xf32>,
        %xor3A_369 = arith.xori %add3A_278, %mul3A_281 : vector<16xi32>
        %xor3A_370 = arith.xori %xor3A_369, %add3A_296 : vector<16xi32>
        %and3A_371 = arith.constant 524287 : i32
        %and3A_372 = vector.broadcast %and3A_371 : i32 to vector<16xi32>
        %and3A_373 = arith.andi %xor3A_370, %and3A_372 : vector<16xi32>
        %swap3A_374 = arith.constant 5 : i32
        %swap3A_375 = arith.index_cast %swap3A_374 : i32 to index
        %swap3A_376 = arith.index_cast %mul3A_233 : i32 to index
        %swap3A_377 = tpu.vector_load %arg8[%swap3A_375, %swap3A_376] {strides = array<i32>} : memref<8x128xi32, #tpu.memory_space<vmem>>, vector<16xi32>,
        tpu.vector_store %arg8[%swap3A_375, %swap3A_376], %and3A_373 {strides = array<i32>} : memref<8x128xi32, #tpu.memory_space<vmem>>, vector<16xi32>,
        %broadcast_in_dim3A_378 = arith.constant 5 : i32
        %broadcast_in_dim3A_379 = vector.broadcast %broadcast_in_dim3A_378 : i32 to vector<16xi32>
        %mul3A_380 = arith.mulf %sub3A, %sub3A_302 : vector<16xf32>
        %mul3A_381 = arith.mulf %mul3A_380, %sub3A_269 : vector<16xf32>
        tpu.vector_store_idx %arg9[%add3A_307, %broadcast_in_dim3A_379], %mul3A_381 : memref<128x16xf32, #tpu.memory_space<vmem>>[vector<16xi32>, vector<16xi32>], vector<16xf32>,
        %xor3A_382 = arith.xori %mul3A_272, %add3A_287 : vector<16xi32>
        %xor3A_383 = arith.xori %xor3A_382, %add3A_296 : vector<16xi32>
        %and3A_384 = arith.constant 524287 : i32
        %and3A_385 = vector.broadcast %and3A_384 : i32 to vector<16xi32>
        %and3A_386 = arith.andi %xor3A_383, %and3A_385 : vector<16xi32>
        %swap3A_387 = arith.constant 6 : i32
        %swap3A_388 = arith.index_cast %swap3A_387 : i32 to index
        %swap3A_389 = arith.index_cast %mul3A_233 : i32 to index
        %swap3A_390 = tpu.vector_load %arg8[%swap3A_388, %swap3A_389] {strides = array<i32>} : memref<8x128xi32, #tpu.memory_space<vmem>>, vector<16xi32>,
        tpu.vector_store %arg8[%swap3A_388, %swap3A_389], %and3A_386 {strides = array<i32>} : memref<8x128xi32, #tpu.memory_space<vmem>>, vector<16xi32>,
        %broadcast_in_dim3A_391 = arith.constant 6 : i32
        %broadcast_in_dim3A_392 = vector.broadcast %broadcast_in_dim3A_391 : i32 to vector<16xi32>
        %mul3A_393 = arith.mulf %sub3A_299, %sub3A_267 : vector<16xf32>
        %mul3A_394 = arith.mulf %mul3A_393, %sub3A_269 : vector<16xf32>
        tpu.vector_store_idx %arg9[%add3A_307, %broadcast_in_dim3A_392], %mul3A_394 : memref<128x16xf32, #tpu.memory_space<vmem>>[vector<16xi32>, vector<16xi32>], vector<16xf32>,
        %xor3A_395 = arith.xori %add3A_278, %add3A_287 : vector<16xi32>
        %xor3A_396 = arith.xori %xor3A_395, %add3A_296 : vector<16xi32>
        %and3A_397 = arith.constant 524287 : i32
        %and3A_398 = vector.broadcast %and3A_397 : i32 to vector<16xi32>
        %and3A_399 = arith.andi %xor3A_396, %and3A_398 : vector<16xi32>
        %swap3A_400 = arith.constant 7 : i32
        %swap3A_401 = arith.index_cast %swap3A_400 : i32 to index
        %swap3A_402 = arith.index_cast %mul3A_233 : i32 to index
        %swap3A_403 = tpu.vector_load %arg8[%swap3A_401, %swap3A_402] {strides = array<i32>} : memref<8x128xi32, #tpu.memory_space<vmem>>, vector<16xi32>,
        tpu.vector_store %arg8[%swap3A_401, %swap3A_402], %and3A_399 {strides = array<i32>} : memref<8x128xi32, #tpu.memory_space<vmem>>, vector<16xi32>,
        %broadcast_in_dim3A_404 = arith.constant 7 : i32
        %broadcast_in_dim3A_405 = vector.broadcast %broadcast_in_dim3A_404 : i32 to vector<16xi32>
        %mul3A_406 = arith.mulf %sub3A, %sub3A_267 : vector<16xf32>
        %mul3A_407 = arith.mulf %mul3A_406, %sub3A_269 : vector<16xf32>
        tpu.vector_store_idx %arg9[%add3A_307, %broadcast_in_dim3A_405], %mul3A_407 : memref<128x16xf32, #tpu.memory_space<vmem>>[vector<16xi32>, vector<16xi32>], vector<16xf32>,
      }
      %dma_start3A = arith.constant 0 : i32
      %dma_start3A_30 = arith.constant 0 : i32
      %dma_start3A_31 = arith.constant 0 : i32
      %dma_start3A_32 = arith.constant 0 : i32
      %dma_start3A_33 = tpu.memref_slice %arg10[%dma_start3A_30, %dma_start3A_31, %dma_start3A_32] : memref<8x128x64xf32, #tpu.memory_space<vmem>> -> memref<1x128x64xf32, #tpu.memory_space<vmem>>
      %dma_start3A_34 = tpu.memref_squeeze %dma_start3A_33 : memref<1x128x64xf32, #tpu.memory_space<vmem>> -> memref<128x64xf32, #tpu.memory_space<vmem>>
      %dma_start3A_35 = arith.constant 0 : i32
      %dma_start3A_36 = tpu.memref_slice %arg8[%dma_start3A, %dma_start3A_35] : memref<8x128xi32, #tpu.memory_space<vmem>> -> memref<1x128xi32, #tpu.memory_space<vmem>>
      %dma_start3A_37 = tpu.memref_squeeze %dma_start3A_36 : memref<1x128xi32, #tpu.memory_space<vmem>> -> memref<128xi32, #tpu.memory_space<vmem>>
      %dma_start3A_38 = arith.constant 0 : i32
      %dma_start3A_39 = arith.constant 0 : i32
      %dma_start3A_40 = tpu.memref_slice %arg5[%dma_start3A_38, %dma_start3A_39] : memref<524288x64xf32, #tpu.memory_space<hbm>> -> memref<524288x64xf32, #tpu.memory_space<hbm>>
      tpu.enqueue_indirect_dma source(%dma_start3A_40 : memref<524288x64xf32, #tpu.memory_space<hbm>>) target(%dma_start3A_34 : memref<128x64xf32, #tpu.memory_space<vmem>>) offsets(%dma_start3A_37 : memref<128xi32, #tpu.memory_space<vmem>>) semaphore(%arg12 : memref<!tpu.dma_semaphore, #tpu.memory_space<semaphore_mem>>)
      %dma_start3A_41 = arith.constant 1 : i32
      %dma_start3A_42 = arith.constant 1 : i32
      %dma_start3A_43 = arith.constant 0 : i32
      %dma_start3A_44 = arith.constant 0 : i32
      %dma_start3A_45 = tpu.memref_slice %arg10[%dma_start3A_42, %dma_start3A_43, %dma_start3A_44] : memref<8x128x64xf32, #tpu.memory_space<vmem>> -> memref<1x128x64xf32, #tpu.memory_space<vmem>>
      %dma_start3A_46 = tpu.memref_squeeze %dma_start3A_45 : memref<1x128x64xf32, #tpu.memory_space<vmem>> -> memref<128x64xf32, #tpu.memory_space<vmem>>
      %dma_start3A_47 = arith.constant 0 : i32
      %dma_start3A_48 = tpu.memref_slice %arg8[%dma_start3A_41, %dma_start3A_47] : memref<8x128xi32, #tpu.memory_space<vmem>> -> memref<1x128xi32, #tpu.memory_space<vmem>>
      %dma_start3A_49 = tpu.memref_squeeze %dma_start3A_48 : memref<1x128xi32, #tpu.memory_space<vmem>> -> memref<128xi32, #tpu.memory_space<vmem>>
      %dma_start3A_50 = arith.constant 0 : i32
      %dma_start3A_51 = arith.constant 0 : i32
      %dma_start3A_52 = tpu.memref_slice %arg5[%dma_start3A_50, %dma_start3A_51] : memref<524288x64xf32, #tpu.memory_space<hbm>> -> memref<524288x64xf32, #tpu.memory_space<hbm>>
      tpu.enqueue_indirect_dma source(%dma_start3A_52 : memref<524288x64xf32, #tpu.memory_space<hbm>>) target(%dma_start3A_46 : memref<128x64xf32, #tpu.memory_space<vmem>>) offsets(%dma_start3A_49 : memref<128xi32, #tpu.memory_space<vmem>>) semaphore(%arg12 : memref<!tpu.dma_semaphore, #tpu.memory_space<semaphore_mem>>)
      %dma_start3A_53 = arith.constant 2 : i32
      %dma_start3A_54 = arith.constant 2 : i32
      %dma_start3A_55 = arith.constant 0 : i32
      %dma_start3A_56 = arith.constant 0 : i32
      %dma_start3A_57 = tpu.memref_slice %arg10[%dma_start3A_54, %dma_start3A_55, %dma_start3A_56] : memref<8x128x64xf32, #tpu.memory_space<vmem>> -> memref<1x128x64xf32, #tpu.memory_space<vmem>>
      %dma_start3A_58 = tpu.memref_squeeze %dma_start3A_57 : memref<1x128x64xf32, #tpu.memory_space<vmem>> -> memref<128x64xf32, #tpu.memory_space<vmem>>
      %dma_start3A_59 = arith.constant 0 : i32
      %dma_start3A_60 = tpu.memref_slice %arg8[%dma_start3A_53, %dma_start3A_59] : memref<8x128xi32, #tpu.memory_space<vmem>> -> memref<1x128xi32, #tpu.memory_space<vmem>>
      %dma_start3A_61 = tpu.memref_squeeze %dma_start3A_60 : memref<1x128xi32, #tpu.memory_space<vmem>> -> memref<128xi32, #tpu.memory_space<vmem>>
      %dma_start3A_62 = arith.constant 0 : i32
      %dma_start3A_63 = arith.constant 0 : i32
      %dma_start3A_64 = tpu.memref_slice %arg5[%dma_start3A_62, %dma_start3A_63] : memref<524288x64xf32, #tpu.memory_space<hbm>> -> memref<524288x64xf32, #tpu.memory_space<hbm>>
      tpu.enqueue_indirect_dma source(%dma_start3A_64 : memref<524288x64xf32, #tpu.memory_space<hbm>>) target(%dma_start3A_58 : memref<128x64xf32, #tpu.memory_space<vmem>>) offsets(%dma_start3A_61 : memref<128xi32, #tpu.memory_space<vmem>>) semaphore(%arg12 : memref<!tpu.dma_semaphore, #tpu.memory_space<semaphore_mem>>)
      %dma_start3A_65 = arith.constant 3 : i32
      %dma_start3A_66 = arith.constant 3 : i32
      %dma_start3A_67 = arith.constant 0 : i32
      %dma_start3A_68 = arith.constant 0 : i32
      %dma_start3A_69 = tpu.memref_slice %arg10[%dma_start3A_66, %dma_start3A_67, %dma_start3A_68] : memref<8x128x64xf32, #tpu.memory_space<vmem>> -> memref<1x128x64xf32, #tpu.memory_space<vmem>>
      %dma_start3A_70 = tpu.memref_squeeze %dma_start3A_69 : memref<1x128x64xf32, #tpu.memory_space<vmem>> -> memref<128x64xf32, #tpu.memory_space<vmem>>
      %dma_start3A_71 = arith.constant 0 : i32
      %dma_start3A_72 = tpu.memref_slice %arg8[%dma_start3A_65, %dma_start3A_71] : memref<8x128xi32, #tpu.memory_space<vmem>> -> memref<1x128xi32, #tpu.memory_space<vmem>>
      %dma_start3A_73 = tpu.memref_squeeze %dma_start3A_72 : memref<1x128xi32, #tpu.memory_space<vmem>> -> memref<128xi32, #tpu.memory_space<vmem>>
      %dma_start3A_74 = arith.constant 0 : i32
      %dma_start3A_75 = arith.constant 0 : i32
      %dma_start3A_76 = tpu.memref_slice %arg5[%dma_start3A_74, %dma_start3A_75] : memref<524288x64xf32, #tpu.memory_space<hbm>> -> memref<524288x64xf32, #tpu.memory_space<hbm>>
      tpu.enqueue_indirect_dma source(%dma_start3A_76 : memref<524288x64xf32, #tpu.memory_space<hbm>>) target(%dma_start3A_70 : memref<128x64xf32, #tpu.memory_space<vmem>>) offsets(%dma_start3A_73 : memref<128xi32, #tpu.memory_space<vmem>>) semaphore(%arg12 : memref<!tpu.dma_semaphore, #tpu.memory_space<semaphore_mem>>)
      %dma_start3A_77 = arith.constant 4 : i32
      %dma_start3A_78 = arith.constant 4 : i32
      %dma_start3A_79 = arith.constant 0 : i32
      %dma_start3A_80 = arith.constant 0 : i32
      %dma_start3A_81 = tpu.memref_slice %arg10[%dma_start3A_78, %dma_start3A_79, %dma_start3A_80] : memref<8x128x64xf32, #tpu.memory_space<vmem>> -> memref<1x128x64xf32, #tpu.memory_space<vmem>>
      %dma_start3A_82 = tpu.memref_squeeze %dma_start3A_81 : memref<1x128x64xf32, #tpu.memory_space<vmem>> -> memref<128x64xf32, #tpu.memory_space<vmem>>
      %dma_start3A_83 = arith.constant 0 : i32
      %dma_start3A_84 = tpu.memref_slice %arg8[%dma_start3A_77, %dma_start3A_83] : memref<8x128xi32, #tpu.memory_space<vmem>> -> memref<1x128xi32, #tpu.memory_space<vmem>>
      %dma_start3A_85 = tpu.memref_squeeze %dma_start3A_84 : memref<1x128xi32, #tpu.memory_space<vmem>> -> memref<128xi32, #tpu.memory_space<vmem>>
      %dma_start3A_86 = arith.constant 0 : i32
      %dma_start3A_87 = arith.constant 0 : i32
      %dma_start3A_88 = tpu.memref_slice %arg5[%dma_start3A_86, %dma_start3A_87] : memref<524288x64xf32, #tpu.memory_space<hbm>> -> memref<524288x64xf32, #tpu.memory_space<hbm>>
      tpu.enqueue_indirect_dma source(%dma_start3A_88 : memref<524288x64xf32, #tpu.memory_space<hbm>>) target(%dma_start3A_82 : memref<128x64xf32, #tpu.memory_space<vmem>>) offsets(%dma_start3A_85 : memref<128xi32, #tpu.memory_space<vmem>>) semaphore(%arg12 : memref<!tpu.dma_semaphore, #tpu.memory_space<semaphore_mem>>)
      %dma_start3A_89 = arith.constant 5 : i32
      %dma_start3A_90 = arith.constant 5 : i32
      %dma_start3A_91 = arith.constant 0 : i32
      %dma_start3A_92 = arith.constant 0 : i32
      %dma_start3A_93 = tpu.memref_slice %arg10[%dma_start3A_90, %dma_start3A_91, %dma_start3A_92] : memref<8x128x64xf32, #tpu.memory_space<vmem>> -> memref<1x128x64xf32, #tpu.memory_space<vmem>>
      %dma_start3A_94 = tpu.memref_squeeze %dma_start3A_93 : memref<1x128x64xf32, #tpu.memory_space<vmem>> -> memref<128x64xf32, #tpu.memory_space<vmem>>
      %dma_start3A_95 = arith.constant 0 : i32
      %dma_start3A_96 = tpu.memref_slice %arg8[%dma_start3A_89, %dma_start3A_95] : memref<8x128xi32, #tpu.memory_space<vmem>> -> memref<1x128xi32, #tpu.memory_space<vmem>>
      %dma_start3A_97 = tpu.memref_squeeze %dma_start3A_96 : memref<1x128xi32, #tpu.memory_space<vmem>> -> memref<128xi32, #tpu.memory_space<vmem>>
      %dma_start3A_98 = arith.constant 0 : i32
      %dma_start3A_99 = arith.constant 0 : i32
      %dma_start3A_100 = tpu.memref_slice %arg5[%dma_start3A_98, %dma_start3A_99] : memref<524288x64xf32, #tpu.memory_space<hbm>> -> memref<524288x64xf32, #tpu.memory_space<hbm>>
      tpu.enqueue_indirect_dma source(%dma_start3A_100 : memref<524288x64xf32, #tpu.memory_space<hbm>>) target(%dma_start3A_94 : memref<128x64xf32, #tpu.memory_space<vmem>>) offsets(%dma_start3A_97 : memref<128xi32, #tpu.memory_space<vmem>>) semaphore(%arg12 : memref<!tpu.dma_semaphore, #tpu.memory_space<semaphore_mem>>)
      %dma_start3A_101 = arith.constant 6 : i32
      %dma_start3A_102 = arith.constant 6 : i32
      %dma_start3A_103 = arith.constant 0 : i32
      %dma_start3A_104 = arith.constant 0 : i32
      %dma_start3A_105 = tpu.memref_slice %arg10[%dma_start3A_102, %dma_start3A_103, %dma_start3A_104] : memref<8x128x64xf32, #tpu.memory_space<vmem>> -> memref<1x128x64xf32, #tpu.memory_space<vmem>>
      %dma_start3A_106 = tpu.memref_squeeze %dma_start3A_105 : memref<1x128x64xf32, #tpu.memory_space<vmem>> -> memref<128x64xf32, #tpu.memory_space<vmem>>
      %dma_start3A_107 = arith.constant 0 : i32
      %dma_start3A_108 = tpu.memref_slice %arg8[%dma_start3A_101, %dma_start3A_107] : memref<8x128xi32, #tpu.memory_space<vmem>> -> memref<1x128xi32, #tpu.memory_space<vmem>>
      %dma_start3A_109 = tpu.memref_squeeze %dma_start3A_108 : memref<1x128xi32, #tpu.memory_space<vmem>> -> memref<128xi32, #tpu.memory_space<vmem>>
      %dma_start3A_110 = arith.constant 0 : i32
      %dma_start3A_111 = arith.constant 0 : i32
      %dma_start3A_112 = tpu.memref_slice %arg5[%dma_start3A_110, %dma_start3A_111] : memref<524288x64xf32, #tpu.memory_space<hbm>> -> memref<524288x64xf32, #tpu.memory_space<hbm>>
      tpu.enqueue_indirect_dma source(%dma_start3A_112 : memref<524288x64xf32, #tpu.memory_space<hbm>>) target(%dma_start3A_106 : memref<128x64xf32, #tpu.memory_space<vmem>>) offsets(%dma_start3A_109 : memref<128xi32, #tpu.memory_space<vmem>>) semaphore(%arg12 : memref<!tpu.dma_semaphore, #tpu.memory_space<semaphore_mem>>)
      %dma_start3A_113 = arith.constant 7 : i32
      %dma_start3A_114 = arith.constant 7 : i32
      %dma_start3A_115 = arith.constant 0 : i32
      %dma_start3A_116 = arith.constant 0 : i32
      %dma_start3A_117 = tpu.memref_slice %arg10[%dma_start3A_114, %dma_start3A_115, %dma_start3A_116] : memref<8x128x64xf32, #tpu.memory_space<vmem>> -> memref<1x128x64xf32, #tpu.memory_space<vmem>>
      %dma_start3A_118 = tpu.memref_squeeze %dma_start3A_117 : memref<1x128x64xf32, #tpu.memory_space<vmem>> -> memref<128x64xf32, #tpu.memory_space<vmem>>
      %dma_start3A_119 = arith.constant 0 : i32
      %dma_start3A_120 = tpu.memref_slice %arg8[%dma_start3A_113, %dma_start3A_119] : memref<8x128xi32, #tpu.memory_space<vmem>> -> memref<1x128xi32, #tpu.memory_space<vmem>>
      %dma_start3A_121 = tpu.memref_squeeze %dma_start3A_120 : memref<1x128xi32, #tpu.memory_space<vmem>> -> memref<128xi32, #tpu.memory_space<vmem>>
      %dma_start3A_122 = arith.constant 0 : i32
      %dma_start3A_123 = arith.constant 0 : i32
      %dma_start3A_124 = tpu.memref_slice %arg5[%dma_start3A_122, %dma_start3A_123] : memref<524288x64xf32, #tpu.memory_space<hbm>> -> memref<524288x64xf32, #tpu.memory_space<hbm>>
      tpu.enqueue_indirect_dma source(%dma_start3A_124 : memref<524288x64xf32, #tpu.memory_space<hbm>>) target(%dma_start3A_118 : memref<128x64xf32, #tpu.memory_space<vmem>>) offsets(%dma_start3A_121 : memref<128xi32, #tpu.memory_space<vmem>>) semaphore(%arg12 : memref<!tpu.dma_semaphore, #tpu.memory_space<semaphore_mem>>)
      %dma_wait3A = arith.constant 0 : i32
      %dma_wait3A_125 = arith.constant 0 : i32
      %dma_wait3A_126 = arith.constant 0 : i32
      %dma_wait3A_127 = arith.constant 0 : i32
      %dma_wait3A_128 = tpu.memref_slice %arg10[%dma_wait3A_125, %dma_wait3A_126, %dma_wait3A_127] : memref<8x128x64xf32, #tpu.memory_space<vmem>> -> memref<1x128x64xf32, #tpu.memory_space<vmem>>
      %dma_wait3A_129 = tpu.memref_squeeze %dma_wait3A_128 : memref<1x128x64xf32, #tpu.memory_space<vmem>> -> memref<128x64xf32, #tpu.memory_space<vmem>>
      %dma_wait3A_130 = arith.constant 0 : i32
      %dma_wait3A_131 = tpu.memref_slice %arg8[%dma_wait3A, %dma_wait3A_130] : memref<8x128xi32, #tpu.memory_space<vmem>> -> memref<1x128xi32, #tpu.memory_space<vmem>>
      %dma_wait3A_132 = tpu.memref_squeeze %dma_wait3A_131 : memref<1x128xi32, #tpu.memory_space<vmem>> -> memref<128xi32, #tpu.memory_space<vmem>>
      %dma_wait3A_133 = arith.constant 0 : i32
      %dma_wait3A_134 = arith.constant 0 : i32
      %dma_wait3A_135 = tpu.memref_slice %arg5[%dma_wait3A_133, %dma_wait3A_134] : memref<524288x64xf32, #tpu.memory_space<hbm>> -> memref<524288x64xf32, #tpu.memory_space<hbm>>
      tpu.wait_indirect_dma semaphore(%arg12 : memref<!tpu.dma_semaphore, #tpu.memory_space<semaphore_mem>>) src(%dma_wait3A_135 : memref<524288x64xf32, #tpu.memory_space<hbm>>) dst(%dma_wait3A_129 : memref<128x64xf32, #tpu.memory_space<vmem>>)
      %dma_wait3A_136 = arith.constant 1 : i32
      %dma_wait3A_137 = arith.constant 1 : i32
      %dma_wait3A_138 = arith.constant 0 : i32
      %dma_wait3A_139 = arith.constant 0 : i32
      %dma_wait3A_140 = tpu.memref_slice %arg10[%dma_wait3A_137, %dma_wait3A_138, %dma_wait3A_139] : memref<8x128x64xf32, #tpu.memory_space<vmem>> -> memref<1x128x64xf32, #tpu.memory_space<vmem>>
      %dma_wait3A_141 = tpu.memref_squeeze %dma_wait3A_140 : memref<1x128x64xf32, #tpu.memory_space<vmem>> -> memref<128x64xf32, #tpu.memory_space<vmem>>
      %dma_wait3A_142 = arith.constant 0 : i32
      %dma_wait3A_143 = tpu.memref_slice %arg8[%dma_wait3A_136, %dma_wait3A_142] : memref<8x128xi32, #tpu.memory_space<vmem>> -> memref<1x128xi32, #tpu.memory_space<vmem>>
      %dma_wait3A_144 = tpu.memref_squeeze %dma_wait3A_143 : memref<1x128xi32, #tpu.memory_space<vmem>> -> memref<128xi32, #tpu.memory_space<vmem>>
      %dma_wait3A_145 = arith.constant 0 : i32
      %dma_wait3A_146 = arith.constant 0 : i32
      %dma_wait3A_147 = tpu.memref_slice %arg5[%dma_wait3A_145, %dma_wait3A_146] : memref<524288x64xf32, #tpu.memory_space<hbm>> -> memref<524288x64xf32, #tpu.memory_space<hbm>>
      tpu.wait_indirect_dma semaphore(%arg12 : memref<!tpu.dma_semaphore, #tpu.memory_space<semaphore_mem>>) src(%dma_wait3A_147 : memref<524288x64xf32, #tpu.memory_space<hbm>>) dst(%dma_wait3A_141 : memref<128x64xf32, #tpu.memory_space<vmem>>)
      %dma_wait3A_148 = arith.constant 2 : i32
      %dma_wait3A_149 = arith.constant 2 : i32
      %dma_wait3A_150 = arith.constant 0 : i32
      %dma_wait3A_151 = arith.constant 0 : i32
      %dma_wait3A_152 = tpu.memref_slice %arg10[%dma_wait3A_149, %dma_wait3A_150, %dma_wait3A_151] : memref<8x128x64xf32, #tpu.memory_space<vmem>> -> memref<1x128x64xf32, #tpu.memory_space<vmem>>
      %dma_wait3A_153 = tpu.memref_squeeze %dma_wait3A_152 : memref<1x128x64xf32, #tpu.memory_space<vmem>> -> memref<128x64xf32, #tpu.memory_space<vmem>>
      %dma_wait3A_154 = arith.constant 0 : i32
      %dma_wait3A_155 = tpu.memref_slice %arg8[%dma_wait3A_148, %dma_wait3A_154] : memref<8x128xi32, #tpu.memory_space<vmem>> -> memref<1x128xi32, #tpu.memory_space<vmem>>
      %dma_wait3A_156 = tpu.memref_squeeze %dma_wait3A_155 : memref<1x128xi32, #tpu.memory_space<vmem>> -> memref<128xi32, #tpu.memory_space<vmem>>
      %dma_wait3A_157 = arith.constant 0 : i32
      %dma_wait3A_158 = arith.constant 0 : i32
      %dma_wait3A_159 = tpu.memref_slice %arg5[%dma_wait3A_157, %dma_wait3A_158] : memref<524288x64xf32, #tpu.memory_space<hbm>> -> memref<524288x64xf32, #tpu.memory_space<hbm>>
      tpu.wait_indirect_dma semaphore(%arg12 : memref<!tpu.dma_semaphore, #tpu.memory_space<semaphore_mem>>) src(%dma_wait3A_159 : memref<524288x64xf32, #tpu.memory_space<hbm>>) dst(%dma_wait3A_153 : memref<128x64xf32, #tpu.memory_space<vmem>>)
      %dma_wait3A_160 = arith.constant 3 : i32
      %dma_wait3A_161 = arith.constant 3 : i32
      %dma_wait3A_162 = arith.constant 0 : i32
      %dma_wait3A_163 = arith.constant 0 : i32
      %dma_wait3A_164 = tpu.memref_slice %arg10[%dma_wait3A_161, %dma_wait3A_162, %dma_wait3A_163] : memref<8x128x64xf32, #tpu.memory_space<vmem>> -> memref<1x128x64xf32, #tpu.memory_space<vmem>>
      %dma_wait3A_165 = tpu.memref_squeeze %dma_wait3A_164 : memref<1x128x64xf32, #tpu.memory_space<vmem>> -> memref<128x64xf32, #tpu.memory_space<vmem>>
      %dma_wait3A_166 = arith.constant 0 : i32
      %dma_wait3A_167 = tpu.memref_slice %arg8[%dma_wait3A_160, %dma_wait3A_166] : memref<8x128xi32, #tpu.memory_space<vmem>> -> memref<1x128xi32, #tpu.memory_space<vmem>>
      %dma_wait3A_168 = tpu.memref_squeeze %dma_wait3A_167 : memref<1x128xi32, #tpu.memory_space<vmem>> -> memref<128xi32, #tpu.memory_space<vmem>>
      %dma_wait3A_169 = arith.constant 0 : i32
      %dma_wait3A_170 = arith.constant 0 : i32
      %dma_wait3A_171 = tpu.memref_slice %arg5[%dma_wait3A_169, %dma_wait3A_170] : memref<524288x64xf32, #tpu.memory_space<hbm>> -> memref<524288x64xf32, #tpu.memory_space<hbm>>
      tpu.wait_indirect_dma semaphore(%arg12 : memref<!tpu.dma_semaphore, #tpu.memory_space<semaphore_mem>>) src(%dma_wait3A_171 : memref<524288x64xf32, #tpu.memory_space<hbm>>) dst(%dma_wait3A_165 : memref<128x64xf32, #tpu.memory_space<vmem>>)
      %dma_wait3A_172 = arith.constant 4 : i32
      %dma_wait3A_173 = arith.constant 4 : i32
      %dma_wait3A_174 = arith.constant 0 : i32
      %dma_wait3A_175 = arith.constant 0 : i32
      %dma_wait3A_176 = tpu.memref_slice %arg10[%dma_wait3A_173, %dma_wait3A_174, %dma_wait3A_175] : memref<8x128x64xf32, #tpu.memory_space<vmem>> -> memref<1x128x64xf32, #tpu.memory_space<vmem>>
      %dma_wait3A_177 = tpu.memref_squeeze %dma_wait3A_176 : memref<1x128x64xf32, #tpu.memory_space<vmem>> -> memref<128x64xf32, #tpu.memory_space<vmem>>
      %dma_wait3A_178 = arith.constant 0 : i32
      %dma_wait3A_179 = tpu.memref_slice %arg8[%dma_wait3A_172, %dma_wait3A_178] : memref<8x128xi32, #tpu.memory_space<vmem>> -> memref<1x128xi32, #tpu.memory_space<vmem>>
      %dma_wait3A_180 = tpu.memref_squeeze %dma_wait3A_179 : memref<1x128xi32, #tpu.memory_space<vmem>> -> memref<128xi32, #tpu.memory_space<vmem>>
      %dma_wait3A_181 = arith.constant 0 : i32
      %dma_wait3A_182 = arith.constant 0 : i32
      %dma_wait3A_183 = tpu.memref_slice %arg5[%dma_wait3A_181, %dma_wait3A_182] : memref<524288x64xf32, #tpu.memory_space<hbm>> -> memref<524288x64xf32, #tpu.memory_space<hbm>>
      tpu.wait_indirect_dma semaphore(%arg12 : memref<!tpu.dma_semaphore, #tpu.memory_space<semaphore_mem>>) src(%dma_wait3A_183 : memref<524288x64xf32, #tpu.memory_space<hbm>>) dst(%dma_wait3A_177 : memref<128x64xf32, #tpu.memory_space<vmem>>)
      %dma_wait3A_184 = arith.constant 5 : i32
      %dma_wait3A_185 = arith.constant 5 : i32
      %dma_wait3A_186 = arith.constant 0 : i32
      %dma_wait3A_187 = arith.constant 0 : i32
      %dma_wait3A_188 = tpu.memref_slice %arg10[%dma_wait3A_185, %dma_wait3A_186, %dma_wait3A_187] : memref<8x128x64xf32, #tpu.memory_space<vmem>> -> memref<1x128x64xf32, #tpu.memory_space<vmem>>
      %dma_wait3A_189 = tpu.memref_squeeze %dma_wait3A_188 : memref<1x128x64xf32, #tpu.memory_space<vmem>> -> memref<128x64xf32, #tpu.memory_space<vmem>>
      %dma_wait3A_190 = arith.constant 0 : i32
      %dma_wait3A_191 = tpu.memref_slice %arg8[%dma_wait3A_184, %dma_wait3A_190] : memref<8x128xi32, #tpu.memory_space<vmem>> -> memref<1x128xi32, #tpu.memory_space<vmem>>
      %dma_wait3A_192 = tpu.memref_squeeze %dma_wait3A_191 : memref<1x128xi32, #tpu.memory_space<vmem>> -> memref<128xi32, #tpu.memory_space<vmem>>
      %dma_wait3A_193 = arith.constant 0 : i32
      %dma_wait3A_194 = arith.constant 0 : i32
      %dma_wait3A_195 = tpu.memref_slice %arg5[%dma_wait3A_193, %dma_wait3A_194] : memref<524288x64xf32, #tpu.memory_space<hbm>> -> memref<524288x64xf32, #tpu.memory_space<hbm>>
      tpu.wait_indirect_dma semaphore(%arg12 : memref<!tpu.dma_semaphore, #tpu.memory_space<semaphore_mem>>) src(%dma_wait3A_195 : memref<524288x64xf32, #tpu.memory_space<hbm>>) dst(%dma_wait3A_189 : memref<128x64xf32, #tpu.memory_space<vmem>>)
      %dma_wait3A_196 = arith.constant 6 : i32
      %dma_wait3A_197 = arith.constant 6 : i32
      %dma_wait3A_198 = arith.constant 0 : i32
      %dma_wait3A_199 = arith.constant 0 : i32
      %dma_wait3A_200 = tpu.memref_slice %arg10[%dma_wait3A_197, %dma_wait3A_198, %dma_wait3A_199] : memref<8x128x64xf32, #tpu.memory_space<vmem>> -> memref<1x128x64xf32, #tpu.memory_space<vmem>>
      %dma_wait3A_201 = tpu.memref_squeeze %dma_wait3A_200 : memref<1x128x64xf32, #tpu.memory_space<vmem>> -> memref<128x64xf32, #tpu.memory_space<vmem>>
      %dma_wait3A_202 = arith.constant 0 : i32
      %dma_wait3A_203 = tpu.memref_slice %arg8[%dma_wait3A_196, %dma_wait3A_202] : memref<8x128xi32, #tpu.memory_space<vmem>> -> memref<1x128xi32, #tpu.memory_space<vmem>>
      %dma_wait3A_204 = tpu.memref_squeeze %dma_wait3A_203 : memref<1x128xi32, #tpu.memory_space<vmem>> -> memref<128xi32, #tpu.memory_space<vmem>>
      %dma_wait3A_205 = arith.constant 0 : i32
      %dma_wait3A_206 = arith.constant 0 : i32
      %dma_wait3A_207 = tpu.memref_slice %arg5[%dma_wait3A_205, %dma_wait3A_206] : memref<524288x64xf32, #tpu.memory_space<hbm>> -> memref<524288x64xf32, #tpu.memory_space<hbm>>
      tpu.wait_indirect_dma semaphore(%arg12 : memref<!tpu.dma_semaphore, #tpu.memory_space<semaphore_mem>>) src(%dma_wait3A_207 : memref<524288x64xf32, #tpu.memory_space<hbm>>) dst(%dma_wait3A_201 : memref<128x64xf32, #tpu.memory_space<vmem>>)
      %dma_wait3A_208 = arith.constant 7 : i32
      %dma_wait3A_209 = arith.constant 7 : i32
      %dma_wait3A_210 = arith.constant 0 : i32
      %dma_wait3A_211 = arith.constant 0 : i32
      %dma_wait3A_212 = tpu.memref_slice %arg10[%dma_wait3A_209, %dma_wait3A_210, %dma_wait3A_211] : memref<8x128x64xf32, #tpu.memory_space<vmem>> -> memref<1x128x64xf32, #tpu.memory_space<vmem>>
      %dma_wait3A_213 = tpu.memref_squeeze %dma_wait3A_212 : memref<1x128x64xf32, #tpu.memory_space<vmem>> -> memref<128x64xf32, #tpu.memory_space<vmem>>
      %dma_wait3A_214 = arith.constant 0 : i32
      %dma_wait3A_215 = tpu.memref_slice %arg8[%dma_wait3A_208, %dma_wait3A_214] : memref<8x128xi32, #tpu.memory_space<vmem>> -> memref<1x128xi32, #tpu.memory_space<vmem>>
      %dma_wait3A_216 = tpu.memref_squeeze %dma_wait3A_215 : memref<1x128xi32, #tpu.memory_space<vmem>> -> memref<128xi32, #tpu.memory_space<vmem>>
      %dma_wait3A_217 = arith.constant 0 : i32
      %dma_wait3A_218 = arith.constant 0 : i32
      %dma_wait3A_219 = tpu.memref_slice %arg5[%dma_wait3A_217, %dma_wait3A_218] : memref<524288x64xf32, #tpu.memory_space<hbm>> -> memref<524288x64xf32, #tpu.memory_space<hbm>>
      tpu.wait_indirect_dma semaphore(%arg12 : memref<!tpu.dma_semaphore, #tpu.memory_space<semaphore_mem>>) src(%dma_wait3A_219 : memref<524288x64xf32, #tpu.memory_space<hbm>>) dst(%dma_wait3A_213 : memref<128x64xf32, #tpu.memory_space<vmem>>)
      %while3A_220 = arith.constant 0 : i32
      %while3A_221 = arith.constant 0 : i32
      %while3A_222 = arith.constant 128 : i32
      %while3A_223 = arith.subi %while3A_222, %while3A_221 : i32
      %while3A_224 = arith.addi %while3A_221, %while3A_223 : i32
      %while3A_225 = arith.constant 1 : i32
      %while3A_226 = arith.divsi %while3A_223, %while3A_225 : i32
      %while3A_227 = arith.muli %while3A_226, %while3A_225 : i32
      %while3A_228 = arith.addi %while3A_221, %while3A_227 : i32
      %while3A_229 = arith.constant 1 : i32
      scf.for %while3A_231 = %while3A_221 to %while3A_228 step %while3A_229  : i32 {
        %get3A = arith.index_cast %while3A_231 : i32 to index
        %get3A_232 = arith.constant 0 : index
        %get3A_233 = tpu.vector_load %arg9[%get3A, %get3A_232] {strides = array<i32>} : memref<128x16xf32, #tpu.memory_space<vmem>>, vector<16xf32>,
        %slice3A = vector.extract_strided_slice %get3A_233 {offsets = [0], sizes = [1], strides = [1]} : vector<16xf32> to vector<1xf32>
        %squeeze3A = vector.extract %slice3A[0] : f32 from vector<1xf32>
        %slice3A_234 = vector.extract_strided_slice %get3A_233 {offsets = [1], sizes = [1], strides = [1]} : vector<16xf32> to vector<1xf32>
        %squeeze3A_235 = vector.extract %slice3A_234[0] : f32 from vector<1xf32>
        %slice3A_236 = vector.extract_strided_slice %get3A_233 {offsets = [2], sizes = [1], strides = [1]} : vector<16xf32> to vector<1xf32>
        %squeeze3A_237 = vector.extract %slice3A_236[0] : f32 from vector<1xf32>
        %slice3A_238 = vector.extract_strided_slice %get3A_233 {offsets = [3], sizes = [1], strides = [1]} : vector<16xf32> to vector<1xf32>
        %squeeze3A_239 = vector.extract %slice3A_238[0] : f32 from vector<1xf32>
        %slice3A_240 = vector.extract_strided_slice %get3A_233 {offsets = [4], sizes = [1], strides = [1]} : vector<16xf32> to vector<1xf32>
        %squeeze3A_241 = vector.extract %slice3A_240[0] : f32 from vector<1xf32>
        %slice3A_242 = vector.extract_strided_slice %get3A_233 {offsets = [5], sizes = [1], strides = [1]} : vector<16xf32> to vector<1xf32>
        %squeeze3A_243 = vector.extract %slice3A_242[0] : f32 from vector<1xf32>
        %slice3A_244 = vector.extract_strided_slice %get3A_233 {offsets = [6], sizes = [1], strides = [1]} : vector<16xf32> to vector<1xf32>
        %squeeze3A_245 = vector.extract %slice3A_244[0] : f32 from vector<1xf32>
        %slice3A_246 = vector.extract_strided_slice %get3A_233 {offsets = [7], sizes = [1], strides = [1]} : vector<16xf32> to vector<1xf32>
        %squeeze3A_247 = vector.extract %slice3A_246[0] : f32 from vector<1xf32>
        %get3A_248 = arith.constant 0 : i32
        %get3A_249 = arith.index_cast %get3A_248 : i32 to index
        %get3A_250 = arith.index_cast %while3A_231 : i32 to index
        %get3A_251 = arith.constant 0 : index
        %get3A_252 = tpu.vector_load %arg10[%get3A_249, %get3A_250, %get3A_251] {strides = array<i32>} : memref<8x128x64xf32, #tpu.memory_space<vmem>>, vector<16xf32>,
        %mul3A_253 = vector.broadcast %squeeze3A : f32 to vector<16xf32>
        %mul3A_254 = arith.mulf %mul3A_253, %get3A_252 : vector<16xf32>
        %get3A_255 = arith.constant 1 : i32
        %get3A_256 = arith.index_cast %get3A_255 : i32 to index
        %get3A_257 = arith.index_cast %while3A_231 : i32 to index
        %get3A_258 = arith.constant 0 : index
        %get3A_259 = tpu.vector_load %arg10[%get3A_256, %get3A_257, %get3A_258] {strides = array<i32>} : memref<8x128x64xf32, #tpu.memory_space<vmem>>, vector<16xf32>,
        %mul3A_260 = vector.broadcast %squeeze3A_235 : f32 to vector<16xf32>
        %mul3A_261 = arith.mulf %mul3A_260, %get3A_259 : vector<16xf32>
        %add3A_262 = arith.addf %mul3A_254, %mul3A_261 : vector<16xf32>
        %get3A_263 = arith.constant 2 : i32
        %get3A_264 = arith.index_cast %get3A_263 : i32 to index
        %get3A_265 = arith.index_cast %while3A_231 : i32 to index
        %get3A_266 = arith.constant 0 : index
        %get3A_267 = tpu.vector_load %arg10[%get3A_264, %get3A_265, %get3A_266] {strides = array<i32>} : memref<8x128x64xf32, #tpu.memory_space<vmem>>, vector<16xf32>,
        %mul3A_268 = vector.broadcast %squeeze3A_237 : f32 to vector<16xf32>
        %mul3A_269 = arith.mulf %mul3A_268, %get3A_267 : vector<16xf32>
        %add3A_270 = arith.addf %add3A_262, %mul3A_269 : vector<16xf32>
        %get3A_271 = arith.constant 3 : i32
        %get3A_272 = arith.index_cast %get3A_271 : i32 to index
        %get3A_273 = arith.index_cast %while3A_231 : i32 to index
        %get3A_274 = arith.constant 0 : index
        %get3A_275 = tpu.vector_load %arg10[%get3A_272, %get3A_273, %get3A_274] {strides = array<i32>} : memref<8x128x64xf32, #tpu.memory_space<vmem>>, vector<16xf32>,
        %mul3A_276 = vector.broadcast %squeeze3A_239 : f32 to vector<16xf32>
        %mul3A_277 = arith.mulf %mul3A_276, %get3A_275 : vector<16xf32>
        %add3A_278 = arith.addf %add3A_270, %mul3A_277 : vector<16xf32>
        %get3A_279 = arith.constant 4 : i32
        %get3A_280 = arith.index_cast %get3A_279 : i32 to index
        %get3A_281 = arith.index_cast %while3A_231 : i32 to index
        %get3A_282 = arith.constant 0 : index
        %get3A_283 = tpu.vector_load %arg10[%get3A_280, %get3A_281, %get3A_282] {strides = array<i32>} : memref<8x128x64xf32, #tpu.memory_space<vmem>>, vector<16xf32>,
        %mul3A_284 = vector.broadcast %squeeze3A_241 : f32 to vector<16xf32>
        %mul3A_285 = arith.mulf %mul3A_284, %get3A_283 : vector<16xf32>
        %add3A_286 = arith.addf %add3A_278, %mul3A_285 : vector<16xf32>
        %get3A_287 = arith.constant 5 : i32
        %get3A_288 = arith.index_cast %get3A_287 : i32 to index
        %get3A_289 = arith.index_cast %while3A_231 : i32 to index
        %get3A_290 = arith.constant 0 : index
        %get3A_291 = tpu.vector_load %arg10[%get3A_288, %get3A_289, %get3A_290] {strides = array<i32>} : memref<8x128x64xf32, #tpu.memory_space<vmem>>, vector<16xf32>,
        %mul3A_292 = vector.broadcast %squeeze3A_243 : f32 to vector<16xf32>
        %mul3A_293 = arith.mulf %mul3A_292, %get3A_291 : vector<16xf32>
        %add3A_294 = arith.addf %add3A_286, %mul3A_293 : vector<16xf32>
        %get3A_295 = arith.constant 6 : i32
        %get3A_296 = arith.index_cast %get3A_295 : i32 to index
        %get3A_297 = arith.index_cast %while3A_231 : i32 to index
        %get3A_298 = arith.constant 0 : index
        %get3A_299 = tpu.vector_load %arg10[%get3A_296, %get3A_297, %get3A_298] {strides = array<i32>} : memref<8x128x64xf32, #tpu.memory_space<vmem>>, vector<16xf32>,
        %mul3A_300 = vector.broadcast %squeeze3A_245 : f32 to vector<16xf32>
        %mul3A_301 = arith.mulf %mul3A_300, %get3A_299 : vector<16xf32>
        %add3A_302 = arith.addf %add3A_294, %mul3A_301 : vector<16xf32>
        %get3A_303 = arith.constant 7 : i32
        %get3A_304 = arith.index_cast %get3A_303 : i32 to index
        %get3A_305 = arith.index_cast %while3A_231 : i32 to index
        %get3A_306 = arith.constant 0 : index
        %get3A_307 = tpu.vector_load %arg10[%get3A_304, %get3A_305, %get3A_306] {strides = array<i32>} : memref<8x128x64xf32, #tpu.memory_space<vmem>>, vector<16xf32>,
        %mul3A_308 = vector.broadcast %squeeze3A_247 : f32 to vector<16xf32>
        %mul3A_309 = arith.mulf %mul3A_308, %get3A_307 : vector<16xf32>
        %add3A_310 = arith.addf %add3A_302, %mul3A_309 : vector<16xf32>
        %swap3A = arith.index_cast %while3A_231 : i32 to index
        %swap3A_311 = arith.constant 0 : index
        %swap3A_312 = tpu.vector_load %arg11[%swap3A, %swap3A_311] {strides = array<i32>} : memref<128x64xf32, #tpu.memory_space<vmem>>, vector<16xf32>,
        tpu.vector_store %arg11[%swap3A, %swap3A_311], %add3A_310 {strides = array<i32>} : memref<128x64xf32, #tpu.memory_space<vmem>>, vector<16xf32>,
        %get3A_313 = arith.constant 0 : i32
        %get3A_314 = arith.index_cast %get3A_313 : i32 to index
        %get3A_315 = arith.index_cast %while3A_231 : i32 to index
        %get3A_316 = arith.constant 16 : index
        %get3A_317 = tpu.vector_load %arg10[%get3A_314, %get3A_315, %get3A_316] {strides = array<i32>} : memref<8x128x64xf32, #tpu.memory_space<vmem>>, vector<16xf32>,
        %mul3A_318 = vector.broadcast %squeeze3A : f32 to vector<16xf32>
        %mul3A_319 = arith.mulf %mul3A_318, %get3A_317 : vector<16xf32>
        %get3A_320 = arith.constant 1 : i32
        %get3A_321 = arith.index_cast %get3A_320 : i32 to index
        %get3A_322 = arith.index_cast %while3A_231 : i32 to index
        %get3A_323 = arith.constant 16 : index
        %get3A_324 = tpu.vector_load %arg10[%get3A_321, %get3A_322, %get3A_323] {strides = array<i32>} : memref<8x128x64xf32, #tpu.memory_space<vmem>>, vector<16xf32>,
        %mul3A_325 = vector.broadcast %squeeze3A_235 : f32 to vector<16xf32>
        %mul3A_326 = arith.mulf %mul3A_325, %get3A_324 : vector<16xf32>
        %add3A_327 = arith.addf %mul3A_319, %mul3A_326 : vector<16xf32>
        %get3A_328 = arith.constant 2 : i32
        %get3A_329 = arith.index_cast %get3A_328 : i32 to index
        %get3A_330 = arith.index_cast %while3A_231 : i32 to index
        %get3A_331 = arith.constant 16 : index
        %get3A_332 = tpu.vector_load %arg10[%get3A_329, %get3A_330, %get3A_331] {strides = array<i32>} : memref<8x128x64xf32, #tpu.memory_space<vmem>>, vector<16xf32>,
        %mul3A_333 = vector.broadcast %squeeze3A_237 : f32 to vector<16xf32>
        %mul3A_334 = arith.mulf %mul3A_333, %get3A_332 : vector<16xf32>
        %add3A_335 = arith.addf %add3A_327, %mul3A_334 : vector<16xf32>
        %get3A_336 = arith.constant 3 : i32
        %get3A_337 = arith.index_cast %get3A_336 : i32 to index
        %get3A_338 = arith.index_cast %while3A_231 : i32 to index
        %get3A_339 = arith.constant 16 : index
        %get3A_340 = tpu.vector_load %arg10[%get3A_337, %get3A_338, %get3A_339] {strides = array<i32>} : memref<8x128x64xf32, #tpu.memory_space<vmem>>, vector<16xf32>,
        %mul3A_341 = vector.broadcast %squeeze3A_239 : f32 to vector<16xf32>
        %mul3A_342 = arith.mulf %mul3A_341, %get3A_340 : vector<16xf32>
        %add3A_343 = arith.addf %add3A_335, %mul3A_342 : vector<16xf32>
        %get3A_344 = arith.constant 4 : i32
        %get3A_345 = arith.index_cast %get3A_344 : i32 to index
        %get3A_346 = arith.index_cast %while3A_231 : i32 to index
        %get3A_347 = arith.constant 16 : index
        %get3A_348 = tpu.vector_load %arg10[%get3A_345, %get3A_346, %get3A_347] {strides = array<i32>} : memref<8x128x64xf32, #tpu.memory_space<vmem>>, vector<16xf32>,
        %mul3A_349 = vector.broadcast %squeeze3A_241 : f32 to vector<16xf32>
        %mul3A_350 = arith.mulf %mul3A_349, %get3A_348 : vector<16xf32>
        %add3A_351 = arith.addf %add3A_343, %mul3A_350 : vector<16xf32>
        %get3A_352 = arith.constant 5 : i32
        %get3A_353 = arith.index_cast %get3A_352 : i32 to index
        %get3A_354 = arith.index_cast %while3A_231 : i32 to index
        %get3A_355 = arith.constant 16 : index
        %get3A_356 = tpu.vector_load %arg10[%get3A_353, %get3A_354, %get3A_355] {strides = array<i32>} : memref<8x128x64xf32, #tpu.memory_space<vmem>>, vector<16xf32>,
        %mul3A_357 = vector.broadcast %squeeze3A_243 : f32 to vector<16xf32>
        %mul3A_358 = arith.mulf %mul3A_357, %get3A_356 : vector<16xf32>
        %add3A_359 = arith.addf %add3A_351, %mul3A_358 : vector<16xf32>
        %get3A_360 = arith.constant 6 : i32
        %get3A_361 = arith.index_cast %get3A_360 : i32 to index
        %get3A_362 = arith.index_cast %while3A_231 : i32 to index
        %get3A_363 = arith.constant 16 : index
        %get3A_364 = tpu.vector_load %arg10[%get3A_361, %get3A_362, %get3A_363] {strides = array<i32>} : memref<8x128x64xf32, #tpu.memory_space<vmem>>, vector<16xf32>,
        %mul3A_365 = vector.broadcast %squeeze3A_245 : f32 to vector<16xf32>
        %mul3A_366 = arith.mulf %mul3A_365, %get3A_364 : vector<16xf32>
        %add3A_367 = arith.addf %add3A_359, %mul3A_366 : vector<16xf32>
        %get3A_368 = arith.constant 7 : i32
        %get3A_369 = arith.index_cast %get3A_368 : i32 to index
        %get3A_370 = arith.index_cast %while3A_231 : i32 to index
        %get3A_371 = arith.constant 16 : index
        %get3A_372 = tpu.vector_load %arg10[%get3A_369, %get3A_370, %get3A_371] {strides = array<i32>} : memref<8x128x64xf32, #tpu.memory_space<vmem>>, vector<16xf32>,
        %mul3A_373 = vector.broadcast %squeeze3A_247 : f32 to vector<16xf32>
        %mul3A_374 = arith.mulf %mul3A_373, %get3A_372 : vector<16xf32>
        %add3A_375 = arith.addf %add3A_367, %mul3A_374 : vector<16xf32>
        %swap3A_376 = arith.index_cast %while3A_231 : i32 to index
        %swap3A_377 = arith.constant 16 : index
        %swap3A_378 = tpu.vector_load %arg11[%swap3A_376, %swap3A_377] {strides = array<i32>} : memref<128x64xf32, #tpu.memory_space<vmem>>, vector<16xf32>,
        tpu.vector_store %arg11[%swap3A_376, %swap3A_377], %add3A_375 {strides = array<i32>} : memref<128x64xf32, #tpu.memory_space<vmem>>, vector<16xf32>,
        %get3A_379 = arith.constant 0 : i32
        %get3A_380 = arith.index_cast %get3A_379 : i32 to index
        %get3A_381 = arith.index_cast %while3A_231 : i32 to index
        %get3A_382 = arith.constant 32 : index
        %get3A_383 = tpu.vector_load %arg10[%get3A_380, %get3A_381, %get3A_382] {strides = array<i32>} : memref<8x128x64xf32, #tpu.memory_space<vmem>>, vector<16xf32>,
        %mul3A_384 = vector.broadcast %squeeze3A : f32 to vector<16xf32>
        %mul3A_385 = arith.mulf %mul3A_384, %get3A_383 : vector<16xf32>
        %get3A_386 = arith.constant 1 : i32
        %get3A_387 = arith.index_cast %get3A_386 : i32 to index
        %get3A_388 = arith.index_cast %while3A_231 : i32 to index
        %get3A_389 = arith.constant 32 : index
        %get3A_390 = tpu.vector_load %arg10[%get3A_387, %get3A_388, %get3A_389] {strides = array<i32>} : memref<8x128x64xf32, #tpu.memory_space<vmem>>, vector<16xf32>,
        %mul3A_391 = vector.broadcast %squeeze3A_235 : f32 to vector<16xf32>
        %mul3A_392 = arith.mulf %mul3A_391, %get3A_390 : vector<16xf32>
        %add3A_393 = arith.addf %mul3A_385, %mul3A_392 : vector<16xf32>
        %get3A_394 = arith.constant 2 : i32
        %get3A_395 = arith.index_cast %get3A_394 : i32 to index
        %get3A_396 = arith.index_cast %while3A_231 : i32 to index
        %get3A_397 = arith.constant 32 : index
        %get3A_398 = tpu.vector_load %arg10[%get3A_395, %get3A_396, %get3A_397] {strides = array<i32>} : memref<8x128x64xf32, #tpu.memory_space<vmem>>, vector<16xf32>,
        %mul3A_399 = vector.broadcast %squeeze3A_237 : f32 to vector<16xf32>
        %mul3A_400 = arith.mulf %mul3A_399, %get3A_398 : vector<16xf32>
        %add3A_401 = arith.addf %add3A_393, %mul3A_400 : vector<16xf32>
        %get3A_402 = arith.constant 3 : i32
        %get3A_403 = arith.index_cast %get3A_402 : i32 to index
        %get3A_404 = arith.index_cast %while3A_231 : i32 to index
        %get3A_405 = arith.constant 32 : index
        %get3A_406 = tpu.vector_load %arg10[%get3A_403, %get3A_404, %get3A_405] {strides = array<i32>} : memref<8x128x64xf32, #tpu.memory_space<vmem>>, vector<16xf32>,
        %mul3A_407 = vector.broadcast %squeeze3A_239 : f32 to vector<16xf32>
        %mul3A_408 = arith.mulf %mul3A_407, %get3A_406 : vector<16xf32>
        %add3A_409 = arith.addf %add3A_401, %mul3A_408 : vector<16xf32>
        %get3A_410 = arith.constant 4 : i32
        %get3A_411 = arith.index_cast %get3A_410 : i32 to index
        %get3A_412 = arith.index_cast %while3A_231 : i32 to index
        %get3A_413 = arith.constant 32 : index
        %get3A_414 = tpu.vector_load %arg10[%get3A_411, %get3A_412, %get3A_413] {strides = array<i32>} : memref<8x128x64xf32, #tpu.memory_space<vmem>>, vector<16xf32>,
        %mul3A_415 = vector.broadcast %squeeze3A_241 : f32 to vector<16xf32>
        %mul3A_416 = arith.mulf %mul3A_415, %get3A_414 : vector<16xf32>
        %add3A_417 = arith.addf %add3A_409, %mul3A_416 : vector<16xf32>
        %get3A_418 = arith.constant 5 : i32
        %get3A_419 = arith.index_cast %get3A_418 : i32 to index
        %get3A_420 = arith.index_cast %while3A_231 : i32 to index
        %get3A_421 = arith.constant 32 : index
        %get3A_422 = tpu.vector_load %arg10[%get3A_419, %get3A_420, %get3A_421] {strides = array<i32>} : memref<8x128x64xf32, #tpu.memory_space<vmem>>, vector<16xf32>,
        %mul3A_423 = vector.broadcast %squeeze3A_243 : f32 to vector<16xf32>
        %mul3A_424 = arith.mulf %mul3A_423, %get3A_422 : vector<16xf32>
        %add3A_425 = arith.addf %add3A_417, %mul3A_424 : vector<16xf32>
        %get3A_426 = arith.constant 6 : i32
        %get3A_427 = arith.index_cast %get3A_426 : i32 to index
        %get3A_428 = arith.index_cast %while3A_231 : i32 to index
        %get3A_429 = arith.constant 32 : index
        %get3A_430 = tpu.vector_load %arg10[%get3A_427, %get3A_428, %get3A_429] {strides = array<i32>} : memref<8x128x64xf32, #tpu.memory_space<vmem>>, vector<16xf32>,
        %mul3A_431 = vector.broadcast %squeeze3A_245 : f32 to vector<16xf32>
        %mul3A_432 = arith.mulf %mul3A_431, %get3A_430 : vector<16xf32>
        %add3A_433 = arith.addf %add3A_425, %mul3A_432 : vector<16xf32>
        %get3A_434 = arith.constant 7 : i32
        %get3A_435 = arith.index_cast %get3A_434 : i32 to index
        %get3A_436 = arith.index_cast %while3A_231 : i32 to index
        %get3A_437 = arith.constant 32 : index
        %get3A_438 = tpu.vector_load %arg10[%get3A_435, %get3A_436, %get3A_437] {strides = array<i32>} : memref<8x128x64xf32, #tpu.memory_space<vmem>>, vector<16xf32>,
        %mul3A_439 = vector.broadcast %squeeze3A_247 : f32 to vector<16xf32>
        %mul3A_440 = arith.mulf %mul3A_439, %get3A_438 : vector<16xf32>
        %add3A_441 = arith.addf %add3A_433, %mul3A_440 : vector<16xf32>
        %swap3A_442 = arith.index_cast %while3A_231 : i32 to index
        %swap3A_443 = arith.constant 32 : index
        %swap3A_444 = tpu.vector_load %arg11[%swap3A_442, %swap3A_443] {strides = array<i32>} : memref<128x64xf32, #tpu.memory_space<vmem>>, vector<16xf32>,
        tpu.vector_store %arg11[%swap3A_442, %swap3A_443], %add3A_441 {strides = array<i32>} : memref<128x64xf32, #tpu.memory_space<vmem>>, vector<16xf32>,
        %get3A_445 = arith.constant 0 : i32
        %get3A_446 = arith.index_cast %get3A_445 : i32 to index
        %get3A_447 = arith.index_cast %while3A_231 : i32 to index
        %get3A_448 = arith.constant 48 : index
        %get3A_449 = tpu.vector_load %arg10[%get3A_446, %get3A_447, %get3A_448] {strides = array<i32>} : memref<8x128x64xf32, #tpu.memory_space<vmem>>, vector<16xf32>,
        %mul3A_450 = vector.broadcast %squeeze3A : f32 to vector<16xf32>
        %mul3A_451 = arith.mulf %mul3A_450, %get3A_449 : vector<16xf32>
        %get3A_452 = arith.constant 1 : i32
        %get3A_453 = arith.index_cast %get3A_452 : i32 to index
        %get3A_454 = arith.index_cast %while3A_231 : i32 to index
        %get3A_455 = arith.constant 48 : index
        %get3A_456 = tpu.vector_load %arg10[%get3A_453, %get3A_454, %get3A_455] {strides = array<i32>} : memref<8x128x64xf32, #tpu.memory_space<vmem>>, vector<16xf32>,
        %mul3A_457 = vector.broadcast %squeeze3A_235 : f32 to vector<16xf32>
        %mul3A_458 = arith.mulf %mul3A_457, %get3A_456 : vector<16xf32>
        %add3A_459 = arith.addf %mul3A_451, %mul3A_458 : vector<16xf32>
        %get3A_460 = arith.constant 2 : i32
        %get3A_461 = arith.index_cast %get3A_460 : i32 to index
        %get3A_462 = arith.index_cast %while3A_231 : i32 to index
        %get3A_463 = arith.constant 48 : index
        %get3A_464 = tpu.vector_load %arg10[%get3A_461, %get3A_462, %get3A_463] {strides = array<i32>} : memref<8x128x64xf32, #tpu.memory_space<vmem>>, vector<16xf32>,
        %mul3A_465 = vector.broadcast %squeeze3A_237 : f32 to vector<16xf32>
        %mul3A_466 = arith.mulf %mul3A_465, %get3A_464 : vector<16xf32>
        %add3A_467 = arith.addf %add3A_459, %mul3A_466 : vector<16xf32>
        %get3A_468 = arith.constant 3 : i32
        %get3A_469 = arith.index_cast %get3A_468 : i32 to index
        %get3A_470 = arith.index_cast %while3A_231 : i32 to index
        %get3A_471 = arith.constant 48 : index
        %get3A_472 = tpu.vector_load %arg10[%get3A_469, %get3A_470, %get3A_471] {strides = array<i32>} : memref<8x128x64xf32, #tpu.memory_space<vmem>>, vector<16xf32>,
        %mul3A_473 = vector.broadcast %squeeze3A_239 : f32 to vector<16xf32>
        %mul3A_474 = arith.mulf %mul3A_473, %get3A_472 : vector<16xf32>
        %add3A_475 = arith.addf %add3A_467, %mul3A_474 : vector<16xf32>
        %get3A_476 = arith.constant 4 : i32
        %get3A_477 = arith.index_cast %get3A_476 : i32 to index
        %get3A_478 = arith.index_cast %while3A_231 : i32 to index
        %get3A_479 = arith.constant 48 : index
        %get3A_480 = tpu.vector_load %arg10[%get3A_477, %get3A_478, %get3A_479] {strides = array<i32>} : memref<8x128x64xf32, #tpu.memory_space<vmem>>, vector<16xf32>,
        %mul3A_481 = vector.broadcast %squeeze3A_241 : f32 to vector<16xf32>
        %mul3A_482 = arith.mulf %mul3A_481, %get3A_480 : vector<16xf32>
        %add3A_483 = arith.addf %add3A_475, %mul3A_482 : vector<16xf32>
        %get3A_484 = arith.constant 5 : i32
        %get3A_485 = arith.index_cast %get3A_484 : i32 to index
        %get3A_486 = arith.index_cast %while3A_231 : i32 to index
        %get3A_487 = arith.constant 48 : index
        %get3A_488 = tpu.vector_load %arg10[%get3A_485, %get3A_486, %get3A_487] {strides = array<i32>} : memref<8x128x64xf32, #tpu.memory_space<vmem>>, vector<16xf32>,
        %mul3A_489 = vector.broadcast %squeeze3A_243 : f32 to vector<16xf32>
        %mul3A_490 = arith.mulf %mul3A_489, %get3A_488 : vector<16xf32>
        %add3A_491 = arith.addf %add3A_483, %mul3A_490 : vector<16xf32>
        %get3A_492 = arith.constant 6 : i32
        %get3A_493 = arith.index_cast %get3A_492 : i32 to index
        %get3A_494 = arith.index_cast %while3A_231 : i32 to index
        %get3A_495 = arith.constant 48 : index
        %get3A_496 = tpu.vector_load %arg10[%get3A_493, %get3A_494, %get3A_495] {strides = array<i32>} : memref<8x128x64xf32, #tpu.memory_space<vmem>>, vector<16xf32>,
        %mul3A_497 = vector.broadcast %squeeze3A_245 : f32 to vector<16xf32>
        %mul3A_498 = arith.mulf %mul3A_497, %get3A_496 : vector<16xf32>
        %add3A_499 = arith.addf %add3A_491, %mul3A_498 : vector<16xf32>
        %get3A_500 = arith.constant 7 : i32
        %get3A_501 = arith.index_cast %get3A_500 : i32 to index
        %get3A_502 = arith.index_cast %while3A_231 : i32 to index
        %get3A_503 = arith.constant 48 : index
        %get3A_504 = tpu.vector_load %arg10[%get3A_501, %get3A_502, %get3A_503] {strides = array<i32>} : memref<8x128x64xf32, #tpu.memory_space<vmem>>, vector<16xf32>,
        %mul3A_505 = vector.broadcast %squeeze3A_247 : f32 to vector<16xf32>
        %mul3A_506 = arith.mulf %mul3A_505, %get3A_504 : vector<16xf32>
        %add3A_507 = arith.addf %add3A_499, %mul3A_506 : vector<16xf32>
        %swap3A_508 = arith.index_cast %while3A_231 : i32 to index
        %swap3A_509 = arith.constant 48 : index
        %swap3A_510 = tpu.vector_load %arg11[%swap3A_508, %swap3A_509] {strides = array<i32>} : memref<128x64xf32, #tpu.memory_space<vmem>>, vector<16xf32>,
        tpu.vector_store %arg11[%swap3A_508, %swap3A_509], %add3A_507 {strides = array<i32>} : memref<128x64xf32, #tpu.memory_space<vmem>>, vector<16xf32>,
      }
      %while3A_230 = arith.constant 1 : i32
      scf.for %while3A_231 = %while3A_228 to %while3A_224 step %while3A_230  : i32 {
        %get3A = arith.index_cast %while3A_231 : i32 to index
        %get3A_232 = arith.constant 0 : index
        %get3A_233 = tpu.vector_load %arg9[%get3A, %get3A_232] {strides = array<i32>} : memref<128x16xf32, #tpu.memory_space<vmem>>, vector<16xf32>,
        %slice3A = vector.extract_strided_slice %get3A_233 {offsets = [0], sizes = [1], strides = [1]} : vector<16xf32> to vector<1xf32>
        %squeeze3A = vector.extract %slice3A[0] : f32 from vector<1xf32>
        %slice3A_234 = vector.extract_strided_slice %get3A_233 {offsets = [1], sizes = [1], strides = [1]} : vector<16xf32> to vector<1xf32>
        %squeeze3A_235 = vector.extract %slice3A_234[0] : f32 from vector<1xf32>
        %slice3A_236 = vector.extract_strided_slice %get3A_233 {offsets = [2], sizes = [1], strides = [1]} : vector<16xf32> to vector<1xf32>
        %squeeze3A_237 = vector.extract %slice3A_236[0] : f32 from vector<1xf32>
        %slice3A_238 = vector.extract_strided_slice %get3A_233 {offsets = [3], sizes = [1], strides = [1]} : vector<16xf32> to vector<1xf32>
        %squeeze3A_239 = vector.extract %slice3A_238[0] : f32 from vector<1xf32>
        %slice3A_240 = vector.extract_strided_slice %get3A_233 {offsets = [4], sizes = [1], strides = [1]} : vector<16xf32> to vector<1xf32>
        %squeeze3A_241 = vector.extract %slice3A_240[0] : f32 from vector<1xf32>
        %slice3A_242 = vector.extract_strided_slice %get3A_233 {offsets = [5], sizes = [1], strides = [1]} : vector<16xf32> to vector<1xf32>
        %squeeze3A_243 = vector.extract %slice3A_242[0] : f32 from vector<1xf32>
        %slice3A_244 = vector.extract_strided_slice %get3A_233 {offsets = [6], sizes = [1], strides = [1]} : vector<16xf32> to vector<1xf32>
        %squeeze3A_245 = vector.extract %slice3A_244[0] : f32 from vector<1xf32>
        %slice3A_246 = vector.extract_strided_slice %get3A_233 {offsets = [7], sizes = [1], strides = [1]} : vector<16xf32> to vector<1xf32>
        %squeeze3A_247 = vector.extract %slice3A_246[0] : f32 from vector<1xf32>
        %get3A_248 = arith.constant 0 : i32
        %get3A_249 = arith.index_cast %get3A_248 : i32 to index
        %get3A_250 = arith.index_cast %while3A_231 : i32 to index
        %get3A_251 = arith.constant 0 : index
        %get3A_252 = tpu.vector_load %arg10[%get3A_249, %get3A_250, %get3A_251] {strides = array<i32>} : memref<8x128x64xf32, #tpu.memory_space<vmem>>, vector<16xf32>,
        %mul3A_253 = vector.broadcast %squeeze3A : f32 to vector<16xf32>
        %mul3A_254 = arith.mulf %mul3A_253, %get3A_252 : vector<16xf32>
        %get3A_255 = arith.constant 1 : i32
        %get3A_256 = arith.index_cast %get3A_255 : i32 to index
        %get3A_257 = arith.index_cast %while3A_231 : i32 to index
        %get3A_258 = arith.constant 0 : index
        %get3A_259 = tpu.vector_load %arg10[%get3A_256, %get3A_257, %get3A_258] {strides = array<i32>} : memref<8x128x64xf32, #tpu.memory_space<vmem>>, vector<16xf32>,
        %mul3A_260 = vector.broadcast %squeeze3A_235 : f32 to vector<16xf32>
        %mul3A_261 = arith.mulf %mul3A_260, %get3A_259 : vector<16xf32>
        %add3A_262 = arith.addf %mul3A_254, %mul3A_261 : vector<16xf32>
        %get3A_263 = arith.constant 2 : i32
        %get3A_264 = arith.index_cast %get3A_263 : i32 to index
        %get3A_265 = arith.index_cast %while3A_231 : i32 to index
        %get3A_266 = arith.constant 0 : index
        %get3A_267 = tpu.vector_load %arg10[%get3A_264, %get3A_265, %get3A_266] {strides = array<i32>} : memref<8x128x64xf32, #tpu.memory_space<vmem>>, vector<16xf32>,
        %mul3A_268 = vector.broadcast %squeeze3A_237 : f32 to vector<16xf32>
        %mul3A_269 = arith.mulf %mul3A_268, %get3A_267 : vector<16xf32>
        %add3A_270 = arith.addf %add3A_262, %mul3A_269 : vector<16xf32>
        %get3A_271 = arith.constant 3 : i32
        %get3A_272 = arith.index_cast %get3A_271 : i32 to index
        %get3A_273 = arith.index_cast %while3A_231 : i32 to index
        %get3A_274 = arith.constant 0 : index
        %get3A_275 = tpu.vector_load %arg10[%get3A_272, %get3A_273, %get3A_274] {strides = array<i32>} : memref<8x128x64xf32, #tpu.memory_space<vmem>>, vector<16xf32>,
        %mul3A_276 = vector.broadcast %squeeze3A_239 : f32 to vector<16xf32>
        %mul3A_277 = arith.mulf %mul3A_276, %get3A_275 : vector<16xf32>
        %add3A_278 = arith.addf %add3A_270, %mul3A_277 : vector<16xf32>
        %get3A_279 = arith.constant 4 : i32
        %get3A_280 = arith.index_cast %get3A_279 : i32 to index
        %get3A_281 = arith.index_cast %while3A_231 : i32 to index
        %get3A_282 = arith.constant 0 : index
        %get3A_283 = tpu.vector_load %arg10[%get3A_280, %get3A_281, %get3A_282] {strides = array<i32>} : memref<8x128x64xf32, #tpu.memory_space<vmem>>, vector<16xf32>,
        %mul3A_284 = vector.broadcast %squeeze3A_241 : f32 to vector<16xf32>
        %mul3A_285 = arith.mulf %mul3A_284, %get3A_283 : vector<16xf32>
        %add3A_286 = arith.addf %add3A_278, %mul3A_285 : vector<16xf32>
        %get3A_287 = arith.constant 5 : i32
        %get3A_288 = arith.index_cast %get3A_287 : i32 to index
        %get3A_289 = arith.index_cast %while3A_231 : i32 to index
        %get3A_290 = arith.constant 0 : index
        %get3A_291 = tpu.vector_load %arg10[%get3A_288, %get3A_289, %get3A_290] {strides = array<i32>} : memref<8x128x64xf32, #tpu.memory_space<vmem>>, vector<16xf32>,
        %mul3A_292 = vector.broadcast %squeeze3A_243 : f32 to vector<16xf32>
        %mul3A_293 = arith.mulf %mul3A_292, %get3A_291 : vector<16xf32>
        %add3A_294 = arith.addf %add3A_286, %mul3A_293 : vector<16xf32>
        %get3A_295 = arith.constant 6 : i32
        %get3A_296 = arith.index_cast %get3A_295 : i32 to index
        %get3A_297 = arith.index_cast %while3A_231 : i32 to index
        %get3A_298 = arith.constant 0 : index
        %get3A_299 = tpu.vector_load %arg10[%get3A_296, %get3A_297, %get3A_298] {strides = array<i32>} : memref<8x128x64xf32, #tpu.memory_space<vmem>>, vector<16xf32>,
        %mul3A_300 = vector.broadcast %squeeze3A_245 : f32 to vector<16xf32>
        %mul3A_301 = arith.mulf %mul3A_300, %get3A_299 : vector<16xf32>
        %add3A_302 = arith.addf %add3A_294, %mul3A_301 : vector<16xf32>
        %get3A_303 = arith.constant 7 : i32
        %get3A_304 = arith.index_cast %get3A_303 : i32 to index
        %get3A_305 = arith.index_cast %while3A_231 : i32 to index
        %get3A_306 = arith.constant 0 : index
        %get3A_307 = tpu.vector_load %arg10[%get3A_304, %get3A_305, %get3A_306] {strides = array<i32>} : memref<8x128x64xf32, #tpu.memory_space<vmem>>, vector<16xf32>,
        %mul3A_308 = vector.broadcast %squeeze3A_247 : f32 to vector<16xf32>
        %mul3A_309 = arith.mulf %mul3A_308, %get3A_307 : vector<16xf32>
        %add3A_310 = arith.addf %add3A_302, %mul3A_309 : vector<16xf32>
        %swap3A = arith.index_cast %while3A_231 : i32 to index
        %swap3A_311 = arith.constant 0 : index
        %swap3A_312 = tpu.vector_load %arg11[%swap3A, %swap3A_311] {strides = array<i32>} : memref<128x64xf32, #tpu.memory_space<vmem>>, vector<16xf32>,
        tpu.vector_store %arg11[%swap3A, %swap3A_311], %add3A_310 {strides = array<i32>} : memref<128x64xf32, #tpu.memory_space<vmem>>, vector<16xf32>,
        %get3A_313 = arith.constant 0 : i32
        %get3A_314 = arith.index_cast %get3A_313 : i32 to index
        %get3A_315 = arith.index_cast %while3A_231 : i32 to index
        %get3A_316 = arith.constant 16 : index
        %get3A_317 = tpu.vector_load %arg10[%get3A_314, %get3A_315, %get3A_316] {strides = array<i32>} : memref<8x128x64xf32, #tpu.memory_space<vmem>>, vector<16xf32>,
        %mul3A_318 = vector.broadcast %squeeze3A : f32 to vector<16xf32>
        %mul3A_319 = arith.mulf %mul3A_318, %get3A_317 : vector<16xf32>
        %get3A_320 = arith.constant 1 : i32
        %get3A_321 = arith.index_cast %get3A_320 : i32 to index
        %get3A_322 = arith.index_cast %while3A_231 : i32 to index
        %get3A_323 = arith.constant 16 : index
        %get3A_324 = tpu.vector_load %arg10[%get3A_321, %get3A_322, %get3A_323] {strides = array<i32>} : memref<8x128x64xf32, #tpu.memory_space<vmem>>, vector<16xf32>,
        %mul3A_325 = vector.broadcast %squeeze3A_235 : f32 to vector<16xf32>
        %mul3A_326 = arith.mulf %mul3A_325, %get3A_324 : vector<16xf32>
        %add3A_327 = arith.addf %mul3A_319, %mul3A_326 : vector<16xf32>
        %get3A_328 = arith.constant 2 : i32
        %get3A_329 = arith.index_cast %get3A_328 : i32 to index
        %get3A_330 = arith.index_cast %while3A_231 : i32 to index
        %get3A_331 = arith.constant 16 : index
        %get3A_332 = tpu.vector_load %arg10[%get3A_329, %get3A_330, %get3A_331] {strides = array<i32>} : memref<8x128x64xf32, #tpu.memory_space<vmem>>, vector<16xf32>,
        %mul3A_333 = vector.broadcast %squeeze3A_237 : f32 to vector<16xf32>
        %mul3A_334 = arith.mulf %mul3A_333, %get3A_332 : vector<16xf32>
        %add3A_335 = arith.addf %add3A_327, %mul3A_334 : vector<16xf32>
        %get3A_336 = arith.constant 3 : i32
        %get3A_337 = arith.index_cast %get3A_336 : i32 to index
        %get3A_338 = arith.index_cast %while3A_231 : i32 to index
        %get3A_339 = arith.constant 16 : index
        %get3A_340 = tpu.vector_load %arg10[%get3A_337, %get3A_338, %get3A_339] {strides = array<i32>} : memref<8x128x64xf32, #tpu.memory_space<vmem>>, vector<16xf32>,
        %mul3A_341 = vector.broadcast %squeeze3A_239 : f32 to vector<16xf32>
        %mul3A_342 = arith.mulf %mul3A_341, %get3A_340 : vector<16xf32>
        %add3A_343 = arith.addf %add3A_335, %mul3A_342 : vector<16xf32>
        %get3A_344 = arith.constant 4 : i32
        %get3A_345 = arith.index_cast %get3A_344 : i32 to index
        %get3A_346 = arith.index_cast %while3A_231 : i32 to index
        %get3A_347 = arith.constant 16 : index
        %get3A_348 = tpu.vector_load %arg10[%get3A_345, %get3A_346, %get3A_347] {strides = array<i32>} : memref<8x128x64xf32, #tpu.memory_space<vmem>>, vector<16xf32>,
        %mul3A_349 = vector.broadcast %squeeze3A_241 : f32 to vector<16xf32>
        %mul3A_350 = arith.mulf %mul3A_349, %get3A_348 : vector<16xf32>
        %add3A_351 = arith.addf %add3A_343, %mul3A_350 : vector<16xf32>
        %get3A_352 = arith.constant 5 : i32
        %get3A_353 = arith.index_cast %get3A_352 : i32 to index
        %get3A_354 = arith.index_cast %while3A_231 : i32 to index
        %get3A_355 = arith.constant 16 : index
        %get3A_356 = tpu.vector_load %arg10[%get3A_353, %get3A_354, %get3A_355] {strides = array<i32>} : memref<8x128x64xf32, #tpu.memory_space<vmem>>, vector<16xf32>,
        %mul3A_357 = vector.broadcast %squeeze3A_243 : f32 to vector<16xf32>
        %mul3A_358 = arith.mulf %mul3A_357, %get3A_356 : vector<16xf32>
        %add3A_359 = arith.addf %add3A_351, %mul3A_358 : vector<16xf32>
        %get3A_360 = arith.constant 6 : i32
        %get3A_361 = arith.index_cast %get3A_360 : i32 to index
        %get3A_362 = arith.index_cast %while3A_231 : i32 to index
        %get3A_363 = arith.constant 16 : index
        %get3A_364 = tpu.vector_load %arg10[%get3A_361, %get3A_362, %get3A_363] {strides = array<i32>} : memref<8x128x64xf32, #tpu.memory_space<vmem>>, vector<16xf32>,
        %mul3A_365 = vector.broadcast %squeeze3A_245 : f32 to vector<16xf32>
        %mul3A_366 = arith.mulf %mul3A_365, %get3A_364 : vector<16xf32>
        %add3A_367 = arith.addf %add3A_359, %mul3A_366 : vector<16xf32>
        %get3A_368 = arith.constant 7 : i32
        %get3A_369 = arith.index_cast %get3A_368 : i32 to index
        %get3A_370 = arith.index_cast %while3A_231 : i32 to index
        %get3A_371 = arith.constant 16 : index
        %get3A_372 = tpu.vector_load %arg10[%get3A_369, %get3A_370, %get3A_371] {strides = array<i32>} : memref<8x128x64xf32, #tpu.memory_space<vmem>>, vector<16xf32>,
        %mul3A_373 = vector.broadcast %squeeze3A_247 : f32 to vector<16xf32>
        %mul3A_374 = arith.mulf %mul3A_373, %get3A_372 : vector<16xf32>
        %add3A_375 = arith.addf %add3A_367, %mul3A_374 : vector<16xf32>
        %swap3A_376 = arith.index_cast %while3A_231 : i32 to index
        %swap3A_377 = arith.constant 16 : index
        %swap3A_378 = tpu.vector_load %arg11[%swap3A_376, %swap3A_377] {strides = array<i32>} : memref<128x64xf32, #tpu.memory_space<vmem>>, vector<16xf32>,
        tpu.vector_store %arg11[%swap3A_376, %swap3A_377], %add3A_375 {strides = array<i32>} : memref<128x64xf32, #tpu.memory_space<vmem>>, vector<16xf32>,
        %get3A_379 = arith.constant 0 : i32
        %get3A_380 = arith.index_cast %get3A_379 : i32 to index
        %get3A_381 = arith.index_cast %while3A_231 : i32 to index
        %get3A_382 = arith.constant 32 : index
        %get3A_383 = tpu.vector_load %arg10[%get3A_380, %get3A_381, %get3A_382] {strides = array<i32>} : memref<8x128x64xf32, #tpu.memory_space<vmem>>, vector<16xf32>,
        %mul3A_384 = vector.broadcast %squeeze3A : f32 to vector<16xf32>
        %mul3A_385 = arith.mulf %mul3A_384, %get3A_383 : vector<16xf32>
        %get3A_386 = arith.constant 1 : i32
        %get3A_387 = arith.index_cast %get3A_386 : i32 to index
        %get3A_388 = arith.index_cast %while3A_231 : i32 to index
        %get3A_389 = arith.constant 32 : index
        %get3A_390 = tpu.vector_load %arg10[%get3A_387, %get3A_388, %get3A_389] {strides = array<i32>} : memref<8x128x64xf32, #tpu.memory_space<vmem>>, vector<16xf32>,
        %mul3A_391 = vector.broadcast %squeeze3A_235 : f32 to vector<16xf32>
        %mul3A_392 = arith.mulf %mul3A_391, %get3A_390 : vector<16xf32>
        %add3A_393 = arith.addf %mul3A_385, %mul3A_392 : vector<16xf32>
        %get3A_394 = arith.constant 2 : i32
        %get3A_395 = arith.index_cast %get3A_394 : i32 to index
        %get3A_396 = arith.index_cast %while3A_231 : i32 to index
        %get3A_397 = arith.constant 32 : index
        %get3A_398 = tpu.vector_load %arg10[%get3A_395, %get3A_396, %get3A_397] {strides = array<i32>} : memref<8x128x64xf32, #tpu.memory_space<vmem>>, vector<16xf32>,
        %mul3A_399 = vector.broadcast %squeeze3A_237 : f32 to vector<16xf32>
        %mul3A_400 = arith.mulf %mul3A_399, %get3A_398 : vector<16xf32>
        %add3A_401 = arith.addf %add3A_393, %mul3A_400 : vector<16xf32>
        %get3A_402 = arith.constant 3 : i32
        %get3A_403 = arith.index_cast %get3A_402 : i32 to index
        %get3A_404 = arith.index_cast %while3A_231 : i32 to index
        %get3A_405 = arith.constant 32 : index
        %get3A_406 = tpu.vector_load %arg10[%get3A_403, %get3A_404, %get3A_405] {strides = array<i32>} : memref<8x128x64xf32, #tpu.memory_space<vmem>>, vector<16xf32>,
        %mul3A_407 = vector.broadcast %squeeze3A_239 : f32 to vector<16xf32>
        %mul3A_408 = arith.mulf %mul3A_407, %get3A_406 : vector<16xf32>
        %add3A_409 = arith.addf %add3A_401, %mul3A_408 : vector<16xf32>
        %get3A_410 = arith.constant 4 : i32
        %get3A_411 = arith.index_cast %get3A_410 : i32 to index
        %get3A_412 = arith.index_cast %while3A_231 : i32 to index
        %get3A_413 = arith.constant 32 : index
        %get3A_414 = tpu.vector_load %arg10[%get3A_411, %get3A_412, %get3A_413] {strides = array<i32>} : memref<8x128x64xf32, #tpu.memory_space<vmem>>, vector<16xf32>,
        %mul3A_415 = vector.broadcast %squeeze3A_241 : f32 to vector<16xf32>
        %mul3A_416 = arith.mulf %mul3A_415, %get3A_414 : vector<16xf32>
        %add3A_417 = arith.addf %add3A_409, %mul3A_416 : vector<16xf32>
        %get3A_418 = arith.constant 5 : i32
        %get3A_419 = arith.index_cast %get3A_418 : i32 to index
        %get3A_420 = arith.index_cast %while3A_231 : i32 to index
        %get3A_421 = arith.constant 32 : index
        %get3A_422 = tpu.vector_load %arg10[%get3A_419, %get3A_420, %get3A_421] {strides = array<i32>} : memref<8x128x64xf32, #tpu.memory_space<vmem>>, vector<16xf32>,
        %mul3A_423 = vector.broadcast %squeeze3A_243 : f32 to vector<16xf32>
        %mul3A_424 = arith.mulf %mul3A_423, %get3A_422 : vector<16xf32>
        %add3A_425 = arith.addf %add3A_417, %mul3A_424 : vector<16xf32>
        %get3A_426 = arith.constant 6 : i32
        %get3A_427 = arith.index_cast %get3A_426 : i32 to index
        %get3A_428 = arith.index_cast %while3A_231 : i32 to index
        %get3A_429 = arith.constant 32 : index
        %get3A_430 = tpu.vector_load %arg10[%get3A_427, %get3A_428, %get3A_429] {strides = array<i32>} : memref<8x128x64xf32, #tpu.memory_space<vmem>>, vector<16xf32>,
        %mul3A_431 = vector.broadcast %squeeze3A_245 : f32 to vector<16xf32>
        %mul3A_432 = arith.mulf %mul3A_431, %get3A_430 : vector<16xf32>
        %add3A_433 = arith.addf %add3A_425, %mul3A_432 : vector<16xf32>
        %get3A_434 = arith.constant 7 : i32
        %get3A_435 = arith.index_cast %get3A_434 : i32 to index
        %get3A_436 = arith.index_cast %while3A_231 : i32 to index
        %get3A_437 = arith.constant 32 : index
        %get3A_438 = tpu.vector_load %arg10[%get3A_435, %get3A_436, %get3A_437] {strides = array<i32>} : memref<8x128x64xf32, #tpu.memory_space<vmem>>, vector<16xf32>,
        %mul3A_439 = vector.broadcast %squeeze3A_247 : f32 to vector<16xf32>
        %mul3A_440 = arith.mulf %mul3A_439, %get3A_438 : vector<16xf32>
        %add3A_441 = arith.addf %add3A_433, %mul3A_440 : vector<16xf32>
        %swap3A_442 = arith.index_cast %while3A_231 : i32 to index
        %swap3A_443 = arith.constant 32 : index
        %swap3A_444 = tpu.vector_load %arg11[%swap3A_442, %swap3A_443] {strides = array<i32>} : memref<128x64xf32, #tpu.memory_space<vmem>>, vector<16xf32>,
        tpu.vector_store %arg11[%swap3A_442, %swap3A_443], %add3A_441 {strides = array<i32>} : memref<128x64xf32, #tpu.memory_space<vmem>>, vector<16xf32>,
        %get3A_445 = arith.constant 0 : i32
        %get3A_446 = arith.index_cast %get3A_445 : i32 to index
        %get3A_447 = arith.index_cast %while3A_231 : i32 to index
        %get3A_448 = arith.constant 48 : index
        %get3A_449 = tpu.vector_load %arg10[%get3A_446, %get3A_447, %get3A_448] {strides = array<i32>} : memref<8x128x64xf32, #tpu.memory_space<vmem>>, vector<16xf32>,
        %mul3A_450 = vector.broadcast %squeeze3A : f32 to vector<16xf32>
        %mul3A_451 = arith.mulf %mul3A_450, %get3A_449 : vector<16xf32>
        %get3A_452 = arith.constant 1 : i32
        %get3A_453 = arith.index_cast %get3A_452 : i32 to index
        %get3A_454 = arith.index_cast %while3A_231 : i32 to index
        %get3A_455 = arith.constant 48 : index
        %get3A_456 = tpu.vector_load %arg10[%get3A_453, %get3A_454, %get3A_455] {strides = array<i32>} : memref<8x128x64xf32, #tpu.memory_space<vmem>>, vector<16xf32>,
        %mul3A_457 = vector.broadcast %squeeze3A_235 : f32 to vector<16xf32>
        %mul3A_458 = arith.mulf %mul3A_457, %get3A_456 : vector<16xf32>
        %add3A_459 = arith.addf %mul3A_451, %mul3A_458 : vector<16xf32>
        %get3A_460 = arith.constant 2 : i32
        %get3A_461 = arith.index_cast %get3A_460 : i32 to index
        %get3A_462 = arith.index_cast %while3A_231 : i32 to index
        %get3A_463 = arith.constant 48 : index
        %get3A_464 = tpu.vector_load %arg10[%get3A_461, %get3A_462, %get3A_463] {strides = array<i32>} : memref<8x128x64xf32, #tpu.memory_space<vmem>>, vector<16xf32>,
        %mul3A_465 = vector.broadcast %squeeze3A_237 : f32 to vector<16xf32>
        %mul3A_466 = arith.mulf %mul3A_465, %get3A_464 : vector<16xf32>
        %add3A_467 = arith.addf %add3A_459, %mul3A_466 : vector<16xf32>
        %get3A_468 = arith.constant 3 : i32
        %get3A_469 = arith.index_cast %get3A_468 : i32 to index
        %get3A_470 = arith.index_cast %while3A_231 : i32 to index
        %get3A_471 = arith.constant 48 : index
        %get3A_472 = tpu.vector_load %arg10[%get3A_469, %get3A_470, %get3A_471] {strides = array<i32>} : memref<8x128x64xf32, #tpu.memory_space<vmem>>, vector<16xf32>,
        %mul3A_473 = vector.broadcast %squeeze3A_239 : f32 to vector<16xf32>
        %mul3A_474 = arith.mulf %mul3A_473, %get3A_472 : vector<16xf32>
        %add3A_475 = arith.addf %add3A_467, %mul3A_474 : vector<16xf32>
        %get3A_476 = arith.constant 4 : i32
        %get3A_477 = arith.index_cast %get3A_476 : i32 to index
        %get3A_478 = arith.index_cast %while3A_231 : i32 to index
        %get3A_479 = arith.constant 48 : index
        %get3A_480 = tpu.vector_load %arg10[%get3A_477, %get3A_478, %get3A_479] {strides = array<i32>} : memref<8x128x64xf32, #tpu.memory_space<vmem>>, vector<16xf32>,
        %mul3A_481 = vector.broadcast %squeeze3A_241 : f32 to vector<16xf32>
        %mul3A_482 = arith.mulf %mul3A_481, %get3A_480 : vector<16xf32>
        %add3A_483 = arith.addf %add3A_475, %mul3A_482 : vector<16xf32>
        %get3A_484 = arith.constant 5 : i32
        %get3A_485 = arith.index_cast %get3A_484 : i32 to index
        %get3A_486 = arith.index_cast %while3A_231 : i32 to index
        %get3A_487 = arith.constant 48 : index
        %get3A_488 = tpu.vector_load %arg10[%get3A_485, %get3A_486, %get3A_487] {strides = array<i32>} : memref<8x128x64xf32, #tpu.memory_space<vmem>>, vector<16xf32>,
        %mul3A_489 = vector.broadcast %squeeze3A_243 : f32 to vector<16xf32>
        %mul3A_490 = arith.mulf %mul3A_489, %get3A_488 : vector<16xf32>
        %add3A_491 = arith.addf %add3A_483, %mul3A_490 : vector<16xf32>
        %get3A_492 = arith.constant 6 : i32
        %get3A_493 = arith.index_cast %get3A_492 : i32 to index
        %get3A_494 = arith.index_cast %while3A_231 : i32 to index
        %get3A_495 = arith.constant 48 : index
        %get3A_496 = tpu.vector_load %arg10[%get3A_493, %get3A_494, %get3A_495] {strides = array<i32>} : memref<8x128x64xf32, #tpu.memory_space<vmem>>, vector<16xf32>,
        %mul3A_497 = vector.broadcast %squeeze3A_245 : f32 to vector<16xf32>
        %mul3A_498 = arith.mulf %mul3A_497, %get3A_496 : vector<16xf32>
        %add3A_499 = arith.addf %add3A_491, %mul3A_498 : vector<16xf32>
        %get3A_500 = arith.constant 7 : i32
        %get3A_501 = arith.index_cast %get3A_500 : i32 to index
        %get3A_502 = arith.index_cast %while3A_231 : i32 to index
        %get3A_503 = arith.constant 48 : index
        %get3A_504 = tpu.vector_load %arg10[%get3A_501, %get3A_502, %get3A_503] {strides = array<i32>} : memref<8x128x64xf32, #tpu.memory_space<vmem>>, vector<16xf32>,
        %mul3A_505 = vector.broadcast %squeeze3A_247 : f32 to vector<16xf32>
        %mul3A_506 = arith.mulf %mul3A_505, %get3A_504 : vector<16xf32>
        %add3A_507 = arith.addf %add3A_499, %mul3A_506 : vector<16xf32>
        %swap3A_508 = arith.index_cast %while3A_231 : i32 to index
        %swap3A_509 = arith.constant 48 : index
        %swap3A_510 = tpu.vector_load %arg11[%swap3A_508, %swap3A_509] {strides = array<i32>} : memref<128x64xf32, #tpu.memory_space<vmem>>, vector<16xf32>,
        tpu.vector_store %arg11[%swap3A_508, %swap3A_509], %add3A_507 {strides = array<i32>} : memref<128x64xf32, #tpu.memory_space<vmem>>, vector<16xf32>,
      }
      "tpu.region"() ({
        %run_scoped3A_231 = tpu.sem_alloc : memref<!tpu.dma_semaphore, #tpu.memory_space<semaphore_mem>>
        %dma_start3A_232 = arith.constant 0 : i32
        %dma_start3A_233 = tpu.memref_slice %arg6[%add3A_16, %dma_start3A_232] : memref<131072x64xf32, #tpu.memory_space<hbm>> -> memref<128x64xf32, #tpu.memory_space<hbm>>
        %dma_start3A_234 = arith.constant 0 : i32
        %dma_start3A_235 = tpu.memref_slice %arg6[%add3A_16, %dma_start3A_234] : memref<131072x64xf32, #tpu.memory_space<hbm>> -> memref<128x64xf32, #tpu.memory_space<hbm>>
        tpu.enqueue_dma source(%arg11 : memref<128x64xf32, #tpu.memory_space<vmem>>) target(%dma_start3A_235 : memref<128x64xf32, #tpu.memory_space<hbm>>) target_semaphore(%run_scoped3A_231 : memref<!tpu.dma_semaphore, #tpu.memory_space<semaphore_mem>>)
        %dma_wait3A_236 = arith.constant 0 : i32
        %dma_wait3A_237 = tpu.memref_slice %arg6[%add3A_16, %dma_wait3A_236] : memref<131072x64xf32, #tpu.memory_space<hbm>> -> memref<128x64xf32, #tpu.memory_space<hbm>>
        %dma_wait3A_238 = arith.constant 0 : i32
        %dma_wait3A_239 = tpu.memref_slice %arg6[%add3A_16, %dma_wait3A_238] : memref<131072x64xf32, #tpu.memory_space<hbm>> -> memref<128x64xf32, #tpu.memory_space<hbm>>
        tpu.wait_dma2 semaphore(%run_scoped3A_231 : memref<!tpu.dma_semaphore, #tpu.memory_space<semaphore_mem>>) src(%arg11 : memref<128x64xf32, #tpu.memory_space<vmem>>) dst(%dma_wait3A_239 : memref<128x64xf32, #tpu.memory_space<hbm>>)
        tpu.yield
      }) : () -> ()
    }
    %while3A_12 = arith.constant 1 : i32
    scf.for %while3A_13 = %while3A_10 to %while3A_6 step %while3A_12  : i32 {
      %mul3A_14 = arith.constant 128 : i32
      %mul3A_15 = arith.muli %while3A_13, %mul3A_14 : i32
      %add3A_16 = arith.addi %mul3A_2, %mul3A_15 : i32
      %run_scoped3A = arith.constant 0 : i32
      "tpu.region"() ({
        %run_scoped3A_231 = tpu.sem_alloc : memref<!tpu.dma_semaphore, #tpu.memory_space<semaphore_mem>>
        %dma_start3A_232 = arith.constant 0 : i32
        %dma_start3A_233 = tpu.memref_slice %arg7[%run_scoped3A, %dma_start3A_232] : memref<3x128xf32, #tpu.memory_space<vmem>> -> memref<1x128xf32, #tpu.memory_space<vmem>>
        %dma_start3A_234 = tpu.memref_squeeze %dma_start3A_233 : memref<1x128xf32, #tpu.memory_space<vmem>> -> memref<128xf32, #tpu.memory_space<vmem>>
        %dma_start3A_235 = tpu.memref_slice %arg2[%add3A_16] : memref<131072xf32, #tpu.memory_space<hbm>> -> memref<128xf32, #tpu.memory_space<hbm>>
        %dma_start3A_236 = arith.constant 0 : i32
        %dma_start3A_237 = tpu.memref_slice %arg7[%run_scoped3A, %dma_start3A_236] : memref<3x128xf32, #tpu.memory_space<vmem>> -> memref<1x128xf32, #tpu.memory_space<vmem>>
        %dma_start3A_238 = tpu.memref_squeeze %dma_start3A_237 : memref<1x128xf32, #tpu.memory_space<vmem>> -> memref<128xf32, #tpu.memory_space<vmem>>
        %dma_start3A_239 = tpu.memref_slice %arg2[%add3A_16] : memref<131072xf32, #tpu.memory_space<hbm>> -> memref<128xf32, #tpu.memory_space<hbm>>
        tpu.enqueue_dma source(%dma_start3A_239 : memref<128xf32, #tpu.memory_space<hbm>>) target(%dma_start3A_238 : memref<128xf32, #tpu.memory_space<vmem>>) target_semaphore(%run_scoped3A_231 : memref<!tpu.dma_semaphore, #tpu.memory_space<semaphore_mem>>)
        %dma_wait3A_240 = arith.constant 0 : i32
        %dma_wait3A_241 = tpu.memref_slice %arg7[%run_scoped3A, %dma_wait3A_240] : memref<3x128xf32, #tpu.memory_space<vmem>> -> memref<1x128xf32, #tpu.memory_space<vmem>>
        %dma_wait3A_242 = tpu.memref_squeeze %dma_wait3A_241 : memref<1x128xf32, #tpu.memory_space<vmem>> -> memref<128xf32, #tpu.memory_space<vmem>>
        %dma_wait3A_243 = tpu.memref_slice %arg2[%add3A_16] : memref<131072xf32, #tpu.memory_space<hbm>> -> memref<128xf32, #tpu.memory_space<hbm>>
        %dma_wait3A_244 = arith.constant 0 : i32
        %dma_wait3A_245 = tpu.memref_slice %arg7[%run_scoped3A, %dma_wait3A_244] : memref<3x128xf32, #tpu.memory_space<vmem>> -> memref<1x128xf32, #tpu.memory_space<vmem>>
        %dma_wait3A_246 = tpu.memref_squeeze %dma_wait3A_245 : memref<1x128xf32, #tpu.memory_space<vmem>> -> memref<128xf32, #tpu.memory_space<vmem>>
        %dma_wait3A_247 = tpu.memref_slice %arg2[%add3A_16] : memref<131072xf32, #tpu.memory_space<hbm>> -> memref<128xf32, #tpu.memory_space<hbm>>
        tpu.wait_dma2 semaphore(%run_scoped3A_231 : memref<!tpu.dma_semaphore, #tpu.memory_space<semaphore_mem>>) src(%dma_wait3A_247 : memref<128xf32, #tpu.memory_space<hbm>>) dst(%dma_wait3A_246 : memref<128xf32, #tpu.memory_space<vmem>>)
        tpu.yield
      }) : () -> ()
      %run_scoped3A_17 = arith.constant 1 : i32
      "tpu.region"() ({
        %run_scoped3A_231 = tpu.sem_alloc : memref<!tpu.dma_semaphore, #tpu.memory_space<semaphore_mem>>
        %dma_start3A_232 = arith.constant 0 : i32
        %dma_start3A_233 = tpu.memref_slice %arg7[%run_scoped3A_17, %dma_start3A_232] : memref<3x128xf32, #tpu.memory_space<vmem>> -> memref<1x128xf32, #tpu.memory_space<vmem>>
        %dma_start3A_234 = tpu.memref_squeeze %dma_start3A_233 : memref<1x128xf32, #tpu.memory_space<vmem>> -> memref<128xf32, #tpu.memory_space<vmem>>
        %dma_start3A_235 = tpu.memref_slice %arg3[%add3A_16] : memref<131072xf32, #tpu.memory_space<hbm>> -> memref<128xf32, #tpu.memory_space<hbm>>
        %dma_start3A_236 = arith.constant 0 : i32
        %dma_start3A_237 = tpu.memref_slice %arg7[%run_scoped3A_17, %dma_start3A_236] : memref<3x128xf32, #tpu.memory_space<vmem>> -> memref<1x128xf32, #tpu.memory_space<vmem>>
        %dma_start3A_238 = tpu.memref_squeeze %dma_start3A_237 : memref<1x128xf32, #tpu.memory_space<vmem>> -> memref<128xf32, #tpu.memory_space<vmem>>
        %dma_start3A_239 = tpu.memref_slice %arg3[%add3A_16] : memref<131072xf32, #tpu.memory_space<hbm>> -> memref<128xf32, #tpu.memory_space<hbm>>
        tpu.enqueue_dma source(%dma_start3A_239 : memref<128xf32, #tpu.memory_space<hbm>>) target(%dma_start3A_238 : memref<128xf32, #tpu.memory_space<vmem>>) target_semaphore(%run_scoped3A_231 : memref<!tpu.dma_semaphore, #tpu.memory_space<semaphore_mem>>)
        %dma_wait3A_240 = arith.constant 0 : i32
        %dma_wait3A_241 = tpu.memref_slice %arg7[%run_scoped3A_17, %dma_wait3A_240] : memref<3x128xf32, #tpu.memory_space<vmem>> -> memref<1x128xf32, #tpu.memory_space<vmem>>
        %dma_wait3A_242 = tpu.memref_squeeze %dma_wait3A_241 : memref<1x128xf32, #tpu.memory_space<vmem>> -> memref<128xf32, #tpu.memory_space<vmem>>
        %dma_wait3A_243 = tpu.memref_slice %arg3[%add3A_16] : memref<131072xf32, #tpu.memory_space<hbm>> -> memref<128xf32, #tpu.memory_space<hbm>>
        %dma_wait3A_244 = arith.constant 0 : i32
        %dma_wait3A_245 = tpu.memref_slice %arg7[%run_scoped3A_17, %dma_wait3A_244] : memref<3x128xf32, #tpu.memory_space<vmem>> -> memref<1x128xf32, #tpu.memory_space<vmem>>
        %dma_wait3A_246 = tpu.memref_squeeze %dma_wait3A_245 : memref<1x128xf32, #tpu.memory_space<vmem>> -> memref<128xf32, #tpu.memory_space<vmem>>
        %dma_wait3A_247 = tpu.memref_slice %arg3[%add3A_16] : memref<131072xf32, #tpu.memory_space<hbm>> -> memref<128xf32, #tpu.memory_space<hbm>>
        tpu.wait_dma2 semaphore(%run_scoped3A_231 : memref<!tpu.dma_semaphore, #tpu.memory_space<semaphore_mem>>) src(%dma_wait3A_247 : memref<128xf32, #tpu.memory_space<hbm>>) dst(%dma_wait3A_246 : memref<128xf32, #tpu.memory_space<vmem>>)
        tpu.yield
      }) : () -> ()
      %run_scoped3A_18 = arith.constant 2 : i32
      "tpu.region"() ({
        %run_scoped3A_231 = tpu.sem_alloc : memref<!tpu.dma_semaphore, #tpu.memory_space<semaphore_mem>>
        %dma_start3A_232 = arith.constant 0 : i32
        %dma_start3A_233 = tpu.memref_slice %arg7[%run_scoped3A_18, %dma_start3A_232] : memref<3x128xf32, #tpu.memory_space<vmem>> -> memref<1x128xf32, #tpu.memory_space<vmem>>
        %dma_start3A_234 = tpu.memref_squeeze %dma_start3A_233 : memref<1x128xf32, #tpu.memory_space<vmem>> -> memref<128xf32, #tpu.memory_space<vmem>>
        %dma_start3A_235 = tpu.memref_slice %arg4[%add3A_16] : memref<131072xf32, #tpu.memory_space<hbm>> -> memref<128xf32, #tpu.memory_space<hbm>>
        %dma_start3A_236 = arith.constant 0 : i32
        %dma_start3A_237 = tpu.memref_slice %arg7[%run_scoped3A_18, %dma_start3A_236] : memref<3x128xf32, #tpu.memory_space<vmem>> -> memref<1x128xf32, #tpu.memory_space<vmem>>
        %dma_start3A_238 = tpu.memref_squeeze %dma_start3A_237 : memref<1x128xf32, #tpu.memory_space<vmem>> -> memref<128xf32, #tpu.memory_space<vmem>>
        %dma_start3A_239 = tpu.memref_slice %arg4[%add3A_16] : memref<131072xf32, #tpu.memory_space<hbm>> -> memref<128xf32, #tpu.memory_space<hbm>>
        tpu.enqueue_dma source(%dma_start3A_239 : memref<128xf32, #tpu.memory_space<hbm>>) target(%dma_start3A_238 : memref<128xf32, #tpu.memory_space<vmem>>) target_semaphore(%run_scoped3A_231 : memref<!tpu.dma_semaphore, #tpu.memory_space<semaphore_mem>>)
        %dma_wait3A_240 = arith.constant 0 : i32
        %dma_wait3A_241 = tpu.memref_slice %arg7[%run_scoped3A_18, %dma_wait3A_240] : memref<3x128xf32, #tpu.memory_space<vmem>> -> memref<1x128xf32, #tpu.memory_space<vmem>>
        %dma_wait3A_242 = tpu.memref_squeeze %dma_wait3A_241 : memref<1x128xf32, #tpu.memory_space<vmem>> -> memref<128xf32, #tpu.memory_space<vmem>>
        %dma_wait3A_243 = tpu.memref_slice %arg4[%add3A_16] : memref<131072xf32, #tpu.memory_space<hbm>> -> memref<128xf32, #tpu.memory_space<hbm>>
        %dma_wait3A_244 = arith.constant 0 : i32
        %dma_wait3A_245 = tpu.memref_slice %arg7[%run_scoped3A_18, %dma_wait3A_244] : memref<3x128xf32, #tpu.memory_space<vmem>> -> memref<1x128xf32, #tpu.memory_space<vmem>>
        %dma_wait3A_246 = tpu.memref_squeeze %dma_wait3A_245 : memref<1x128xf32, #tpu.memory_space<vmem>> -> memref<128xf32, #tpu.memory_space<vmem>>
        %dma_wait3A_247 = tpu.memref_slice %arg4[%add3A_16] : memref<131072xf32, #tpu.memory_space<hbm>> -> memref<128xf32, #tpu.memory_space<hbm>>
        tpu.wait_dma2 semaphore(%run_scoped3A_231 : memref<!tpu.dma_semaphore, #tpu.memory_space<semaphore_mem>>) src(%dma_wait3A_247 : memref<128xf32, #tpu.memory_space<hbm>>) dst(%dma_wait3A_246 : memref<128xf32, #tpu.memory_space<vmem>>)
        tpu.yield
      }) : () -> ()
      %while3A_19 = arith.constant 0 : i32
      %while3A_20 = arith.constant 0 : i32
      %while3A_21 = arith.constant 8 : i32
      %while3A_22 = arith.subi %while3A_21, %while3A_20 : i32
      %while3A_23 = arith.addi %while3A_20, %while3A_22 : i32
      %while3A_24 = arith.constant 1 : i32
      %while3A_25 = arith.divsi %while3A_22, %while3A_24 : i32
      %while3A_26 = arith.muli %while3A_25, %while3A_24 : i32
      %while3A_27 = arith.addi %while3A_20, %while3A_26 : i32
      %while3A_28 = arith.constant 1 : i32
      scf.for %while3A_231 = %while3A_20 to %while3A_27 step %while3A_28  : i32 {
        %mul3A_232 = arith.constant 16 : i32
        %mul3A_233 = arith.muli %while3A_231, %mul3A_232 : i32
        %get3A = arith.constant 0 : i32
        %get3A_234 = arith.index_cast %get3A : i32 to index
        %get3A_235 = arith.index_cast %mul3A_233 : i32 to index
        %get3A_236 = tpu.vector_load %arg7[%get3A_234, %get3A_235] {strides = array<i32>} : memref<3x128xf32, #tpu.memory_space<vmem>>, vector<16xf32>,
        %get3A_237 = arith.constant 1 : i32
        %get3A_238 = arith.index_cast %get3A_237 : i32 to index
        %get3A_239 = arith.index_cast %mul3A_233 : i32 to index
        %get3A_240 = tpu.vector_load %arg7[%get3A_238, %get3A_239] {strides = array<i32>} : memref<3x128xf32, #tpu.memory_space<vmem>>, vector<16xf32>,
        %get3A_241 = arith.constant 2 : i32
        %get3A_242 = arith.index_cast %get3A_241 : i32 to index
        %get3A_243 = arith.index_cast %mul3A_233 : i32 to index
        %get3A_244 = tpu.vector_load %arg7[%get3A_242, %get3A_243] {strides = array<i32>} : memref<3x128xf32, #tpu.memory_space<vmem>>, vector<16xf32>,
        %add3A_245 = arith.constant 1.000000e+00 : f32
        %add3A_246 = vector.broadcast %add3A_245 : f32 to vector<16xf32>
        %add3A_247 = arith.addf %get3A_236, %add3A_246 : vector<16xf32>
        %mul3A_248 = arith.constant 6.400000e+01 : f32
        %mul3A_249 = vector.broadcast %mul3A_248 : f32 to vector<16xf32>
        %mul3A_250 = arith.mulf %add3A_247, %mul3A_249 : vector<16xf32>
        %add3A_251 = arith.constant 1.000000e+00 : f32
        %add3A_252 = vector.broadcast %add3A_251 : f32 to vector<16xf32>
        %add3A_253 = arith.addf %get3A_240, %add3A_252 : vector<16xf32>
        %mul3A_254 = arith.constant 6.400000e+01 : f32
        %mul3A_255 = vector.broadcast %mul3A_254 : f32 to vector<16xf32>
        %mul3A_256 = arith.mulf %add3A_253, %mul3A_255 : vector<16xf32>
        %add3A_257 = arith.constant 1.000000e+00 : f32
        %add3A_258 = vector.broadcast %add3A_257 : f32 to vector<16xf32>
        %add3A_259 = arith.addf %get3A_244, %add3A_258 : vector<16xf32>
        %mul3A_260 = arith.constant 6.400000e+01 : f32
        %mul3A_261 = vector.broadcast %mul3A_260 : f32 to vector<16xf32>
        %mul3A_262 = arith.mulf %add3A_259, %mul3A_261 : vector<16xf32>
        %convert_element_type3A = arith.fptosi %mul3A_250 : vector<16xf32> to vector<16xi32>
        %convert_element_type3A_263 = arith.fptosi %mul3A_256 : vector<16xf32> to vector<16xi32>
        %convert_element_type3A_264 = arith.fptosi %mul3A_262 : vector<16xf32> to vector<16xi32>
        %convert_element_type3A_265 = arith.sitofp %convert_element_type3A : vector<16xi32> to vector<16xf32>
        %sub3A = arith.subf %mul3A_250, %convert_element_type3A_265 : vector<16xf32>
        %convert_element_type3A_266 = arith.sitofp %convert_element_type3A_263 : vector<16xi32> to vector<16xf32>
        %sub3A_267 = arith.subf %mul3A_256, %convert_element_type3A_266 : vector<16xf32>
        %convert_element_type3A_268 = arith.sitofp %convert_element_type3A_264 : vector<16xi32> to vector<16xf32>
        %sub3A_269 = arith.subf %mul3A_262, %convert_element_type3A_268 : vector<16xf32>
        %mul3A_270 = arith.constant 73856093 : i32
        %mul3A_271 = vector.broadcast %mul3A_270 : i32 to vector<16xi32>
        %mul3A_272 = arith.muli %convert_element_type3A, %mul3A_271 : vector<16xi32>
        %mul3A_273 = arith.constant 73856093 : i32
        %mul3A_274 = vector.broadcast %mul3A_273 : i32 to vector<16xi32>
        %mul3A_275 = arith.muli %convert_element_type3A, %mul3A_274 : vector<16xi32>
        %add3A_276 = arith.constant 73856093 : i32
        %add3A_277 = vector.broadcast %add3A_276 : i32 to vector<16xi32>
        %add3A_278 = arith.addi %mul3A_275, %add3A_277 : vector<16xi32>
        %mul3A_279 = arith.constant 19349663 : i32
        %mul3A_280 = vector.broadcast %mul3A_279 : i32 to vector<16xi32>
        %mul3A_281 = arith.muli %convert_element_type3A_263, %mul3A_280 : vector<16xi32>
        %mul3A_282 = arith.constant 19349663 : i32
        %mul3A_283 = vector.broadcast %mul3A_282 : i32 to vector<16xi32>
        %mul3A_284 = arith.muli %convert_element_type3A_263, %mul3A_283 : vector<16xi32>
        %add3A_285 = arith.constant 19349663 : i32
        %add3A_286 = vector.broadcast %add3A_285 : i32 to vector<16xi32>
        %add3A_287 = arith.addi %mul3A_284, %add3A_286 : vector<16xi32>
        %mul3A_288 = arith.constant 83492791 : i32
        %mul3A_289 = vector.broadcast %mul3A_288 : i32 to vector<16xi32>
        %mul3A_290 = arith.muli %convert_element_type3A_264, %mul3A_289 : vector<16xi32>
        %mul3A_291 = arith.constant 83492791 : i32
        %mul3A_292 = vector.broadcast %mul3A_291 : i32 to vector<16xi32>
        %mul3A_293 = arith.muli %convert_element_type3A_264, %mul3A_292 : vector<16xi32>
        %add3A_294 = arith.constant 83492791 : i32
        %add3A_295 = vector.broadcast %add3A_294 : i32 to vector<16xi32>
        %add3A_296 = arith.addi %mul3A_293, %add3A_295 : vector<16xi32>
        %sub3A_297 = arith.constant 1.000000e+00 : f32
        %sub3A_298 = vector.broadcast %sub3A_297 : f32 to vector<16xf32>
        %sub3A_299 = arith.subf %sub3A_298, %sub3A : vector<16xf32>
        %sub3A_300 = arith.constant 1.000000e+00 : f32
        %sub3A_301 = vector.broadcast %sub3A_300 : f32 to vector<16xf32>
        %sub3A_302 = arith.subf %sub3A_301, %sub3A_267 : vector<16xf32>
        %sub3A_303 = arith.constant 1.000000e+00 : f32
        %sub3A_304 = vector.broadcast %sub3A_303 : f32 to vector<16xf32>
        %sub3A_305 = arith.subf %sub3A_304, %sub3A_269 : vector<16xf32>
        %iota3A = tpu.iota {dimensions = array<i32: 0>} : vector<16xi32>
        %add3A_306 = vector.broadcast %mul3A_233 : i32 to vector<16xi32>
        %add3A_307 = arith.addi %add3A_306, %iota3A : vector<16xi32>
        %xor3A = arith.xori %mul3A_272, %mul3A_281 : vector<16xi32>
        %xor3A_308 = arith.xori %xor3A, %mul3A_290 : vector<16xi32>
        %and3A = arith.constant 524287 : i32
        %and3A_309 = vector.broadcast %and3A : i32 to vector<16xi32>
        %and3A_310 = arith.andi %xor3A_308, %and3A_309 : vector<16xi32>
        %swap3A = arith.constant 0 : i32
        %swap3A_311 = arith.index_cast %swap3A : i32 to index
        %swap3A_312 = arith.index_cast %mul3A_233 : i32 to index
        %swap3A_313 = tpu.vector_load %arg8[%swap3A_311, %swap3A_312] {strides = array<i32>} : memref<8x128xi32, #tpu.memory_space<vmem>>, vector<16xi32>,
        tpu.vector_store %arg8[%swap3A_311, %swap3A_312], %and3A_310 {strides = array<i32>} : memref<8x128xi32, #tpu.memory_space<vmem>>, vector<16xi32>,
        %broadcast_in_dim3A = arith.constant 0 : i32
        %broadcast_in_dim3A_314 = vector.broadcast %broadcast_in_dim3A : i32 to vector<16xi32>
        %mul3A_315 = arith.mulf %sub3A_299, %sub3A_302 : vector<16xf32>
        %mul3A_316 = arith.mulf %mul3A_315, %sub3A_305 : vector<16xf32>
        tpu.vector_store_idx %arg9[%add3A_307, %broadcast_in_dim3A_314], %mul3A_316 : memref<128x16xf32, #tpu.memory_space<vmem>>[vector<16xi32>, vector<16xi32>], vector<16xf32>,
        %xor3A_317 = arith.xori %add3A_278, %mul3A_281 : vector<16xi32>
        %xor3A_318 = arith.xori %xor3A_317, %mul3A_290 : vector<16xi32>
        %and3A_319 = arith.constant 524287 : i32
        %and3A_320 = vector.broadcast %and3A_319 : i32 to vector<16xi32>
        %and3A_321 = arith.andi %xor3A_318, %and3A_320 : vector<16xi32>
        %swap3A_322 = arith.constant 1 : i32
        %swap3A_323 = arith.index_cast %swap3A_322 : i32 to index
        %swap3A_324 = arith.index_cast %mul3A_233 : i32 to index
        %swap3A_325 = tpu.vector_load %arg8[%swap3A_323, %swap3A_324] {strides = array<i32>} : memref<8x128xi32, #tpu.memory_space<vmem>>, vector<16xi32>,
        tpu.vector_store %arg8[%swap3A_323, %swap3A_324], %and3A_321 {strides = array<i32>} : memref<8x128xi32, #tpu.memory_space<vmem>>, vector<16xi32>,
        %broadcast_in_dim3A_326 = arith.constant 1 : i32
        %broadcast_in_dim3A_327 = vector.broadcast %broadcast_in_dim3A_326 : i32 to vector<16xi32>
        %mul3A_328 = arith.mulf %sub3A, %sub3A_302 : vector<16xf32>
        %mul3A_329 = arith.mulf %mul3A_328, %sub3A_305 : vector<16xf32>
        tpu.vector_store_idx %arg9[%add3A_307, %broadcast_in_dim3A_327], %mul3A_329 : memref<128x16xf32, #tpu.memory_space<vmem>>[vector<16xi32>, vector<16xi32>], vector<16xf32>,
        %xor3A_330 = arith.xori %mul3A_272, %add3A_287 : vector<16xi32>
        %xor3A_331 = arith.xori %xor3A_330, %mul3A_290 : vector<16xi32>
        %and3A_332 = arith.constant 524287 : i32
        %and3A_333 = vector.broadcast %and3A_332 : i32 to vector<16xi32>
        %and3A_334 = arith.andi %xor3A_331, %and3A_333 : vector<16xi32>
        %swap3A_335 = arith.constant 2 : i32
        %swap3A_336 = arith.index_cast %swap3A_335 : i32 to index
        %swap3A_337 = arith.index_cast %mul3A_233 : i32 to index
        %swap3A_338 = tpu.vector_load %arg8[%swap3A_336, %swap3A_337] {strides = array<i32>} : memref<8x128xi32, #tpu.memory_space<vmem>>, vector<16xi32>,
        tpu.vector_store %arg8[%swap3A_336, %swap3A_337], %and3A_334 {strides = array<i32>} : memref<8x128xi32, #tpu.memory_space<vmem>>, vector<16xi32>,
        %broadcast_in_dim3A_339 = arith.constant 2 : i32
        %broadcast_in_dim3A_340 = vector.broadcast %broadcast_in_dim3A_339 : i32 to vector<16xi32>
        %mul3A_341 = arith.mulf %sub3A_299, %sub3A_267 : vector<16xf32>
        %mul3A_342 = arith.mulf %mul3A_341, %sub3A_305 : vector<16xf32>
        tpu.vector_store_idx %arg9[%add3A_307, %broadcast_in_dim3A_340], %mul3A_342 : memref<128x16xf32, #tpu.memory_space<vmem>>[vector<16xi32>, vector<16xi32>], vector<16xf32>,
        %xor3A_343 = arith.xori %add3A_278, %add3A_287 : vector<16xi32>
        %xor3A_344 = arith.xori %xor3A_343, %mul3A_290 : vector<16xi32>
        %and3A_345 = arith.constant 524287 : i32
        %and3A_346 = vector.broadcast %and3A_345 : i32 to vector<16xi32>
        %and3A_347 = arith.andi %xor3A_344, %and3A_346 : vector<16xi32>
        %swap3A_348 = arith.constant 3 : i32
        %swap3A_349 = arith.index_cast %swap3A_348 : i32 to index
        %swap3A_350 = arith.index_cast %mul3A_233 : i32 to index
        %swap3A_351 = tpu.vector_load %arg8[%swap3A_349, %swap3A_350] {strides = array<i32>} : memref<8x128xi32, #tpu.memory_space<vmem>>, vector<16xi32>,
        tpu.vector_store %arg8[%swap3A_349, %swap3A_350], %and3A_347 {strides = array<i32>} : memref<8x128xi32, #tpu.memory_space<vmem>>, vector<16xi32>,
        %broadcast_in_dim3A_352 = arith.constant 3 : i32
        %broadcast_in_dim3A_353 = vector.broadcast %broadcast_in_dim3A_352 : i32 to vector<16xi32>
        %mul3A_354 = arith.mulf %sub3A, %sub3A_267 : vector<16xf32>
        %mul3A_355 = arith.mulf %mul3A_354, %sub3A_305 : vector<16xf32>
        tpu.vector_store_idx %arg9[%add3A_307, %broadcast_in_dim3A_353], %mul3A_355 : memref<128x16xf32, #tpu.memory_space<vmem>>[vector<16xi32>, vector<16xi32>], vector<16xf32>,
        %xor3A_356 = arith.xori %mul3A_272, %mul3A_281 : vector<16xi32>
        %xor3A_357 = arith.xori %xor3A_356, %add3A_296 : vector<16xi32>
        %and3A_358 = arith.constant 524287 : i32
        %and3A_359 = vector.broadcast %and3A_358 : i32 to vector<16xi32>
        %and3A_360 = arith.andi %xor3A_357, %and3A_359 : vector<16xi32>
        %swap3A_361 = arith.constant 4 : i32
        %swap3A_362 = arith.index_cast %swap3A_361 : i32 to index
        %swap3A_363 = arith.index_cast %mul3A_233 : i32 to index
        %swap3A_364 = tpu.vector_load %arg8[%swap3A_362, %swap3A_363] {strides = array<i32>} : memref<8x128xi32, #tpu.memory_space<vmem>>, vector<16xi32>,
        tpu.vector_store %arg8[%swap3A_362, %swap3A_363], %and3A_360 {strides = array<i32>} : memref<8x128xi32, #tpu.memory_space<vmem>>, vector<16xi32>,
        %broadcast_in_dim3A_365 = arith.constant 4 : i32
        %broadcast_in_dim3A_366 = vector.broadcast %broadcast_in_dim3A_365 : i32 to vector<16xi32>
        %mul3A_367 = arith.mulf %sub3A_299, %sub3A_302 : vector<16xf32>
        %mul3A_368 = arith.mulf %mul3A_367, %sub3A_269 : vector<16xf32>
        tpu.vector_store_idx %arg9[%add3A_307, %broadcast_in_dim3A_366], %mul3A_368 : memref<128x16xf32, #tpu.memory_space<vmem>>[vector<16xi32>, vector<16xi32>], vector<16xf32>,
        %xor3A_369 = arith.xori %add3A_278, %mul3A_281 : vector<16xi32>
        %xor3A_370 = arith.xori %xor3A_369, %add3A_296 : vector<16xi32>
        %and3A_371 = arith.constant 524287 : i32
        %and3A_372 = vector.broadcast %and3A_371 : i32 to vector<16xi32>
        %and3A_373 = arith.andi %xor3A_370, %and3A_372 : vector<16xi32>
        %swap3A_374 = arith.constant 5 : i32
        %swap3A_375 = arith.index_cast %swap3A_374 : i32 to index
        %swap3A_376 = arith.index_cast %mul3A_233 : i32 to index
        %swap3A_377 = tpu.vector_load %arg8[%swap3A_375, %swap3A_376] {strides = array<i32>} : memref<8x128xi32, #tpu.memory_space<vmem>>, vector<16xi32>,
        tpu.vector_store %arg8[%swap3A_375, %swap3A_376], %and3A_373 {strides = array<i32>} : memref<8x128xi32, #tpu.memory_space<vmem>>, vector<16xi32>,
        %broadcast_in_dim3A_378 = arith.constant 5 : i32
        %broadcast_in_dim3A_379 = vector.broadcast %broadcast_in_dim3A_378 : i32 to vector<16xi32>
        %mul3A_380 = arith.mulf %sub3A, %sub3A_302 : vector<16xf32>
        %mul3A_381 = arith.mulf %mul3A_380, %sub3A_269 : vector<16xf32>
        tpu.vector_store_idx %arg9[%add3A_307, %broadcast_in_dim3A_379], %mul3A_381 : memref<128x16xf32, #tpu.memory_space<vmem>>[vector<16xi32>, vector<16xi32>], vector<16xf32>,
        %xor3A_382 = arith.xori %mul3A_272, %add3A_287 : vector<16xi32>
        %xor3A_383 = arith.xori %xor3A_382, %add3A_296 : vector<16xi32>
        %and3A_384 = arith.constant 524287 : i32
        %and3A_385 = vector.broadcast %and3A_384 : i32 to vector<16xi32>
        %and3A_386 = arith.andi %xor3A_383, %and3A_385 : vector<16xi32>
        %swap3A_387 = arith.constant 6 : i32
        %swap3A_388 = arith.index_cast %swap3A_387 : i32 to index
        %swap3A_389 = arith.index_cast %mul3A_233 : i32 to index
        %swap3A_390 = tpu.vector_load %arg8[%swap3A_388, %swap3A_389] {strides = array<i32>} : memref<8x128xi32, #tpu.memory_space<vmem>>, vector<16xi32>,
        tpu.vector_store %arg8[%swap3A_388, %swap3A_389], %and3A_386 {strides = array<i32>} : memref<8x128xi32, #tpu.memory_space<vmem>>, vector<16xi32>,
        %broadcast_in_dim3A_391 = arith.constant 6 : i32
        %broadcast_in_dim3A_392 = vector.broadcast %broadcast_in_dim3A_391 : i32 to vector<16xi32>
        %mul3A_393 = arith.mulf %sub3A_299, %sub3A_267 : vector<16xf32>
        %mul3A_394 = arith.mulf %mul3A_393, %sub3A_269 : vector<16xf32>
        tpu.vector_store_idx %arg9[%add3A_307, %broadcast_in_dim3A_392], %mul3A_394 : memref<128x16xf32, #tpu.memory_space<vmem>>[vector<16xi32>, vector<16xi32>], vector<16xf32>,
        %xor3A_395 = arith.xori %add3A_278, %add3A_287 : vector<16xi32>
        %xor3A_396 = arith.xori %xor3A_395, %add3A_296 : vector<16xi32>
        %and3A_397 = arith.constant 524287 : i32
        %and3A_398 = vector.broadcast %and3A_397 : i32 to vector<16xi32>
        %and3A_399 = arith.andi %xor3A_396, %and3A_398 : vector<16xi32>
        %swap3A_400 = arith.constant 7 : i32
        %swap3A_401 = arith.index_cast %swap3A_400 : i32 to index
        %swap3A_402 = arith.index_cast %mul3A_233 : i32 to index
        %swap3A_403 = tpu.vector_load %arg8[%swap3A_401, %swap3A_402] {strides = array<i32>} : memref<8x128xi32, #tpu.memory_space<vmem>>, vector<16xi32>,
        tpu.vector_store %arg8[%swap3A_401, %swap3A_402], %and3A_399 {strides = array<i32>} : memref<8x128xi32, #tpu.memory_space<vmem>>, vector<16xi32>,
        %broadcast_in_dim3A_404 = arith.constant 7 : i32
        %broadcast_in_dim3A_405 = vector.broadcast %broadcast_in_dim3A_404 : i32 to vector<16xi32>
        %mul3A_406 = arith.mulf %sub3A, %sub3A_267 : vector<16xf32>
        %mul3A_407 = arith.mulf %mul3A_406, %sub3A_269 : vector<16xf32>
        tpu.vector_store_idx %arg9[%add3A_307, %broadcast_in_dim3A_405], %mul3A_407 : memref<128x16xf32, #tpu.memory_space<vmem>>[vector<16xi32>, vector<16xi32>], vector<16xf32>,
      }
      %while3A_29 = arith.constant 1 : i32
      scf.for %while3A_231 = %while3A_27 to %while3A_23 step %while3A_29  : i32 {
        %mul3A_232 = arith.constant 16 : i32
        %mul3A_233 = arith.muli %while3A_231, %mul3A_232 : i32
        %get3A = arith.constant 0 : i32
        %get3A_234 = arith.index_cast %get3A : i32 to index
        %get3A_235 = arith.index_cast %mul3A_233 : i32 to index
        %get3A_236 = tpu.vector_load %arg7[%get3A_234, %get3A_235] {strides = array<i32>} : memref<3x128xf32, #tpu.memory_space<vmem>>, vector<16xf32>,
        %get3A_237 = arith.constant 1 : i32
        %get3A_238 = arith.index_cast %get3A_237 : i32 to index
        %get3A_239 = arith.index_cast %mul3A_233 : i32 to index
        %get3A_240 = tpu.vector_load %arg7[%get3A_238, %get3A_239] {strides = array<i32>} : memref<3x128xf32, #tpu.memory_space<vmem>>, vector<16xf32>,
        %get3A_241 = arith.constant 2 : i32
        %get3A_242 = arith.index_cast %get3A_241 : i32 to index
        %get3A_243 = arith.index_cast %mul3A_233 : i32 to index
        %get3A_244 = tpu.vector_load %arg7[%get3A_242, %get3A_243] {strides = array<i32>} : memref<3x128xf32, #tpu.memory_space<vmem>>, vector<16xf32>,
        %add3A_245 = arith.constant 1.000000e+00 : f32
        %add3A_246 = vector.broadcast %add3A_245 : f32 to vector<16xf32>
        %add3A_247 = arith.addf %get3A_236, %add3A_246 : vector<16xf32>
        %mul3A_248 = arith.constant 6.400000e+01 : f32
        %mul3A_249 = vector.broadcast %mul3A_248 : f32 to vector<16xf32>
        %mul3A_250 = arith.mulf %add3A_247, %mul3A_249 : vector<16xf32>
        %add3A_251 = arith.constant 1.000000e+00 : f32
        %add3A_252 = vector.broadcast %add3A_251 : f32 to vector<16xf32>
        %add3A_253 = arith.addf %get3A_240, %add3A_252 : vector<16xf32>
        %mul3A_254 = arith.constant 6.400000e+01 : f32
        %mul3A_255 = vector.broadcast %mul3A_254 : f32 to vector<16xf32>
        %mul3A_256 = arith.mulf %add3A_253, %mul3A_255 : vector<16xf32>
        %add3A_257 = arith.constant 1.000000e+00 : f32
        %add3A_258 = vector.broadcast %add3A_257 : f32 to vector<16xf32>
        %add3A_259 = arith.addf %get3A_244, %add3A_258 : vector<16xf32>
        %mul3A_260 = arith.constant 6.400000e+01 : f32
        %mul3A_261 = vector.broadcast %mul3A_260 : f32 to vector<16xf32>
        %mul3A_262 = arith.mulf %add3A_259, %mul3A_261 : vector<16xf32>
        %convert_element_type3A = arith.fptosi %mul3A_250 : vector<16xf32> to vector<16xi32>
        %convert_element_type3A_263 = arith.fptosi %mul3A_256 : vector<16xf32> to vector<16xi32>
        %convert_element_type3A_264 = arith.fptosi %mul3A_262 : vector<16xf32> to vector<16xi32>
        %convert_element_type3A_265 = arith.sitofp %convert_element_type3A : vector<16xi32> to vector<16xf32>
        %sub3A = arith.subf %mul3A_250, %convert_element_type3A_265 : vector<16xf32>
        %convert_element_type3A_266 = arith.sitofp %convert_element_type3A_263 : vector<16xi32> to vector<16xf32>
        %sub3A_267 = arith.subf %mul3A_256, %convert_element_type3A_266 : vector<16xf32>
        %convert_element_type3A_268 = arith.sitofp %convert_element_type3A_264 : vector<16xi32> to vector<16xf32>
        %sub3A_269 = arith.subf %mul3A_262, %convert_element_type3A_268 : vector<16xf32>
        %mul3A_270 = arith.constant 73856093 : i32
        %mul3A_271 = vector.broadcast %mul3A_270 : i32 to vector<16xi32>
        %mul3A_272 = arith.muli %convert_element_type3A, %mul3A_271 : vector<16xi32>
        %mul3A_273 = arith.constant 73856093 : i32
        %mul3A_274 = vector.broadcast %mul3A_273 : i32 to vector<16xi32>
        %mul3A_275 = arith.muli %convert_element_type3A, %mul3A_274 : vector<16xi32>
        %add3A_276 = arith.constant 73856093 : i32
        %add3A_277 = vector.broadcast %add3A_276 : i32 to vector<16xi32>
        %add3A_278 = arith.addi %mul3A_275, %add3A_277 : vector<16xi32>
        %mul3A_279 = arith.constant 19349663 : i32
        %mul3A_280 = vector.broadcast %mul3A_279 : i32 to vector<16xi32>
        %mul3A_281 = arith.muli %convert_element_type3A_263, %mul3A_280 : vector<16xi32>
        %mul3A_282 = arith.constant 19349663 : i32
        %mul3A_283 = vector.broadcast %mul3A_282 : i32 to vector<16xi32>
        %mul3A_284 = arith.muli %convert_element_type3A_263, %mul3A_283 : vector<16xi32>
        %add3A_285 = arith.constant 19349663 : i32
        %add3A_286 = vector.broadcast %add3A_285 : i32 to vector<16xi32>
        %add3A_287 = arith.addi %mul3A_284, %add3A_286 : vector<16xi32>
        %mul3A_288 = arith.constant 83492791 : i32
        %mul3A_289 = vector.broadcast %mul3A_288 : i32 to vector<16xi32>
        %mul3A_290 = arith.muli %convert_element_type3A_264, %mul3A_289 : vector<16xi32>
        %mul3A_291 = arith.constant 83492791 : i32
        %mul3A_292 = vector.broadcast %mul3A_291 : i32 to vector<16xi32>
        %mul3A_293 = arith.muli %convert_element_type3A_264, %mul3A_292 : vector<16xi32>
        %add3A_294 = arith.constant 83492791 : i32
        %add3A_295 = vector.broadcast %add3A_294 : i32 to vector<16xi32>
        %add3A_296 = arith.addi %mul3A_293, %add3A_295 : vector<16xi32>
        %sub3A_297 = arith.constant 1.000000e+00 : f32
        %sub3A_298 = vector.broadcast %sub3A_297 : f32 to vector<16xf32>
        %sub3A_299 = arith.subf %sub3A_298, %sub3A : vector<16xf32>
        %sub3A_300 = arith.constant 1.000000e+00 : f32
        %sub3A_301 = vector.broadcast %sub3A_300 : f32 to vector<16xf32>
        %sub3A_302 = arith.subf %sub3A_301, %sub3A_267 : vector<16xf32>
        %sub3A_303 = arith.constant 1.000000e+00 : f32
        %sub3A_304 = vector.broadcast %sub3A_303 : f32 to vector<16xf32>
        %sub3A_305 = arith.subf %sub3A_304, %sub3A_269 : vector<16xf32>
        %iota3A = tpu.iota {dimensions = array<i32: 0>} : vector<16xi32>
        %add3A_306 = vector.broadcast %mul3A_233 : i32 to vector<16xi32>
        %add3A_307 = arith.addi %add3A_306, %iota3A : vector<16xi32>
        %xor3A = arith.xori %mul3A_272, %mul3A_281 : vector<16xi32>
        %xor3A_308 = arith.xori %xor3A, %mul3A_290 : vector<16xi32>
        %and3A = arith.constant 524287 : i32
        %and3A_309 = vector.broadcast %and3A : i32 to vector<16xi32>
        %and3A_310 = arith.andi %xor3A_308, %and3A_309 : vector<16xi32>
        %swap3A = arith.constant 0 : i32
        %swap3A_311 = arith.index_cast %swap3A : i32 to index
        %swap3A_312 = arith.index_cast %mul3A_233 : i32 to index
        %swap3A_313 = tpu.vector_load %arg8[%swap3A_311, %swap3A_312] {strides = array<i32>} : memref<8x128xi32, #tpu.memory_space<vmem>>, vector<16xi32>,
        tpu.vector_store %arg8[%swap3A_311, %swap3A_312], %and3A_310 {strides = array<i32>} : memref<8x128xi32, #tpu.memory_space<vmem>>, vector<16xi32>,
        %broadcast_in_dim3A = arith.constant 0 : i32
        %broadcast_in_dim3A_314 = vector.broadcast %broadcast_in_dim3A : i32 to vector<16xi32>
        %mul3A_315 = arith.mulf %sub3A_299, %sub3A_302 : vector<16xf32>
        %mul3A_316 = arith.mulf %mul3A_315, %sub3A_305 : vector<16xf32>
        tpu.vector_store_idx %arg9[%add3A_307, %broadcast_in_dim3A_314], %mul3A_316 : memref<128x16xf32, #tpu.memory_space<vmem>>[vector<16xi32>, vector<16xi32>], vector<16xf32>,
        %xor3A_317 = arith.xori %add3A_278, %mul3A_281 : vector<16xi32>
        %xor3A_318 = arith.xori %xor3A_317, %mul3A_290 : vector<16xi32>
        %and3A_319 = arith.constant 524287 : i32
        %and3A_320 = vector.broadcast %and3A_319 : i32 to vector<16xi32>
        %and3A_321 = arith.andi %xor3A_318, %and3A_320 : vector<16xi32>
        %swap3A_322 = arith.constant 1 : i32
        %swap3A_323 = arith.index_cast %swap3A_322 : i32 to index
        %swap3A_324 = arith.index_cast %mul3A_233 : i32 to index
        %swap3A_325 = tpu.vector_load %arg8[%swap3A_323, %swap3A_324] {strides = array<i32>} : memref<8x128xi32, #tpu.memory_space<vmem>>, vector<16xi32>,
        tpu.vector_store %arg8[%swap3A_323, %swap3A_324], %and3A_321 {strides = array<i32>} : memref<8x128xi32, #tpu.memory_space<vmem>>, vector<16xi32>,
        %broadcast_in_dim3A_326 = arith.constant 1 : i32
        %broadcast_in_dim3A_327 = vector.broadcast %broadcast_in_dim3A_326 : i32 to vector<16xi32>
        %mul3A_328 = arith.mulf %sub3A, %sub3A_302 : vector<16xf32>
        %mul3A_329 = arith.mulf %mul3A_328, %sub3A_305 : vector<16xf32>
        tpu.vector_store_idx %arg9[%add3A_307, %broadcast_in_dim3A_327], %mul3A_329 : memref<128x16xf32, #tpu.memory_space<vmem>>[vector<16xi32>, vector<16xi32>], vector<16xf32>,
        %xor3A_330 = arith.xori %mul3A_272, %add3A_287 : vector<16xi32>
        %xor3A_331 = arith.xori %xor3A_330, %mul3A_290 : vector<16xi32>
        %and3A_332 = arith.constant 524287 : i32
        %and3A_333 = vector.broadcast %and3A_332 : i32 to vector<16xi32>
        %and3A_334 = arith.andi %xor3A_331, %and3A_333 : vector<16xi32>
        %swap3A_335 = arith.constant 2 : i32
        %swap3A_336 = arith.index_cast %swap3A_335 : i32 to index
        %swap3A_337 = arith.index_cast %mul3A_233 : i32 to index
        %swap3A_338 = tpu.vector_load %arg8[%swap3A_336, %swap3A_337] {strides = array<i32>} : memref<8x128xi32, #tpu.memory_space<vmem>>, vector<16xi32>,
        tpu.vector_store %arg8[%swap3A_336, %swap3A_337], %and3A_334 {strides = array<i32>} : memref<8x128xi32, #tpu.memory_space<vmem>>, vector<16xi32>,
        %broadcast_in_dim3A_339 = arith.constant 2 : i32
        %broadcast_in_dim3A_340 = vector.broadcast %broadcast_in_dim3A_339 : i32 to vector<16xi32>
        %mul3A_341 = arith.mulf %sub3A_299, %sub3A_267 : vector<16xf32>
        %mul3A_342 = arith.mulf %mul3A_341, %sub3A_305 : vector<16xf32>
        tpu.vector_store_idx %arg9[%add3A_307, %broadcast_in_dim3A_340], %mul3A_342 : memref<128x16xf32, #tpu.memory_space<vmem>>[vector<16xi32>, vector<16xi32>], vector<16xf32>,
        %xor3A_343 = arith.xori %add3A_278, %add3A_287 : vector<16xi32>
        %xor3A_344 = arith.xori %xor3A_343, %mul3A_290 : vector<16xi32>
        %and3A_345 = arith.constant 524287 : i32
        %and3A_346 = vector.broadcast %and3A_345 : i32 to vector<16xi32>
        %and3A_347 = arith.andi %xor3A_344, %and3A_346 : vector<16xi32>
        %swap3A_348 = arith.constant 3 : i32
        %swap3A_349 = arith.index_cast %swap3A_348 : i32 to index
        %swap3A_350 = arith.index_cast %mul3A_233 : i32 to index
        %swap3A_351 = tpu.vector_load %arg8[%swap3A_349, %swap3A_350] {strides = array<i32>} : memref<8x128xi32, #tpu.memory_space<vmem>>, vector<16xi32>,
        tpu.vector_store %arg8[%swap3A_349, %swap3A_350], %and3A_347 {strides = array<i32>} : memref<8x128xi32, #tpu.memory_space<vmem>>, vector<16xi32>,
        %broadcast_in_dim3A_352 = arith.constant 3 : i32
        %broadcast_in_dim3A_353 = vector.broadcast %broadcast_in_dim3A_352 : i32 to vector<16xi32>
        %mul3A_354 = arith.mulf %sub3A, %sub3A_267 : vector<16xf32>
        %mul3A_355 = arith.mulf %mul3A_354, %sub3A_305 : vector<16xf32>
        tpu.vector_store_idx %arg9[%add3A_307, %broadcast_in_dim3A_353], %mul3A_355 : memref<128x16xf32, #tpu.memory_space<vmem>>[vector<16xi32>, vector<16xi32>], vector<16xf32>,
        %xor3A_356 = arith.xori %mul3A_272, %mul3A_281 : vector<16xi32>
        %xor3A_357 = arith.xori %xor3A_356, %add3A_296 : vector<16xi32>
        %and3A_358 = arith.constant 524287 : i32
        %and3A_359 = vector.broadcast %and3A_358 : i32 to vector<16xi32>
        %and3A_360 = arith.andi %xor3A_357, %and3A_359 : vector<16xi32>
        %swap3A_361 = arith.constant 4 : i32
        %swap3A_362 = arith.index_cast %swap3A_361 : i32 to index
        %swap3A_363 = arith.index_cast %mul3A_233 : i32 to index
        %swap3A_364 = tpu.vector_load %arg8[%swap3A_362, %swap3A_363] {strides = array<i32>} : memref<8x128xi32, #tpu.memory_space<vmem>>, vector<16xi32>,
        tpu.vector_store %arg8[%swap3A_362, %swap3A_363], %and3A_360 {strides = array<i32>} : memref<8x128xi32, #tpu.memory_space<vmem>>, vector<16xi32>,
        %broadcast_in_dim3A_365 = arith.constant 4 : i32
        %broadcast_in_dim3A_366 = vector.broadcast %broadcast_in_dim3A_365 : i32 to vector<16xi32>
        %mul3A_367 = arith.mulf %sub3A_299, %sub3A_302 : vector<16xf32>
        %mul3A_368 = arith.mulf %mul3A_367, %sub3A_269 : vector<16xf32>
        tpu.vector_store_idx %arg9[%add3A_307, %broadcast_in_dim3A_366], %mul3A_368 : memref<128x16xf32, #tpu.memory_space<vmem>>[vector<16xi32>, vector<16xi32>], vector<16xf32>,
        %xor3A_369 = arith.xori %add3A_278, %mul3A_281 : vector<16xi32>
        %xor3A_370 = arith.xori %xor3A_369, %add3A_296 : vector<16xi32>
        %and3A_371 = arith.constant 524287 : i32
        %and3A_372 = vector.broadcast %and3A_371 : i32 to vector<16xi32>
        %and3A_373 = arith.andi %xor3A_370, %and3A_372 : vector<16xi32>
        %swap3A_374 = arith.constant 5 : i32
        %swap3A_375 = arith.index_cast %swap3A_374 : i32 to index
        %swap3A_376 = arith.index_cast %mul3A_233 : i32 to index
        %swap3A_377 = tpu.vector_load %arg8[%swap3A_375, %swap3A_376] {strides = array<i32>} : memref<8x128xi32, #tpu.memory_space<vmem>>, vector<16xi32>,
        tpu.vector_store %arg8[%swap3A_375, %swap3A_376], %and3A_373 {strides = array<i32>} : memref<8x128xi32, #tpu.memory_space<vmem>>, vector<16xi32>,
        %broadcast_in_dim3A_378 = arith.constant 5 : i32
        %broadcast_in_dim3A_379 = vector.broadcast %broadcast_in_dim3A_378 : i32 to vector<16xi32>
        %mul3A_380 = arith.mulf %sub3A, %sub3A_302 : vector<16xf32>
        %mul3A_381 = arith.mulf %mul3A_380, %sub3A_269 : vector<16xf32>
        tpu.vector_store_idx %arg9[%add3A_307, %broadcast_in_dim3A_379], %mul3A_381 : memref<128x16xf32, #tpu.memory_space<vmem>>[vector<16xi32>, vector<16xi32>], vector<16xf32>,
        %xor3A_382 = arith.xori %mul3A_272, %add3A_287 : vector<16xi32>
        %xor3A_383 = arith.xori %xor3A_382, %add3A_296 : vector<16xi32>
        %and3A_384 = arith.constant 524287 : i32
        %and3A_385 = vector.broadcast %and3A_384 : i32 to vector<16xi32>
        %and3A_386 = arith.andi %xor3A_383, %and3A_385 : vector<16xi32>
        %swap3A_387 = arith.constant 6 : i32
        %swap3A_388 = arith.index_cast %swap3A_387 : i32 to index
        %swap3A_389 = arith.index_cast %mul3A_233 : i32 to index
        %swap3A_390 = tpu.vector_load %arg8[%swap3A_388, %swap3A_389] {strides = array<i32>} : memref<8x128xi32, #tpu.memory_space<vmem>>, vector<16xi32>,
        tpu.vector_store %arg8[%swap3A_388, %swap3A_389], %and3A_386 {strides = array<i32>} : memref<8x128xi32, #tpu.memory_space<vmem>>, vector<16xi32>,
        %broadcast_in_dim3A_391 = arith.constant 6 : i32
        %broadcast_in_dim3A_392 = vector.broadcast %broadcast_in_dim3A_391 : i32 to vector<16xi32>
        %mul3A_393 = arith.mulf %sub3A_299, %sub3A_267 : vector<16xf32>
        %mul3A_394 = arith.mulf %mul3A_393, %sub3A_269 : vector<16xf32>
        tpu.vector_store_idx %arg9[%add3A_307, %broadcast_in_dim3A_392], %mul3A_394 : memref<128x16xf32, #tpu.memory_space<vmem>>[vector<16xi32>, vector<16xi32>], vector<16xf32>,
        %xor3A_395 = arith.xori %add3A_278, %add3A_287 : vector<16xi32>
        %xor3A_396 = arith.xori %xor3A_395, %add3A_296 : vector<16xi32>
        %and3A_397 = arith.constant 524287 : i32
        %and3A_398 = vector.broadcast %and3A_397 : i32 to vector<16xi32>
        %and3A_399 = arith.andi %xor3A_396, %and3A_398 : vector<16xi32>
        %swap3A_400 = arith.constant 7 : i32
        %swap3A_401 = arith.index_cast %swap3A_400 : i32 to index
        %swap3A_402 = arith.index_cast %mul3A_233 : i32 to index
        %swap3A_403 = tpu.vector_load %arg8[%swap3A_401, %swap3A_402] {strides = array<i32>} : memref<8x128xi32, #tpu.memory_space<vmem>>, vector<16xi32>,
        tpu.vector_store %arg8[%swap3A_401, %swap3A_402], %and3A_399 {strides = array<i32>} : memref<8x128xi32, #tpu.memory_space<vmem>>, vector<16xi32>,
        %broadcast_in_dim3A_404 = arith.constant 7 : i32
        %broadcast_in_dim3A_405 = vector.broadcast %broadcast_in_dim3A_404 : i32 to vector<16xi32>
        %mul3A_406 = arith.mulf %sub3A, %sub3A_267 : vector<16xf32>
        %mul3A_407 = arith.mulf %mul3A_406, %sub3A_269 : vector<16xf32>
        tpu.vector_store_idx %arg9[%add3A_307, %broadcast_in_dim3A_405], %mul3A_407 : memref<128x16xf32, #tpu.memory_space<vmem>>[vector<16xi32>, vector<16xi32>], vector<16xf32>,
      }
      %dma_start3A = arith.constant 0 : i32
      %dma_start3A_30 = arith.constant 0 : i32
      %dma_start3A_31 = arith.constant 0 : i32
      %dma_start3A_32 = arith.constant 0 : i32
      %dma_start3A_33 = tpu.memref_slice %arg10[%dma_start3A_30, %dma_start3A_31, %dma_start3A_32] : memref<8x128x64xf32, #tpu.memory_space<vmem>> -> memref<1x128x64xf32, #tpu.memory_space<vmem>>
      %dma_start3A_34 = tpu.memref_squeeze %dma_start3A_33 : memref<1x128x64xf32, #tpu.memory_space<vmem>> -> memref<128x64xf32, #tpu.memory_space<vmem>>
      %dma_start3A_35 = arith.constant 0 : i32
      %dma_start3A_36 = tpu.memref_slice %arg8[%dma_start3A, %dma_start3A_35] : memref<8x128xi32, #tpu.memory_space<vmem>> -> memref<1x128xi32, #tpu.memory_space<vmem>>
      %dma_start3A_37 = tpu.memref_squeeze %dma_start3A_36 : memref<1x128xi32, #tpu.memory_space<vmem>> -> memref<128xi32, #tpu.memory_space<vmem>>
      %dma_start3A_38 = arith.constant 0 : i32
      %dma_start3A_39 = arith.constant 0 : i32
      %dma_start3A_40 = tpu.memref_slice %arg5[%dma_start3A_38, %dma_start3A_39] : memref<524288x64xf32, #tpu.memory_space<hbm>> -> memref<524288x64xf32, #tpu.memory_space<hbm>>
      tpu.enqueue_indirect_dma source(%dma_start3A_40 : memref<524288x64xf32, #tpu.memory_space<hbm>>) target(%dma_start3A_34 : memref<128x64xf32, #tpu.memory_space<vmem>>) offsets(%dma_start3A_37 : memref<128xi32, #tpu.memory_space<vmem>>) semaphore(%arg12 : memref<!tpu.dma_semaphore, #tpu.memory_space<semaphore_mem>>)
      %dma_start3A_41 = arith.constant 1 : i32
      %dma_start3A_42 = arith.constant 1 : i32
      %dma_start3A_43 = arith.constant 0 : i32
      %dma_start3A_44 = arith.constant 0 : i32
      %dma_start3A_45 = tpu.memref_slice %arg10[%dma_start3A_42, %dma_start3A_43, %dma_start3A_44] : memref<8x128x64xf32, #tpu.memory_space<vmem>> -> memref<1x128x64xf32, #tpu.memory_space<vmem>>
      %dma_start3A_46 = tpu.memref_squeeze %dma_start3A_45 : memref<1x128x64xf32, #tpu.memory_space<vmem>> -> memref<128x64xf32, #tpu.memory_space<vmem>>
      %dma_start3A_47 = arith.constant 0 : i32
      %dma_start3A_48 = tpu.memref_slice %arg8[%dma_start3A_41, %dma_start3A_47] : memref<8x128xi32, #tpu.memory_space<vmem>> -> memref<1x128xi32, #tpu.memory_space<vmem>>
      %dma_start3A_49 = tpu.memref_squeeze %dma_start3A_48 : memref<1x128xi32, #tpu.memory_space<vmem>> -> memref<128xi32, #tpu.memory_space<vmem>>
      %dma_start3A_50 = arith.constant 0 : i32
      %dma_start3A_51 = arith.constant 0 : i32
      %dma_start3A_52 = tpu.memref_slice %arg5[%dma_start3A_50, %dma_start3A_51] : memref<524288x64xf32, #tpu.memory_space<hbm>> -> memref<524288x64xf32, #tpu.memory_space<hbm>>
      tpu.enqueue_indirect_dma source(%dma_start3A_52 : memref<524288x64xf32, #tpu.memory_space<hbm>>) target(%dma_start3A_46 : memref<128x64xf32, #tpu.memory_space<vmem>>) offsets(%dma_start3A_49 : memref<128xi32, #tpu.memory_space<vmem>>) semaphore(%arg12 : memref<!tpu.dma_semaphore, #tpu.memory_space<semaphore_mem>>)
      %dma_start3A_53 = arith.constant 2 : i32
      %dma_start3A_54 = arith.constant 2 : i32
      %dma_start3A_55 = arith.constant 0 : i32
      %dma_start3A_56 = arith.constant 0 : i32
      %dma_start3A_57 = tpu.memref_slice %arg10[%dma_start3A_54, %dma_start3A_55, %dma_start3A_56] : memref<8x128x64xf32, #tpu.memory_space<vmem>> -> memref<1x128x64xf32, #tpu.memory_space<vmem>>
      %dma_start3A_58 = tpu.memref_squeeze %dma_start3A_57 : memref<1x128x64xf32, #tpu.memory_space<vmem>> -> memref<128x64xf32, #tpu.memory_space<vmem>>
      %dma_start3A_59 = arith.constant 0 : i32
      %dma_start3A_60 = tpu.memref_slice %arg8[%dma_start3A_53, %dma_start3A_59] : memref<8x128xi32, #tpu.memory_space<vmem>> -> memref<1x128xi32, #tpu.memory_space<vmem>>
      %dma_start3A_61 = tpu.memref_squeeze %dma_start3A_60 : memref<1x128xi32, #tpu.memory_space<vmem>> -> memref<128xi32, #tpu.memory_space<vmem>>
      %dma_start3A_62 = arith.constant 0 : i32
      %dma_start3A_63 = arith.constant 0 : i32
      %dma_start3A_64 = tpu.memref_slice %arg5[%dma_start3A_62, %dma_start3A_63] : memref<524288x64xf32, #tpu.memory_space<hbm>> -> memref<524288x64xf32, #tpu.memory_space<hbm>>
      tpu.enqueue_indirect_dma source(%dma_start3A_64 : memref<524288x64xf32, #tpu.memory_space<hbm>>) target(%dma_start3A_58 : memref<128x64xf32, #tpu.memory_space<vmem>>) offsets(%dma_start3A_61 : memref<128xi32, #tpu.memory_space<vmem>>) semaphore(%arg12 : memref<!tpu.dma_semaphore, #tpu.memory_space<semaphore_mem>>)
      %dma_start3A_65 = arith.constant 3 : i32
      %dma_start3A_66 = arith.constant 3 : i32
      %dma_start3A_67 = arith.constant 0 : i32
      %dma_start3A_68 = arith.constant 0 : i32
      %dma_start3A_69 = tpu.memref_slice %arg10[%dma_start3A_66, %dma_start3A_67, %dma_start3A_68] : memref<8x128x64xf32, #tpu.memory_space<vmem>> -> memref<1x128x64xf32, #tpu.memory_space<vmem>>
      %dma_start3A_70 = tpu.memref_squeeze %dma_start3A_69 : memref<1x128x64xf32, #tpu.memory_space<vmem>> -> memref<128x64xf32, #tpu.memory_space<vmem>>
      %dma_start3A_71 = arith.constant 0 : i32
      %dma_start3A_72 = tpu.memref_slice %arg8[%dma_start3A_65, %dma_start3A_71] : memref<8x128xi32, #tpu.memory_space<vmem>> -> memref<1x128xi32, #tpu.memory_space<vmem>>
      %dma_start3A_73 = tpu.memref_squeeze %dma_start3A_72 : memref<1x128xi32, #tpu.memory_space<vmem>> -> memref<128xi32, #tpu.memory_space<vmem>>
      %dma_start3A_74 = arith.constant 0 : i32
      %dma_start3A_75 = arith.constant 0 : i32
      %dma_start3A_76 = tpu.memref_slice %arg5[%dma_start3A_74, %dma_start3A_75] : memref<524288x64xf32, #tpu.memory_space<hbm>> -> memref<524288x64xf32, #tpu.memory_space<hbm>>
      tpu.enqueue_indirect_dma source(%dma_start3A_76 : memref<524288x64xf32, #tpu.memory_space<hbm>>) target(%dma_start3A_70 : memref<128x64xf32, #tpu.memory_space<vmem>>) offsets(%dma_start3A_73 : memref<128xi32, #tpu.memory_space<vmem>>) semaphore(%arg12 : memref<!tpu.dma_semaphore, #tpu.memory_space<semaphore_mem>>)
      %dma_start3A_77 = arith.constant 4 : i32
      %dma_start3A_78 = arith.constant 4 : i32
      %dma_start3A_79 = arith.constant 0 : i32
      %dma_start3A_80 = arith.constant 0 : i32
      %dma_start3A_81 = tpu.memref_slice %arg10[%dma_start3A_78, %dma_start3A_79, %dma_start3A_80] : memref<8x128x64xf32, #tpu.memory_space<vmem>> -> memref<1x128x64xf32, #tpu.memory_space<vmem>>
      %dma_start3A_82 = tpu.memref_squeeze %dma_start3A_81 : memref<1x128x64xf32, #tpu.memory_space<vmem>> -> memref<128x64xf32, #tpu.memory_space<vmem>>
      %dma_start3A_83 = arith.constant 0 : i32
      %dma_start3A_84 = tpu.memref_slice %arg8[%dma_start3A_77, %dma_start3A_83] : memref<8x128xi32, #tpu.memory_space<vmem>> -> memref<1x128xi32, #tpu.memory_space<vmem>>
      %dma_start3A_85 = tpu.memref_squeeze %dma_start3A_84 : memref<1x128xi32, #tpu.memory_space<vmem>> -> memref<128xi32, #tpu.memory_space<vmem>>
      %dma_start3A_86 = arith.constant 0 : i32
      %dma_start3A_87 = arith.constant 0 : i32
      %dma_start3A_88 = tpu.memref_slice %arg5[%dma_start3A_86, %dma_start3A_87] : memref<524288x64xf32, #tpu.memory_space<hbm>> -> memref<524288x64xf32, #tpu.memory_space<hbm>>
      tpu.enqueue_indirect_dma source(%dma_start3A_88 : memref<524288x64xf32, #tpu.memory_space<hbm>>) target(%dma_start3A_82 : memref<128x64xf32, #tpu.memory_space<vmem>>) offsets(%dma_start3A_85 : memref<128xi32, #tpu.memory_space<vmem>>) semaphore(%arg12 : memref<!tpu.dma_semaphore, #tpu.memory_space<semaphore_mem>>)
      %dma_start3A_89 = arith.constant 5 : i32
      %dma_start3A_90 = arith.constant 5 : i32
      %dma_start3A_91 = arith.constant 0 : i32
      %dma_start3A_92 = arith.constant 0 : i32
      %dma_start3A_93 = tpu.memref_slice %arg10[%dma_start3A_90, %dma_start3A_91, %dma_start3A_92] : memref<8x128x64xf32, #tpu.memory_space<vmem>> -> memref<1x128x64xf32, #tpu.memory_space<vmem>>
      %dma_start3A_94 = tpu.memref_squeeze %dma_start3A_93 : memref<1x128x64xf32, #tpu.memory_space<vmem>> -> memref<128x64xf32, #tpu.memory_space<vmem>>
      %dma_start3A_95 = arith.constant 0 : i32
      %dma_start3A_96 = tpu.memref_slice %arg8[%dma_start3A_89, %dma_start3A_95] : memref<8x128xi32, #tpu.memory_space<vmem>> -> memref<1x128xi32, #tpu.memory_space<vmem>>
      %dma_start3A_97 = tpu.memref_squeeze %dma_start3A_96 : memref<1x128xi32, #tpu.memory_space<vmem>> -> memref<128xi32, #tpu.memory_space<vmem>>
      %dma_start3A_98 = arith.constant 0 : i32
      %dma_start3A_99 = arith.constant 0 : i32
      %dma_start3A_100 = tpu.memref_slice %arg5[%dma_start3A_98, %dma_start3A_99] : memref<524288x64xf32, #tpu.memory_space<hbm>> -> memref<524288x64xf32, #tpu.memory_space<hbm>>
      tpu.enqueue_indirect_dma source(%dma_start3A_100 : memref<524288x64xf32, #tpu.memory_space<hbm>>) target(%dma_start3A_94 : memref<128x64xf32, #tpu.memory_space<vmem>>) offsets(%dma_start3A_97 : memref<128xi32, #tpu.memory_space<vmem>>) semaphore(%arg12 : memref<!tpu.dma_semaphore, #tpu.memory_space<semaphore_mem>>)
      %dma_start3A_101 = arith.constant 6 : i32
      %dma_start3A_102 = arith.constant 6 : i32
      %dma_start3A_103 = arith.constant 0 : i32
      %dma_start3A_104 = arith.constant 0 : i32
      %dma_start3A_105 = tpu.memref_slice %arg10[%dma_start3A_102, %dma_start3A_103, %dma_start3A_104] : memref<8x128x64xf32, #tpu.memory_space<vmem>> -> memref<1x128x64xf32, #tpu.memory_space<vmem>>
      %dma_start3A_106 = tpu.memref_squeeze %dma_start3A_105 : memref<1x128x64xf32, #tpu.memory_space<vmem>> -> memref<128x64xf32, #tpu.memory_space<vmem>>
      %dma_start3A_107 = arith.constant 0 : i32
      %dma_start3A_108 = tpu.memref_slice %arg8[%dma_start3A_101, %dma_start3A_107] : memref<8x128xi32, #tpu.memory_space<vmem>> -> memref<1x128xi32, #tpu.memory_space<vmem>>
      %dma_start3A_109 = tpu.memref_squeeze %dma_start3A_108 : memref<1x128xi32, #tpu.memory_space<vmem>> -> memref<128xi32, #tpu.memory_space<vmem>>
      %dma_start3A_110 = arith.constant 0 : i32
      %dma_start3A_111 = arith.constant 0 : i32
      %dma_start3A_112 = tpu.memref_slice %arg5[%dma_start3A_110, %dma_start3A_111] : memref<524288x64xf32, #tpu.memory_space<hbm>> -> memref<524288x64xf32, #tpu.memory_space<hbm>>
      tpu.enqueue_indirect_dma source(%dma_start3A_112 : memref<524288x64xf32, #tpu.memory_space<hbm>>) target(%dma_start3A_106 : memref<128x64xf32, #tpu.memory_space<vmem>>) offsets(%dma_start3A_109 : memref<128xi32, #tpu.memory_space<vmem>>) semaphore(%arg12 : memref<!tpu.dma_semaphore, #tpu.memory_space<semaphore_mem>>)
      %dma_start3A_113 = arith.constant 7 : i32
      %dma_start3A_114 = arith.constant 7 : i32
      %dma_start3A_115 = arith.constant 0 : i32
      %dma_start3A_116 = arith.constant 0 : i32
      %dma_start3A_117 = tpu.memref_slice %arg10[%dma_start3A_114, %dma_start3A_115, %dma_start3A_116] : memref<8x128x64xf32, #tpu.memory_space<vmem>> -> memref<1x128x64xf32, #tpu.memory_space<vmem>>
      %dma_start3A_118 = tpu.memref_squeeze %dma_start3A_117 : memref<1x128x64xf32, #tpu.memory_space<vmem>> -> memref<128x64xf32, #tpu.memory_space<vmem>>
      %dma_start3A_119 = arith.constant 0 : i32
      %dma_start3A_120 = tpu.memref_slice %arg8[%dma_start3A_113, %dma_start3A_119] : memref<8x128xi32, #tpu.memory_space<vmem>> -> memref<1x128xi32, #tpu.memory_space<vmem>>
      %dma_start3A_121 = tpu.memref_squeeze %dma_start3A_120 : memref<1x128xi32, #tpu.memory_space<vmem>> -> memref<128xi32, #tpu.memory_space<vmem>>
      %dma_start3A_122 = arith.constant 0 : i32
      %dma_start3A_123 = arith.constant 0 : i32
      %dma_start3A_124 = tpu.memref_slice %arg5[%dma_start3A_122, %dma_start3A_123] : memref<524288x64xf32, #tpu.memory_space<hbm>> -> memref<524288x64xf32, #tpu.memory_space<hbm>>
      tpu.enqueue_indirect_dma source(%dma_start3A_124 : memref<524288x64xf32, #tpu.memory_space<hbm>>) target(%dma_start3A_118 : memref<128x64xf32, #tpu.memory_space<vmem>>) offsets(%dma_start3A_121 : memref<128xi32, #tpu.memory_space<vmem>>) semaphore(%arg12 : memref<!tpu.dma_semaphore, #tpu.memory_space<semaphore_mem>>)
      %dma_wait3A = arith.constant 0 : i32
      %dma_wait3A_125 = arith.constant 0 : i32
      %dma_wait3A_126 = arith.constant 0 : i32
      %dma_wait3A_127 = arith.constant 0 : i32
      %dma_wait3A_128 = tpu.memref_slice %arg10[%dma_wait3A_125, %dma_wait3A_126, %dma_wait3A_127] : memref<8x128x64xf32, #tpu.memory_space<vmem>> -> memref<1x128x64xf32, #tpu.memory_space<vmem>>
      %dma_wait3A_129 = tpu.memref_squeeze %dma_wait3A_128 : memref<1x128x64xf32, #tpu.memory_space<vmem>> -> memref<128x64xf32, #tpu.memory_space<vmem>>
      %dma_wait3A_130 = arith.constant 0 : i32
      %dma_wait3A_131 = tpu.memref_slice %arg8[%dma_wait3A, %dma_wait3A_130] : memref<8x128xi32, #tpu.memory_space<vmem>> -> memref<1x128xi32, #tpu.memory_space<vmem>>
      %dma_wait3A_132 = tpu.memref_squeeze %dma_wait3A_131 : memref<1x128xi32, #tpu.memory_space<vmem>> -> memref<128xi32, #tpu.memory_space<vmem>>
      %dma_wait3A_133 = arith.constant 0 : i32
      %dma_wait3A_134 = arith.constant 0 : i32
      %dma_wait3A_135 = tpu.memref_slice %arg5[%dma_wait3A_133, %dma_wait3A_134] : memref<524288x64xf32, #tpu.memory_space<hbm>> -> memref<524288x64xf32, #tpu.memory_space<hbm>>
      tpu.wait_indirect_dma semaphore(%arg12 : memref<!tpu.dma_semaphore, #tpu.memory_space<semaphore_mem>>) src(%dma_wait3A_135 : memref<524288x64xf32, #tpu.memory_space<hbm>>) dst(%dma_wait3A_129 : memref<128x64xf32, #tpu.memory_space<vmem>>)
      %dma_wait3A_136 = arith.constant 1 : i32
      %dma_wait3A_137 = arith.constant 1 : i32
      %dma_wait3A_138 = arith.constant 0 : i32
      %dma_wait3A_139 = arith.constant 0 : i32
      %dma_wait3A_140 = tpu.memref_slice %arg10[%dma_wait3A_137, %dma_wait3A_138, %dma_wait3A_139] : memref<8x128x64xf32, #tpu.memory_space<vmem>> -> memref<1x128x64xf32, #tpu.memory_space<vmem>>
      %dma_wait3A_141 = tpu.memref_squeeze %dma_wait3A_140 : memref<1x128x64xf32, #tpu.memory_space<vmem>> -> memref<128x64xf32, #tpu.memory_space<vmem>>
      %dma_wait3A_142 = arith.constant 0 : i32
      %dma_wait3A_143 = tpu.memref_slice %arg8[%dma_wait3A_136, %dma_wait3A_142] : memref<8x128xi32, #tpu.memory_space<vmem>> -> memref<1x128xi32, #tpu.memory_space<vmem>>
      %dma_wait3A_144 = tpu.memref_squeeze %dma_wait3A_143 : memref<1x128xi32, #tpu.memory_space<vmem>> -> memref<128xi32, #tpu.memory_space<vmem>>
      %dma_wait3A_145 = arith.constant 0 : i32
      %dma_wait3A_146 = arith.constant 0 : i32
      %dma_wait3A_147 = tpu.memref_slice %arg5[%dma_wait3A_145, %dma_wait3A_146] : memref<524288x64xf32, #tpu.memory_space<hbm>> -> memref<524288x64xf32, #tpu.memory_space<hbm>>
      tpu.wait_indirect_dma semaphore(%arg12 : memref<!tpu.dma_semaphore, #tpu.memory_space<semaphore_mem>>) src(%dma_wait3A_147 : memref<524288x64xf32, #tpu.memory_space<hbm>>) dst(%dma_wait3A_141 : memref<128x64xf32, #tpu.memory_space<vmem>>)
      %dma_wait3A_148 = arith.constant 2 : i32
      %dma_wait3A_149 = arith.constant 2 : i32
      %dma_wait3A_150 = arith.constant 0 : i32
      %dma_wait3A_151 = arith.constant 0 : i32
      %dma_wait3A_152 = tpu.memref_slice %arg10[%dma_wait3A_149, %dma_wait3A_150, %dma_wait3A_151] : memref<8x128x64xf32, #tpu.memory_space<vmem>> -> memref<1x128x64xf32, #tpu.memory_space<vmem>>
      %dma_wait3A_153 = tpu.memref_squeeze %dma_wait3A_152 : memref<1x128x64xf32, #tpu.memory_space<vmem>> -> memref<128x64xf32, #tpu.memory_space<vmem>>
      %dma_wait3A_154 = arith.constant 0 : i32
      %dma_wait3A_155 = tpu.memref_slice %arg8[%dma_wait3A_148, %dma_wait3A_154] : memref<8x128xi32, #tpu.memory_space<vmem>> -> memref<1x128xi32, #tpu.memory_space<vmem>>
      %dma_wait3A_156 = tpu.memref_squeeze %dma_wait3A_155 : memref<1x128xi32, #tpu.memory_space<vmem>> -> memref<128xi32, #tpu.memory_space<vmem>>
      %dma_wait3A_157 = arith.constant 0 : i32
      %dma_wait3A_158 = arith.constant 0 : i32
      %dma_wait3A_159 = tpu.memref_slice %arg5[%dma_wait3A_157, %dma_wait3A_158] : memref<524288x64xf32, #tpu.memory_space<hbm>> -> memref<524288x64xf32, #tpu.memory_space<hbm>>
      tpu.wait_indirect_dma semaphore(%arg12 : memref<!tpu.dma_semaphore, #tpu.memory_space<semaphore_mem>>) src(%dma_wait3A_159 : memref<524288x64xf32, #tpu.memory_space<hbm>>) dst(%dma_wait3A_153 : memref<128x64xf32, #tpu.memory_space<vmem>>)
      %dma_wait3A_160 = arith.constant 3 : i32
      %dma_wait3A_161 = arith.constant 3 : i32
      %dma_wait3A_162 = arith.constant 0 : i32
      %dma_wait3A_163 = arith.constant 0 : i32
      %dma_wait3A_164 = tpu.memref_slice %arg10[%dma_wait3A_161, %dma_wait3A_162, %dma_wait3A_163] : memref<8x128x64xf32, #tpu.memory_space<vmem>> -> memref<1x128x64xf32, #tpu.memory_space<vmem>>
      %dma_wait3A_165 = tpu.memref_squeeze %dma_wait3A_164 : memref<1x128x64xf32, #tpu.memory_space<vmem>> -> memref<128x64xf32, #tpu.memory_space<vmem>>
      %dma_wait3A_166 = arith.constant 0 : i32
      %dma_wait3A_167 = tpu.memref_slice %arg8[%dma_wait3A_160, %dma_wait3A_166] : memref<8x128xi32, #tpu.memory_space<vmem>> -> memref<1x128xi32, #tpu.memory_space<vmem>>
      %dma_wait3A_168 = tpu.memref_squeeze %dma_wait3A_167 : memref<1x128xi32, #tpu.memory_space<vmem>> -> memref<128xi32, #tpu.memory_space<vmem>>
      %dma_wait3A_169 = arith.constant 0 : i32
      %dma_wait3A_170 = arith.constant 0 : i32
      %dma_wait3A_171 = tpu.memref_slice %arg5[%dma_wait3A_169, %dma_wait3A_170] : memref<524288x64xf32, #tpu.memory_space<hbm>> -> memref<524288x64xf32, #tpu.memory_space<hbm>>
      tpu.wait_indirect_dma semaphore(%arg12 : memref<!tpu.dma_semaphore, #tpu.memory_space<semaphore_mem>>) src(%dma_wait3A_171 : memref<524288x64xf32, #tpu.memory_space<hbm>>) dst(%dma_wait3A_165 : memref<128x64xf32, #tpu.memory_space<vmem>>)
      %dma_wait3A_172 = arith.constant 4 : i32
      %dma_wait3A_173 = arith.constant 4 : i32
      %dma_wait3A_174 = arith.constant 0 : i32
      %dma_wait3A_175 = arith.constant 0 : i32
      %dma_wait3A_176 = tpu.memref_slice %arg10[%dma_wait3A_173, %dma_wait3A_174, %dma_wait3A_175] : memref<8x128x64xf32, #tpu.memory_space<vmem>> -> memref<1x128x64xf32, #tpu.memory_space<vmem>>
      %dma_wait3A_177 = tpu.memref_squeeze %dma_wait3A_176 : memref<1x128x64xf32, #tpu.memory_space<vmem>> -> memref<128x64xf32, #tpu.memory_space<vmem>>
      %dma_wait3A_178 = arith.constant 0 : i32
      %dma_wait3A_179 = tpu.memref_slice %arg8[%dma_wait3A_172, %dma_wait3A_178] : memref<8x128xi32, #tpu.memory_space<vmem>> -> memref<1x128xi32, #tpu.memory_space<vmem>>
      %dma_wait3A_180 = tpu.memref_squeeze %dma_wait3A_179 : memref<1x128xi32, #tpu.memory_space<vmem>> -> memref<128xi32, #tpu.memory_space<vmem>>
      %dma_wait3A_181 = arith.constant 0 : i32
      %dma_wait3A_182 = arith.constant 0 : i32
      %dma_wait3A_183 = tpu.memref_slice %arg5[%dma_wait3A_181, %dma_wait3A_182] : memref<524288x64xf32, #tpu.memory_space<hbm>> -> memref<524288x64xf32, #tpu.memory_space<hbm>>
      tpu.wait_indirect_dma semaphore(%arg12 : memref<!tpu.dma_semaphore, #tpu.memory_space<semaphore_mem>>) src(%dma_wait3A_183 : memref<524288x64xf32, #tpu.memory_space<hbm>>) dst(%dma_wait3A_177 : memref<128x64xf32, #tpu.memory_space<vmem>>)
      %dma_wait3A_184 = arith.constant 5 : i32
      %dma_wait3A_185 = arith.constant 5 : i32
      %dma_wait3A_186 = arith.constant 0 : i32
      %dma_wait3A_187 = arith.constant 0 : i32
      %dma_wait3A_188 = tpu.memref_slice %arg10[%dma_wait3A_185, %dma_wait3A_186, %dma_wait3A_187] : memref<8x128x64xf32, #tpu.memory_space<vmem>> -> memref<1x128x64xf32, #tpu.memory_space<vmem>>
      %dma_wait3A_189 = tpu.memref_squeeze %dma_wait3A_188 : memref<1x128x64xf32, #tpu.memory_space<vmem>> -> memref<128x64xf32, #tpu.memory_space<vmem>>
      %dma_wait3A_190 = arith.constant 0 : i32
      %dma_wait3A_191 = tpu.memref_slice %arg8[%dma_wait3A_184, %dma_wait3A_190] : memref<8x128xi32, #tpu.memory_space<vmem>> -> memref<1x128xi32, #tpu.memory_space<vmem>>
      %dma_wait3A_192 = tpu.memref_squeeze %dma_wait3A_191 : memref<1x128xi32, #tpu.memory_space<vmem>> -> memref<128xi32, #tpu.memory_space<vmem>>
      %dma_wait3A_193 = arith.constant 0 : i32
      %dma_wait3A_194 = arith.constant 0 : i32
      %dma_wait3A_195 = tpu.memref_slice %arg5[%dma_wait3A_193, %dma_wait3A_194] : memref<524288x64xf32, #tpu.memory_space<hbm>> -> memref<524288x64xf32, #tpu.memory_space<hbm>>
      tpu.wait_indirect_dma semaphore(%arg12 : memref<!tpu.dma_semaphore, #tpu.memory_space<semaphore_mem>>) src(%dma_wait3A_195 : memref<524288x64xf32, #tpu.memory_space<hbm>>) dst(%dma_wait3A_189 : memref<128x64xf32, #tpu.memory_space<vmem>>)
      %dma_wait3A_196 = arith.constant 6 : i32
      %dma_wait3A_197 = arith.constant 6 : i32
      %dma_wait3A_198 = arith.constant 0 : i32
      %dma_wait3A_199 = arith.constant 0 : i32
      %dma_wait3A_200 = tpu.memref_slice %arg10[%dma_wait3A_197, %dma_wait3A_198, %dma_wait3A_199] : memref<8x128x64xf32, #tpu.memory_space<vmem>> -> memref<1x128x64xf32, #tpu.memory_space<vmem>>
      %dma_wait3A_201 = tpu.memref_squeeze %dma_wait3A_200 : memref<1x128x64xf32, #tpu.memory_space<vmem>> -> memref<128x64xf32, #tpu.memory_space<vmem>>
      %dma_wait3A_202 = arith.constant 0 : i32
      %dma_wait3A_203 = tpu.memref_slice %arg8[%dma_wait3A_196, %dma_wait3A_202] : memref<8x128xi32, #tpu.memory_space<vmem>> -> memref<1x128xi32, #tpu.memory_space<vmem>>
      %dma_wait3A_204 = tpu.memref_squeeze %dma_wait3A_203 : memref<1x128xi32, #tpu.memory_space<vmem>> -> memref<128xi32, #tpu.memory_space<vmem>>
      %dma_wait3A_205 = arith.constant 0 : i32
      %dma_wait3A_206 = arith.constant 0 : i32
      %dma_wait3A_207 = tpu.memref_slice %arg5[%dma_wait3A_205, %dma_wait3A_206] : memref<524288x64xf32, #tpu.memory_space<hbm>> -> memref<524288x64xf32, #tpu.memory_space<hbm>>
      tpu.wait_indirect_dma semaphore(%arg12 : memref<!tpu.dma_semaphore, #tpu.memory_space<semaphore_mem>>) src(%dma_wait3A_207 : memref<524288x64xf32, #tpu.memory_space<hbm>>) dst(%dma_wait3A_201 : memref<128x64xf32, #tpu.memory_space<vmem>>)
      %dma_wait3A_208 = arith.constant 7 : i32
      %dma_wait3A_209 = arith.constant 7 : i32
      %dma_wait3A_210 = arith.constant 0 : i32
      %dma_wait3A_211 = arith.constant 0 : i32
      %dma_wait3A_212 = tpu.memref_slice %arg10[%dma_wait3A_209, %dma_wait3A_210, %dma_wait3A_211] : memref<8x128x64xf32, #tpu.memory_space<vmem>> -> memref<1x128x64xf32, #tpu.memory_space<vmem>>
      %dma_wait3A_213 = tpu.memref_squeeze %dma_wait3A_212 : memref<1x128x64xf32, #tpu.memory_space<vmem>> -> memref<128x64xf32, #tpu.memory_space<vmem>>
      %dma_wait3A_214 = arith.constant 0 : i32
      %dma_wait3A_215 = tpu.memref_slice %arg8[%dma_wait3A_208, %dma_wait3A_214] : memref<8x128xi32, #tpu.memory_space<vmem>> -> memref<1x128xi32, #tpu.memory_space<vmem>>
      %dma_wait3A_216 = tpu.memref_squeeze %dma_wait3A_215 : memref<1x128xi32, #tpu.memory_space<vmem>> -> memref<128xi32, #tpu.memory_space<vmem>>
      %dma_wait3A_217 = arith.constant 0 : i32
      %dma_wait3A_218 = arith.constant 0 : i32
      %dma_wait3A_219 = tpu.memref_slice %arg5[%dma_wait3A_217, %dma_wait3A_218] : memref<524288x64xf32, #tpu.memory_space<hbm>> -> memref<524288x64xf32, #tpu.memory_space<hbm>>
      tpu.wait_indirect_dma semaphore(%arg12 : memref<!tpu.dma_semaphore, #tpu.memory_space<semaphore_mem>>) src(%dma_wait3A_219 : memref<524288x64xf32, #tpu.memory_space<hbm>>) dst(%dma_wait3A_213 : memref<128x64xf32, #tpu.memory_space<vmem>>)
      %while3A_220 = arith.constant 0 : i32
      %while3A_221 = arith.constant 0 : i32
      %while3A_222 = arith.constant 128 : i32
      %while3A_223 = arith.subi %while3A_222, %while3A_221 : i32
      %while3A_224 = arith.addi %while3A_221, %while3A_223 : i32
      %while3A_225 = arith.constant 1 : i32
      %while3A_226 = arith.divsi %while3A_223, %while3A_225 : i32
      %while3A_227 = arith.muli %while3A_226, %while3A_225 : i32
      %while3A_228 = arith.addi %while3A_221, %while3A_227 : i32
      %while3A_229 = arith.constant 1 : i32
      scf.for %while3A_231 = %while3A_221 to %while3A_228 step %while3A_229  : i32 {
        %get3A = arith.index_cast %while3A_231 : i32 to index
        %get3A_232 = arith.constant 0 : index
        %get3A_233 = tpu.vector_load %arg9[%get3A, %get3A_232] {strides = array<i32>} : memref<128x16xf32, #tpu.memory_space<vmem>>, vector<16xf32>,
        %slice3A = vector.extract_strided_slice %get3A_233 {offsets = [0], sizes = [1], strides = [1]} : vector<16xf32> to vector<1xf32>
        %squeeze3A = vector.extract %slice3A[0] : f32 from vector<1xf32>
        %slice3A_234 = vector.extract_strided_slice %get3A_233 {offsets = [1], sizes = [1], strides = [1]} : vector<16xf32> to vector<1xf32>
        %squeeze3A_235 = vector.extract %slice3A_234[0] : f32 from vector<1xf32>
        %slice3A_236 = vector.extract_strided_slice %get3A_233 {offsets = [2], sizes = [1], strides = [1]} : vector<16xf32> to vector<1xf32>
        %squeeze3A_237 = vector.extract %slice3A_236[0] : f32 from vector<1xf32>
        %slice3A_238 = vector.extract_strided_slice %get3A_233 {offsets = [3], sizes = [1], strides = [1]} : vector<16xf32> to vector<1xf32>
        %squeeze3A_239 = vector.extract %slice3A_238[0] : f32 from vector<1xf32>
        %slice3A_240 = vector.extract_strided_slice %get3A_233 {offsets = [4], sizes = [1], strides = [1]} : vector<16xf32> to vector<1xf32>
        %squeeze3A_241 = vector.extract %slice3A_240[0] : f32 from vector<1xf32>
        %slice3A_242 = vector.extract_strided_slice %get3A_233 {offsets = [5], sizes = [1], strides = [1]} : vector<16xf32> to vector<1xf32>
        %squeeze3A_243 = vector.extract %slice3A_242[0] : f32 from vector<1xf32>
        %slice3A_244 = vector.extract_strided_slice %get3A_233 {offsets = [6], sizes = [1], strides = [1]} : vector<16xf32> to vector<1xf32>
        %squeeze3A_245 = vector.extract %slice3A_244[0] : f32 from vector<1xf32>
        %slice3A_246 = vector.extract_strided_slice %get3A_233 {offsets = [7], sizes = [1], strides = [1]} : vector<16xf32> to vector<1xf32>
        %squeeze3A_247 = vector.extract %slice3A_246[0] : f32 from vector<1xf32>
        %get3A_248 = arith.constant 0 : i32
        %get3A_249 = arith.index_cast %get3A_248 : i32 to index
        %get3A_250 = arith.index_cast %while3A_231 : i32 to index
        %get3A_251 = arith.constant 0 : index
        %get3A_252 = tpu.vector_load %arg10[%get3A_249, %get3A_250, %get3A_251] {strides = array<i32>} : memref<8x128x64xf32, #tpu.memory_space<vmem>>, vector<16xf32>,
        %mul3A_253 = vector.broadcast %squeeze3A : f32 to vector<16xf32>
        %mul3A_254 = arith.mulf %mul3A_253, %get3A_252 : vector<16xf32>
        %get3A_255 = arith.constant 1 : i32
        %get3A_256 = arith.index_cast %get3A_255 : i32 to index
        %get3A_257 = arith.index_cast %while3A_231 : i32 to index
        %get3A_258 = arith.constant 0 : index
        %get3A_259 = tpu.vector_load %arg10[%get3A_256, %get3A_257, %get3A_258] {strides = array<i32>} : memref<8x128x64xf32, #tpu.memory_space<vmem>>, vector<16xf32>,
        %mul3A_260 = vector.broadcast %squeeze3A_235 : f32 to vector<16xf32>
        %mul3A_261 = arith.mulf %mul3A_260, %get3A_259 : vector<16xf32>
        %add3A_262 = arith.addf %mul3A_254, %mul3A_261 : vector<16xf32>
        %get3A_263 = arith.constant 2 : i32
        %get3A_264 = arith.index_cast %get3A_263 : i32 to index
        %get3A_265 = arith.index_cast %while3A_231 : i32 to index
        %get3A_266 = arith.constant 0 : index
        %get3A_267 = tpu.vector_load %arg10[%get3A_264, %get3A_265, %get3A_266] {strides = array<i32>} : memref<8x128x64xf32, #tpu.memory_space<vmem>>, vector<16xf32>,
        %mul3A_268 = vector.broadcast %squeeze3A_237 : f32 to vector<16xf32>
        %mul3A_269 = arith.mulf %mul3A_268, %get3A_267 : vector<16xf32>
        %add3A_270 = arith.addf %add3A_262, %mul3A_269 : vector<16xf32>
        %get3A_271 = arith.constant 3 : i32
        %get3A_272 = arith.index_cast %get3A_271 : i32 to index
        %get3A_273 = arith.index_cast %while3A_231 : i32 to index
        %get3A_274 = arith.constant 0 : index
        %get3A_275 = tpu.vector_load %arg10[%get3A_272, %get3A_273, %get3A_274] {strides = array<i32>} : memref<8x128x64xf32, #tpu.memory_space<vmem>>, vector<16xf32>,
        %mul3A_276 = vector.broadcast %squeeze3A_239 : f32 to vector<16xf32>
        %mul3A_277 = arith.mulf %mul3A_276, %get3A_275 : vector<16xf32>
        %add3A_278 = arith.addf %add3A_270, %mul3A_277 : vector<16xf32>
        %get3A_279 = arith.constant 4 : i32
        %get3A_280 = arith.index_cast %get3A_279 : i32 to index
        %get3A_281 = arith.index_cast %while3A_231 : i32 to index
        %get3A_282 = arith.constant 0 : index
        %get3A_283 = tpu.vector_load %arg10[%get3A_280, %get3A_281, %get3A_282] {strides = array<i32>} : memref<8x128x64xf32, #tpu.memory_space<vmem>>, vector<16xf32>,
        %mul3A_284 = vector.broadcast %squeeze3A_241 : f32 to vector<16xf32>
        %mul3A_285 = arith.mulf %mul3A_284, %get3A_283 : vector<16xf32>
        %add3A_286 = arith.addf %add3A_278, %mul3A_285 : vector<16xf32>
        %get3A_287 = arith.constant 5 : i32
        %get3A_288 = arith.index_cast %get3A_287 : i32 to index
        %get3A_289 = arith.index_cast %while3A_231 : i32 to index
        %get3A_290 = arith.constant 0 : index
        %get3A_291 = tpu.vector_load %arg10[%get3A_288, %get3A_289, %get3A_290] {strides = array<i32>} : memref<8x128x64xf32, #tpu.memory_space<vmem>>, vector<16xf32>,
        %mul3A_292 = vector.broadcast %squeeze3A_243 : f32 to vector<16xf32>
        %mul3A_293 = arith.mulf %mul3A_292, %get3A_291 : vector<16xf32>
        %add3A_294 = arith.addf %add3A_286, %mul3A_293 : vector<16xf32>
        %get3A_295 = arith.constant 6 : i32
        %get3A_296 = arith.index_cast %get3A_295 : i32 to index
        %get3A_297 = arith.index_cast %while3A_231 : i32 to index
        %get3A_298 = arith.constant 0 : index
        %get3A_299 = tpu.vector_load %arg10[%get3A_296, %get3A_297, %get3A_298] {strides = array<i32>} : memref<8x128x64xf32, #tpu.memory_space<vmem>>, vector<16xf32>,
        %mul3A_300 = vector.broadcast %squeeze3A_245 : f32 to vector<16xf32>
        %mul3A_301 = arith.mulf %mul3A_300, %get3A_299 : vector<16xf32>
        %add3A_302 = arith.addf %add3A_294, %mul3A_301 : vector<16xf32>
        %get3A_303 = arith.constant 7 : i32
        %get3A_304 = arith.index_cast %get3A_303 : i32 to index
        %get3A_305 = arith.index_cast %while3A_231 : i32 to index
        %get3A_306 = arith.constant 0 : index
        %get3A_307 = tpu.vector_load %arg10[%get3A_304, %get3A_305, %get3A_306] {strides = array<i32>} : memref<8x128x64xf32, #tpu.memory_space<vmem>>, vector<16xf32>,
        %mul3A_308 = vector.broadcast %squeeze3A_247 : f32 to vector<16xf32>
        %mul3A_309 = arith.mulf %mul3A_308, %get3A_307 : vector<16xf32>
        %add3A_310 = arith.addf %add3A_302, %mul3A_309 : vector<16xf32>
        %swap3A = arith.index_cast %while3A_231 : i32 to index
        %swap3A_311 = arith.constant 0 : index
        %swap3A_312 = tpu.vector_load %arg11[%swap3A, %swap3A_311] {strides = array<i32>} : memref<128x64xf32, #tpu.memory_space<vmem>>, vector<16xf32>,
        tpu.vector_store %arg11[%swap3A, %swap3A_311], %add3A_310 {strides = array<i32>} : memref<128x64xf32, #tpu.memory_space<vmem>>, vector<16xf32>,
        %get3A_313 = arith.constant 0 : i32
        %get3A_314 = arith.index_cast %get3A_313 : i32 to index
        %get3A_315 = arith.index_cast %while3A_231 : i32 to index
        %get3A_316 = arith.constant 16 : index
        %get3A_317 = tpu.vector_load %arg10[%get3A_314, %get3A_315, %get3A_316] {strides = array<i32>} : memref<8x128x64xf32, #tpu.memory_space<vmem>>, vector<16xf32>,
        %mul3A_318 = vector.broadcast %squeeze3A : f32 to vector<16xf32>
        %mul3A_319 = arith.mulf %mul3A_318, %get3A_317 : vector<16xf32>
        %get3A_320 = arith.constant 1 : i32
        %get3A_321 = arith.index_cast %get3A_320 : i32 to index
        %get3A_322 = arith.index_cast %while3A_231 : i32 to index
        %get3A_323 = arith.constant 16 : index
        %get3A_324 = tpu.vector_load %arg10[%get3A_321, %get3A_322, %get3A_323] {strides = array<i32>} : memref<8x128x64xf32, #tpu.memory_space<vmem>>, vector<16xf32>,
        %mul3A_325 = vector.broadcast %squeeze3A_235 : f32 to vector<16xf32>
        %mul3A_326 = arith.mulf %mul3A_325, %get3A_324 : vector<16xf32>
        %add3A_327 = arith.addf %mul3A_319, %mul3A_326 : vector<16xf32>
        %get3A_328 = arith.constant 2 : i32
        %get3A_329 = arith.index_cast %get3A_328 : i32 to index
        %get3A_330 = arith.index_cast %while3A_231 : i32 to index
        %get3A_331 = arith.constant 16 : index
        %get3A_332 = tpu.vector_load %arg10[%get3A_329, %get3A_330, %get3A_331] {strides = array<i32>} : memref<8x128x64xf32, #tpu.memory_space<vmem>>, vector<16xf32>,
        %mul3A_333 = vector.broadcast %squeeze3A_237 : f32 to vector<16xf32>
        %mul3A_334 = arith.mulf %mul3A_333, %get3A_332 : vector<16xf32>
        %add3A_335 = arith.addf %add3A_327, %mul3A_334 : vector<16xf32>
        %get3A_336 = arith.constant 3 : i32
        %get3A_337 = arith.index_cast %get3A_336 : i32 to index
        %get3A_338 = arith.index_cast %while3A_231 : i32 to index
        %get3A_339 = arith.constant 16 : index
        %get3A_340 = tpu.vector_load %arg10[%get3A_337, %get3A_338, %get3A_339] {strides = array<i32>} : memref<8x128x64xf32, #tpu.memory_space<vmem>>, vector<16xf32>,
        %mul3A_341 = vector.broadcast %squeeze3A_239 : f32 to vector<16xf32>
        %mul3A_342 = arith.mulf %mul3A_341, %get3A_340 : vector<16xf32>
        %add3A_343 = arith.addf %add3A_335, %mul3A_342 : vector<16xf32>
        %get3A_344 = arith.constant 4 : i32
        %get3A_345 = arith.index_cast %get3A_344 : i32 to index
        %get3A_346 = arith.index_cast %while3A_231 : i32 to index
        %get3A_347 = arith.constant 16 : index
        %get3A_348 = tpu.vector_load %arg10[%get3A_345, %get3A_346, %get3A_347] {strides = array<i32>} : memref<8x128x64xf32, #tpu.memory_space<vmem>>, vector<16xf32>,
        %mul3A_349 = vector.broadcast %squeeze3A_241 : f32 to vector<16xf32>
        %mul3A_350 = arith.mulf %mul3A_349, %get3A_348 : vector<16xf32>
        %add3A_351 = arith.addf %add3A_343, %mul3A_350 : vector<16xf32>
        %get3A_352 = arith.constant 5 : i32
        %get3A_353 = arith.index_cast %get3A_352 : i32 to index
        %get3A_354 = arith.index_cast %while3A_231 : i32 to index
        %get3A_355 = arith.constant 16 : index
        %get3A_356 = tpu.vector_load %arg10[%get3A_353, %get3A_354, %get3A_355] {strides = array<i32>} : memref<8x128x64xf32, #tpu.memory_space<vmem>>, vector<16xf32>,
        %mul3A_357 = vector.broadcast %squeeze3A_243 : f32 to vector<16xf32>
        %mul3A_358 = arith.mulf %mul3A_357, %get3A_356 : vector<16xf32>
        %add3A_359 = arith.addf %add3A_351, %mul3A_358 : vector<16xf32>
        %get3A_360 = arith.constant 6 : i32
        %get3A_361 = arith.index_cast %get3A_360 : i32 to index
        %get3A_362 = arith.index_cast %while3A_231 : i32 to index
        %get3A_363 = arith.constant 16 : index
        %get3A_364 = tpu.vector_load %arg10[%get3A_361, %get3A_362, %get3A_363] {strides = array<i32>} : memref<8x128x64xf32, #tpu.memory_space<vmem>>, vector<16xf32>,
        %mul3A_365 = vector.broadcast %squeeze3A_245 : f32 to vector<16xf32>
        %mul3A_366 = arith.mulf %mul3A_365, %get3A_364 : vector<16xf32>
        %add3A_367 = arith.addf %add3A_359, %mul3A_366 : vector<16xf32>
        %get3A_368 = arith.constant 7 : i32
        %get3A_369 = arith.index_cast %get3A_368 : i32 to index
        %get3A_370 = arith.index_cast %while3A_231 : i32 to index
        %get3A_371 = arith.constant 16 : index
        %get3A_372 = tpu.vector_load %arg10[%get3A_369, %get3A_370, %get3A_371] {strides = array<i32>} : memref<8x128x64xf32, #tpu.memory_space<vmem>>, vector<16xf32>,
        %mul3A_373 = vector.broadcast %squeeze3A_247 : f32 to vector<16xf32>
        %mul3A_374 = arith.mulf %mul3A_373, %get3A_372 : vector<16xf32>
        %add3A_375 = arith.addf %add3A_367, %mul3A_374 : vector<16xf32>
        %swap3A_376 = arith.index_cast %while3A_231 : i32 to index
        %swap3A_377 = arith.constant 16 : index
        %swap3A_378 = tpu.vector_load %arg11[%swap3A_376, %swap3A_377] {strides = array<i32>} : memref<128x64xf32, #tpu.memory_space<vmem>>, vector<16xf32>,
        tpu.vector_store %arg11[%swap3A_376, %swap3A_377], %add3A_375 {strides = array<i32>} : memref<128x64xf32, #tpu.memory_space<vmem>>, vector<16xf32>,
        %get3A_379 = arith.constant 0 : i32
        %get3A_380 = arith.index_cast %get3A_379 : i32 to index
        %get3A_381 = arith.index_cast %while3A_231 : i32 to index
        %get3A_382 = arith.constant 32 : index
        %get3A_383 = tpu.vector_load %arg10[%get3A_380, %get3A_381, %get3A_382] {strides = array<i32>} : memref<8x128x64xf32, #tpu.memory_space<vmem>>, vector<16xf32>,
        %mul3A_384 = vector.broadcast %squeeze3A : f32 to vector<16xf32>
        %mul3A_385 = arith.mulf %mul3A_384, %get3A_383 : vector<16xf32>
        %get3A_386 = arith.constant 1 : i32
        %get3A_387 = arith.index_cast %get3A_386 : i32 to index
        %get3A_388 = arith.index_cast %while3A_231 : i32 to index
        %get3A_389 = arith.constant 32 : index
        %get3A_390 = tpu.vector_load %arg10[%get3A_387, %get3A_388, %get3A_389] {strides = array<i32>} : memref<8x128x64xf32, #tpu.memory_space<vmem>>, vector<16xf32>,
        %mul3A_391 = vector.broadcast %squeeze3A_235 : f32 to vector<16xf32>
        %mul3A_392 = arith.mulf %mul3A_391, %get3A_390 : vector<16xf32>
        %add3A_393 = arith.addf %mul3A_385, %mul3A_392 : vector<16xf32>
        %get3A_394 = arith.constant 2 : i32
        %get3A_395 = arith.index_cast %get3A_394 : i32 to index
        %get3A_396 = arith.index_cast %while3A_231 : i32 to index
        %get3A_397 = arith.constant 32 : index
        %get3A_398 = tpu.vector_load %arg10[%get3A_395, %get3A_396, %get3A_397] {strides = array<i32>} : memref<8x128x64xf32, #tpu.memory_space<vmem>>, vector<16xf32>,
        %mul3A_399 = vector.broadcast %squeeze3A_237 : f32 to vector<16xf32>
        %mul3A_400 = arith.mulf %mul3A_399, %get3A_398 : vector<16xf32>
        %add3A_401 = arith.addf %add3A_393, %mul3A_400 : vector<16xf32>
        %get3A_402 = arith.constant 3 : i32
        %get3A_403 = arith.index_cast %get3A_402 : i32 to index
        %get3A_404 = arith.index_cast %while3A_231 : i32 to index
        %get3A_405 = arith.constant 32 : index
        %get3A_406 = tpu.vector_load %arg10[%get3A_403, %get3A_404, %get3A_405] {strides = array<i32>} : memref<8x128x64xf32, #tpu.memory_space<vmem>>, vector<16xf32>,
        %mul3A_407 = vector.broadcast %squeeze3A_239 : f32 to vector<16xf32>
        %mul3A_408 = arith.mulf %mul3A_407, %get3A_406 : vector<16xf32>
        %add3A_409 = arith.addf %add3A_401, %mul3A_408 : vector<16xf32>
        %get3A_410 = arith.constant 4 : i32
        %get3A_411 = arith.index_cast %get3A_410 : i32 to index
        %get3A_412 = arith.index_cast %while3A_231 : i32 to index
        %get3A_413 = arith.constant 32 : index
        %get3A_414 = tpu.vector_load %arg10[%get3A_411, %get3A_412, %get3A_413] {strides = array<i32>} : memref<8x128x64xf32, #tpu.memory_space<vmem>>, vector<16xf32>,
        %mul3A_415 = vector.broadcast %squeeze3A_241 : f32 to vector<16xf32>
        %mul3A_416 = arith.mulf %mul3A_415, %get3A_414 : vector<16xf32>
        %add3A_417 = arith.addf %add3A_409, %mul3A_416 : vector<16xf32>
        %get3A_418 = arith.constant 5 : i32
        %get3A_419 = arith.index_cast %get3A_418 : i32 to index
        %get3A_420 = arith.index_cast %while3A_231 : i32 to index
        %get3A_421 = arith.constant 32 : index
        %get3A_422 = tpu.vector_load %arg10[%get3A_419, %get3A_420, %get3A_421] {strides = array<i32>} : memref<8x128x64xf32, #tpu.memory_space<vmem>>, vector<16xf32>,
        %mul3A_423 = vector.broadcast %squeeze3A_243 : f32 to vector<16xf32>
        %mul3A_424 = arith.mulf %mul3A_423, %get3A_422 : vector<16xf32>
        %add3A_425 = arith.addf %add3A_417, %mul3A_424 : vector<16xf32>
        %get3A_426 = arith.constant 6 : i32
        %get3A_427 = arith.index_cast %get3A_426 : i32 to index
        %get3A_428 = arith.index_cast %while3A_231 : i32 to index
        %get3A_429 = arith.constant 32 : index
        %get3A_430 = tpu.vector_load %arg10[%get3A_427, %get3A_428, %get3A_429] {strides = array<i32>} : memref<8x128x64xf32, #tpu.memory_space<vmem>>, vector<16xf32>,
        %mul3A_431 = vector.broadcast %squeeze3A_245 : f32 to vector<16xf32>
        %mul3A_432 = arith.mulf %mul3A_431, %get3A_430 : vector<16xf32>
        %add3A_433 = arith.addf %add3A_425, %mul3A_432 : vector<16xf32>
        %get3A_434 = arith.constant 7 : i32
        %get3A_435 = arith.index_cast %get3A_434 : i32 to index
        %get3A_436 = arith.index_cast %while3A_231 : i32 to index
        %get3A_437 = arith.constant 32 : index
        %get3A_438 = tpu.vector_load %arg10[%get3A_435, %get3A_436, %get3A_437] {strides = array<i32>} : memref<8x128x64xf32, #tpu.memory_space<vmem>>, vector<16xf32>,
        %mul3A_439 = vector.broadcast %squeeze3A_247 : f32 to vector<16xf32>
        %mul3A_440 = arith.mulf %mul3A_439, %get3A_438 : vector<16xf32>
        %add3A_441 = arith.addf %add3A_433, %mul3A_440 : vector<16xf32>
        %swap3A_442 = arith.index_cast %while3A_231 : i32 to index
        %swap3A_443 = arith.constant 32 : index
        %swap3A_444 = tpu.vector_load %arg11[%swap3A_442, %swap3A_443] {strides = array<i32>} : memref<128x64xf32, #tpu.memory_space<vmem>>, vector<16xf32>,
        tpu.vector_store %arg11[%swap3A_442, %swap3A_443], %add3A_441 {strides = array<i32>} : memref<128x64xf32, #tpu.memory_space<vmem>>, vector<16xf32>,
        %get3A_445 = arith.constant 0 : i32
        %get3A_446 = arith.index_cast %get3A_445 : i32 to index
        %get3A_447 = arith.index_cast %while3A_231 : i32 to index
        %get3A_448 = arith.constant 48 : index
        %get3A_449 = tpu.vector_load %arg10[%get3A_446, %get3A_447, %get3A_448] {strides = array<i32>} : memref<8x128x64xf32, #tpu.memory_space<vmem>>, vector<16xf32>,
        %mul3A_450 = vector.broadcast %squeeze3A : f32 to vector<16xf32>
        %mul3A_451 = arith.mulf %mul3A_450, %get3A_449 : vector<16xf32>
        %get3A_452 = arith.constant 1 : i32
        %get3A_453 = arith.index_cast %get3A_452 : i32 to index
        %get3A_454 = arith.index_cast %while3A_231 : i32 to index
        %get3A_455 = arith.constant 48 : index
        %get3A_456 = tpu.vector_load %arg10[%get3A_453, %get3A_454, %get3A_455] {strides = array<i32>} : memref<8x128x64xf32, #tpu.memory_space<vmem>>, vector<16xf32>,
        %mul3A_457 = vector.broadcast %squeeze3A_235 : f32 to vector<16xf32>
        %mul3A_458 = arith.mulf %mul3A_457, %get3A_456 : vector<16xf32>
        %add3A_459 = arith.addf %mul3A_451, %mul3A_458 : vector<16xf32>
        %get3A_460 = arith.constant 2 : i32
        %get3A_461 = arith.index_cast %get3A_460 : i32 to index
        %get3A_462 = arith.index_cast %while3A_231 : i32 to index
        %get3A_463 = arith.constant 48 : index
        %get3A_464 = tpu.vector_load %arg10[%get3A_461, %get3A_462, %get3A_463] {strides = array<i32>} : memref<8x128x64xf32, #tpu.memory_space<vmem>>, vector<16xf32>,
        %mul3A_465 = vector.broadcast %squeeze3A_237 : f32 to vector<16xf32>
        %mul3A_466 = arith.mulf %mul3A_465, %get3A_464 : vector<16xf32>
        %add3A_467 = arith.addf %add3A_459, %mul3A_466 : vector<16xf32>
        %get3A_468 = arith.constant 3 : i32
        %get3A_469 = arith.index_cast %get3A_468 : i32 to index
        %get3A_470 = arith.index_cast %while3A_231 : i32 to index
        %get3A_471 = arith.constant 48 : index
        %get3A_472 = tpu.vector_load %arg10[%get3A_469, %get3A_470, %get3A_471] {strides = array<i32>} : memref<8x128x64xf32, #tpu.memory_space<vmem>>, vector<16xf32>,
        %mul3A_473 = vector.broadcast %squeeze3A_239 : f32 to vector<16xf32>
        %mul3A_474 = arith.mulf %mul3A_473, %get3A_472 : vector<16xf32>
        %add3A_475 = arith.addf %add3A_467, %mul3A_474 : vector<16xf32>
        %get3A_476 = arith.constant 4 : i32
        %get3A_477 = arith.index_cast %get3A_476 : i32 to index
        %get3A_478 = arith.index_cast %while3A_231 : i32 to index
        %get3A_479 = arith.constant 48 : index
        %get3A_480 = tpu.vector_load %arg10[%get3A_477, %get3A_478, %get3A_479] {strides = array<i32>} : memref<8x128x64xf32, #tpu.memory_space<vmem>>, vector<16xf32>,
        %mul3A_481 = vector.broadcast %squeeze3A_241 : f32 to vector<16xf32>
        %mul3A_482 = arith.mulf %mul3A_481, %get3A_480 : vector<16xf32>
        %add3A_483 = arith.addf %add3A_475, %mul3A_482 : vector<16xf32>
        %get3A_484 = arith.constant 5 : i32
        %get3A_485 = arith.index_cast %get3A_484 : i32 to index
        %get3A_486 = arith.index_cast %while3A_231 : i32 to index
        %get3A_487 = arith.constant 48 : index
        %get3A_488 = tpu.vector_load %arg10[%get3A_485, %get3A_486, %get3A_487] {strides = array<i32>} : memref<8x128x64xf32, #tpu.memory_space<vmem>>, vector<16xf32>,
        %mul3A_489 = vector.broadcast %squeeze3A_243 : f32 to vector<16xf32>
        %mul3A_490 = arith.mulf %mul3A_489, %get3A_488 : vector<16xf32>
        %add3A_491 = arith.addf %add3A_483, %mul3A_490 : vector<16xf32>
        %get3A_492 = arith.constant 6 : i32
        %get3A_493 = arith.index_cast %get3A_492 : i32 to index
        %get3A_494 = arith.index_cast %while3A_231 : i32 to index
        %get3A_495 = arith.constant 48 : index
        %get3A_496 = tpu.vector_load %arg10[%get3A_493, %get3A_494, %get3A_495] {strides = array<i32>} : memref<8x128x64xf32, #tpu.memory_space<vmem>>, vector<16xf32>,
        %mul3A_497 = vector.broadcast %squeeze3A_245 : f32 to vector<16xf32>
        %mul3A_498 = arith.mulf %mul3A_497, %get3A_496 : vector<16xf32>
        %add3A_499 = arith.addf %add3A_491, %mul3A_498 : vector<16xf32>
        %get3A_500 = arith.constant 7 : i32
        %get3A_501 = arith.index_cast %get3A_500 : i32 to index
        %get3A_502 = arith.index_cast %while3A_231 : i32 to index
        %get3A_503 = arith.constant 48 : index
        %get3A_504 = tpu.vector_load %arg10[%get3A_501, %get3A_502, %get3A_503] {strides = array<i32>} : memref<8x128x64xf32, #tpu.memory_space<vmem>>, vector<16xf32>,
        %mul3A_505 = vector.broadcast %squeeze3A_247 : f32 to vector<16xf32>
        %mul3A_506 = arith.mulf %mul3A_505, %get3A_504 : vector<16xf32>
        %add3A_507 = arith.addf %add3A_499, %mul3A_506 : vector<16xf32>
        %swap3A_508 = arith.index_cast %while3A_231 : i32 to index
        %swap3A_509 = arith.constant 48 : index
        %swap3A_510 = tpu.vector_load %arg11[%swap3A_508, %swap3A_509] {strides = array<i32>} : memref<128x64xf32, #tpu.memory_space<vmem>>, vector<16xf32>,
        tpu.vector_store %arg11[%swap3A_508, %swap3A_509], %add3A_507 {strides = array<i32>} : memref<128x64xf32, #tpu.memory_space<vmem>>, vector<16xf32>,
      }
      %while3A_230 = arith.constant 1 : i32
      scf.for %while3A_231 = %while3A_228 to %while3A_224 step %while3A_230  : i32 {
        %get3A = arith.index_cast %while3A_231 : i32 to index
        %get3A_232 = arith.constant 0 : index
        %get3A_233 = tpu.vector_load %arg9[%get3A, %get3A_232] {strides = array<i32>} : memref<128x16xf32, #tpu.memory_space<vmem>>, vector<16xf32>,
        %slice3A = vector.extract_strided_slice %get3A_233 {offsets = [0], sizes = [1], strides = [1]} : vector<16xf32> to vector<1xf32>
        %squeeze3A = vector.extract %slice3A[0] : f32 from vector<1xf32>
        %slice3A_234 = vector.extract_strided_slice %get3A_233 {offsets = [1], sizes = [1], strides = [1]} : vector<16xf32> to vector<1xf32>
        %squeeze3A_235 = vector.extract %slice3A_234[0] : f32 from vector<1xf32>
        %slice3A_236 = vector.extract_strided_slice %get3A_233 {offsets = [2], sizes = [1], strides = [1]} : vector<16xf32> to vector<1xf32>
        %squeeze3A_237 = vector.extract %slice3A_236[0] : f32 from vector<1xf32>
        %slice3A_238 = vector.extract_strided_slice %get3A_233 {offsets = [3], sizes = [1], strides = [1]} : vector<16xf32> to vector<1xf32>
        %squeeze3A_239 = vector.extract %slice3A_238[0] : f32 from vector<1xf32>
        %slice3A_240 = vector.extract_strided_slice %get3A_233 {offsets = [4], sizes = [1], strides = [1]} : vector<16xf32> to vector<1xf32>
        %squeeze3A_241 = vector.extract %slice3A_240[0] : f32 from vector<1xf32>
        %slice3A_242 = vector.extract_strided_slice %get3A_233 {offsets = [5], sizes = [1], strides = [1]} : vector<16xf32> to vector<1xf32>
        %squeeze3A_243 = vector.extract %slice3A_242[0] : f32 from vector<1xf32>
        %slice3A_244 = vector.extract_strided_slice %get3A_233 {offsets = [6], sizes = [1], strides = [1]} : vector<16xf32> to vector<1xf32>
        %squeeze3A_245 = vector.extract %slice3A_244[0] : f32 from vector<1xf32>
        %slice3A_246 = vector.extract_strided_slice %get3A_233 {offsets = [7], sizes = [1], strides = [1]} : vector<16xf32> to vector<1xf32>
        %squeeze3A_247 = vector.extract %slice3A_246[0] : f32 from vector<1xf32>
        %get3A_248 = arith.constant 0 : i32
        %get3A_249 = arith.index_cast %get3A_248 : i32 to index
        %get3A_250 = arith.index_cast %while3A_231 : i32 to index
        %get3A_251 = arith.constant 0 : index
        %get3A_252 = tpu.vector_load %arg10[%get3A_249, %get3A_250, %get3A_251] {strides = array<i32>} : memref<8x128x64xf32, #tpu.memory_space<vmem>>, vector<16xf32>,
        %mul3A_253 = vector.broadcast %squeeze3A : f32 to vector<16xf32>
        %mul3A_254 = arith.mulf %mul3A_253, %get3A_252 : vector<16xf32>
        %get3A_255 = arith.constant 1 : i32
        %get3A_256 = arith.index_cast %get3A_255 : i32 to index
        %get3A_257 = arith.index_cast %while3A_231 : i32 to index
        %get3A_258 = arith.constant 0 : index
        %get3A_259 = tpu.vector_load %arg10[%get3A_256, %get3A_257, %get3A_258] {strides = array<i32>} : memref<8x128x64xf32, #tpu.memory_space<vmem>>, vector<16xf32>,
        %mul3A_260 = vector.broadcast %squeeze3A_235 : f32 to vector<16xf32>
        %mul3A_261 = arith.mulf %mul3A_260, %get3A_259 : vector<16xf32>
        %add3A_262 = arith.addf %mul3A_254, %mul3A_261 : vector<16xf32>
        %get3A_263 = arith.constant 2 : i32
        %get3A_264 = arith.index_cast %get3A_263 : i32 to index
        %get3A_265 = arith.index_cast %while3A_231 : i32 to index
        %get3A_266 = arith.constant 0 : index
        %get3A_267 = tpu.vector_load %arg10[%get3A_264, %get3A_265, %get3A_266] {strides = array<i32>} : memref<8x128x64xf32, #tpu.memory_space<vmem>>, vector<16xf32>,
        %mul3A_268 = vector.broadcast %squeeze3A_237 : f32 to vector<16xf32>
        %mul3A_269 = arith.mulf %mul3A_268, %get3A_267 : vector<16xf32>
        %add3A_270 = arith.addf %add3A_262, %mul3A_269 : vector<16xf32>
        %get3A_271 = arith.constant 3 : i32
        %get3A_272 = arith.index_cast %get3A_271 : i32 to index
        %get3A_273 = arith.index_cast %while3A_231 : i32 to index
        %get3A_274 = arith.constant 0 : index
        %get3A_275 = tpu.vector_load %arg10[%get3A_272, %get3A_273, %get3A_274] {strides = array<i32>} : memref<8x128x64xf32, #tpu.memory_space<vmem>>, vector<16xf32>,
        %mul3A_276 = vector.broadcast %squeeze3A_239 : f32 to vector<16xf32>
        %mul3A_277 = arith.mulf %mul3A_276, %get3A_275 : vector<16xf32>
        %add3A_278 = arith.addf %add3A_270, %mul3A_277 : vector<16xf32>
        %get3A_279 = arith.constant 4 : i32
        %get3A_280 = arith.index_cast %get3A_279 : i32 to index
        %get3A_281 = arith.index_cast %while3A_231 : i32 to index
        %get3A_282 = arith.constant 0 : index
        %get3A_283 = tpu.vector_load %arg10[%get3A_280, %get3A_281, %get3A_282] {strides = array<i32>} : memref<8x128x64xf32, #tpu.memory_space<vmem>>, vector<16xf32>,
        %mul3A_284 = vector.broadcast %squeeze3A_241 : f32 to vector<16xf32>
        %mul3A_285 = arith.mulf %mul3A_284, %get3A_283 : vector<16xf32>
        %add3A_286 = arith.addf %add3A_278, %mul3A_285 : vector<16xf32>
        %get3A_287 = arith.constant 5 : i32
        %get3A_288 = arith.index_cast %get3A_287 : i32 to index
        %get3A_289 = arith.index_cast %while3A_231 : i32 to index
        %get3A_290 = arith.constant 0 : index
        %get3A_291 = tpu.vector_load %arg10[%get3A_288, %get3A_289, %get3A_290] {strides = array<i32>} : memref<8x128x64xf32, #tpu.memory_space<vmem>>, vector<16xf32>,
        %mul3A_292 = vector.broadcast %squeeze3A_243 : f32 to vector<16xf32>
        %mul3A_293 = arith.mulf %mul3A_292, %get3A_291 : vector<16xf32>
        %add3A_294 = arith.addf %add3A_286, %mul3A_293 : vector<16xf32>
        %get3A_295 = arith.constant 6 : i32
        %get3A_296 = arith.index_cast %get3A_295 : i32 to index
        %get3A_297 = arith.index_cast %while3A_231 : i32 to index
        %get3A_298 = arith.constant 0 : index
        %get3A_299 = tpu.vector_load %arg10[%get3A_296, %get3A_297, %get3A_298] {strides = array<i32>} : memref<8x128x64xf32, #tpu.memory_space<vmem>>, vector<16xf32>,
        %mul3A_300 = vector.broadcast %squeeze3A_245 : f32 to vector<16xf32>
        %mul3A_301 = arith.mulf %mul3A_300, %get3A_299 : vector<16xf32>
        %add3A_302 = arith.addf %add3A_294, %mul3A_301 : vector<16xf32>
        %get3A_303 = arith.constant 7 : i32
        %get3A_304 = arith.index_cast %get3A_303 : i32 to index
        %get3A_305 = arith.index_cast %while3A_231 : i32 to index
        %get3A_306 = arith.constant 0 : index
        %get3A_307 = tpu.vector_load %arg10[%get3A_304, %get3A_305, %get3A_306] {strides = array<i32>} : memref<8x128x64xf32, #tpu.memory_space<vmem>>, vector<16xf32>,
        %mul3A_308 = vector.broadcast %squeeze3A_247 : f32 to vector<16xf32>
        %mul3A_309 = arith.mulf %mul3A_308, %get3A_307 : vector<16xf32>
        %add3A_310 = arith.addf %add3A_302, %mul3A_309 : vector<16xf32>
        %swap3A = arith.index_cast %while3A_231 : i32 to index
        %swap3A_311 = arith.constant 0 : index
        %swap3A_312 = tpu.vector_load %arg11[%swap3A, %swap3A_311] {strides = array<i32>} : memref<128x64xf32, #tpu.memory_space<vmem>>, vector<16xf32>,
        tpu.vector_store %arg11[%swap3A, %swap3A_311], %add3A_310 {strides = array<i32>} : memref<128x64xf32, #tpu.memory_space<vmem>>, vector<16xf32>,
        %get3A_313 = arith.constant 0 : i32
        %get3A_314 = arith.index_cast %get3A_313 : i32 to index
        %get3A_315 = arith.index_cast %while3A_231 : i32 to index
        %get3A_316 = arith.constant 16 : index
        %get3A_317 = tpu.vector_load %arg10[%get3A_314, %get3A_315, %get3A_316] {strides = array<i32>} : memref<8x128x64xf32, #tpu.memory_space<vmem>>, vector<16xf32>,
        %mul3A_318 = vector.broadcast %squeeze3A : f32 to vector<16xf32>
        %mul3A_319 = arith.mulf %mul3A_318, %get3A_317 : vector<16xf32>
        %get3A_320 = arith.constant 1 : i32
        %get3A_321 = arith.index_cast %get3A_320 : i32 to index
        %get3A_322 = arith.index_cast %while3A_231 : i32 to index
        %get3A_323 = arith.constant 16 : index
        %get3A_324 = tpu.vector_load %arg10[%get3A_321, %get3A_322, %get3A_323] {strides = array<i32>} : memref<8x128x64xf32, #tpu.memory_space<vmem>>, vector<16xf32>,
        %mul3A_325 = vector.broadcast %squeeze3A_235 : f32 to vector<16xf32>
        %mul3A_326 = arith.mulf %mul3A_325, %get3A_324 : vector<16xf32>
        %add3A_327 = arith.addf %mul3A_319, %mul3A_326 : vector<16xf32>
        %get3A_328 = arith.constant 2 : i32
        %get3A_329 = arith.index_cast %get3A_328 : i32 to index
        %get3A_330 = arith.index_cast %while3A_231 : i32 to index
        %get3A_331 = arith.constant 16 : index
        %get3A_332 = tpu.vector_load %arg10[%get3A_329, %get3A_330, %get3A_331] {strides = array<i32>} : memref<8x128x64xf32, #tpu.memory_space<vmem>>, vector<16xf32>,
        %mul3A_333 = vector.broadcast %squeeze3A_237 : f32 to vector<16xf32>
        %mul3A_334 = arith.mulf %mul3A_333, %get3A_332 : vector<16xf32>
        %add3A_335 = arith.addf %add3A_327, %mul3A_334 : vector<16xf32>
        %get3A_336 = arith.constant 3 : i32
        %get3A_337 = arith.index_cast %get3A_336 : i32 to index
        %get3A_338 = arith.index_cast %while3A_231 : i32 to index
        %get3A_339 = arith.constant 16 : index
        %get3A_340 = tpu.vector_load %arg10[%get3A_337, %get3A_338, %get3A_339] {strides = array<i32>} : memref<8x128x64xf32, #tpu.memory_space<vmem>>, vector<16xf32>,
        %mul3A_341 = vector.broadcast %squeeze3A_239 : f32 to vector<16xf32>
        %mul3A_342 = arith.mulf %mul3A_341, %get3A_340 : vector<16xf32>
        %add3A_343 = arith.addf %add3A_335, %mul3A_342 : vector<16xf32>
        %get3A_344 = arith.constant 4 : i32
        %get3A_345 = arith.index_cast %get3A_344 : i32 to index
        %get3A_346 = arith.index_cast %while3A_231 : i32 to index
        %get3A_347 = arith.constant 16 : index
        %get3A_348 = tpu.vector_load %arg10[%get3A_345, %get3A_346, %get3A_347] {strides = array<i32>} : memref<8x128x64xf32, #tpu.memory_space<vmem>>, vector<16xf32>,
        %mul3A_349 = vector.broadcast %squeeze3A_241 : f32 to vector<16xf32>
        %mul3A_350 = arith.mulf %mul3A_349, %get3A_348 : vector<16xf32>
        %add3A_351 = arith.addf %add3A_343, %mul3A_350 : vector<16xf32>
        %get3A_352 = arith.constant 5 : i32
        %get3A_353 = arith.index_cast %get3A_352 : i32 to index
        %get3A_354 = arith.index_cast %while3A_231 : i32 to index
        %get3A_355 = arith.constant 16 : index
        %get3A_356 = tpu.vector_load %arg10[%get3A_353, %get3A_354, %get3A_355] {strides = array<i32>} : memref<8x128x64xf32, #tpu.memory_space<vmem>>, vector<16xf32>,
        %mul3A_357 = vector.broadcast %squeeze3A_243 : f32 to vector<16xf32>
        %mul3A_358 = arith.mulf %mul3A_357, %get3A_356 : vector<16xf32>
        %add3A_359 = arith.addf %add3A_351, %mul3A_358 : vector<16xf32>
        %get3A_360 = arith.constant 6 : i32
        %get3A_361 = arith.index_cast %get3A_360 : i32 to index
        %get3A_362 = arith.index_cast %while3A_231 : i32 to index
        %get3A_363 = arith.constant 16 : index
        %get3A_364 = tpu.vector_load %arg10[%get3A_361, %get3A_362, %get3A_363] {strides = array<i32>} : memref<8x128x64xf32, #tpu.memory_space<vmem>>, vector<16xf32>,
        %mul3A_365 = vector.broadcast %squeeze3A_245 : f32 to vector<16xf32>
        %mul3A_366 = arith.mulf %mul3A_365, %get3A_364 : vector<16xf32>
        %add3A_367 = arith.addf %add3A_359, %mul3A_366 : vector<16xf32>
        %get3A_368 = arith.constant 7 : i32
        %get3A_369 = arith.index_cast %get3A_368 : i32 to index
        %get3A_370 = arith.index_cast %while3A_231 : i32 to index
        %get3A_371 = arith.constant 16 : index
        %get3A_372 = tpu.vector_load %arg10[%get3A_369, %get3A_370, %get3A_371] {strides = array<i32>} : memref<8x128x64xf32, #tpu.memory_space<vmem>>, vector<16xf32>,
        %mul3A_373 = vector.broadcast %squeeze3A_247 : f32 to vector<16xf32>
        %mul3A_374 = arith.mulf %mul3A_373, %get3A_372 : vector<16xf32>
        %add3A_375 = arith.addf %add3A_367, %mul3A_374 : vector<16xf32>
        %swap3A_376 = arith.index_cast %while3A_231 : i32 to index
        %swap3A_377 = arith.constant 16 : index
        %swap3A_378 = tpu.vector_load %arg11[%swap3A_376, %swap3A_377] {strides = array<i32>} : memref<128x64xf32, #tpu.memory_space<vmem>>, vector<16xf32>,
        tpu.vector_store %arg11[%swap3A_376, %swap3A_377], %add3A_375 {strides = array<i32>} : memref<128x64xf32, #tpu.memory_space<vmem>>, vector<16xf32>,
        %get3A_379 = arith.constant 0 : i32
        %get3A_380 = arith.index_cast %get3A_379 : i32 to index
        %get3A_381 = arith.index_cast %while3A_231 : i32 to index
        %get3A_382 = arith.constant 32 : index
        %get3A_383 = tpu.vector_load %arg10[%get3A_380, %get3A_381, %get3A_382] {strides = array<i32>} : memref<8x128x64xf32, #tpu.memory_space<vmem>>, vector<16xf32>,
        %mul3A_384 = vector.broadcast %squeeze3A : f32 to vector<16xf32>
        %mul3A_385 = arith.mulf %mul3A_384, %get3A_383 : vector<16xf32>
        %get3A_386 = arith.constant 1 : i32
        %get3A_387 = arith.index_cast %get3A_386 : i32 to index
        %get3A_388 = arith.index_cast %while3A_231 : i32 to index
        %get3A_389 = arith.constant 32 : index
        %get3A_390 = tpu.vector_load %arg10[%get3A_387, %get3A_388, %get3A_389] {strides = array<i32>} : memref<8x128x64xf32, #tpu.memory_space<vmem>>, vector<16xf32>,
        %mul3A_391 = vector.broadcast %squeeze3A_235 : f32 to vector<16xf32>
        %mul3A_392 = arith.mulf %mul3A_391, %get3A_390 : vector<16xf32>
        %add3A_393 = arith.addf %mul3A_385, %mul3A_392 : vector<16xf32>
        %get3A_394 = arith.constant 2 : i32
        %get3A_395 = arith.index_cast %get3A_394 : i32 to index
        %get3A_396 = arith.index_cast %while3A_231 : i32 to index
        %get3A_397 = arith.constant 32 : index
        %get3A_398 = tpu.vector_load %arg10[%get3A_395, %get3A_396, %get3A_397] {strides = array<i32>} : memref<8x128x64xf32, #tpu.memory_space<vmem>>, vector<16xf32>,
        %mul3A_399 = vector.broadcast %squeeze3A_237 : f32 to vector<16xf32>
        %mul3A_400 = arith.mulf %mul3A_399, %get3A_398 : vector<16xf32>
        %add3A_401 = arith.addf %add3A_393, %mul3A_400 : vector<16xf32>
        %get3A_402 = arith.constant 3 : i32
        %get3A_403 = arith.index_cast %get3A_402 : i32 to index
        %get3A_404 = arith.index_cast %while3A_231 : i32 to index
        %get3A_405 = arith.constant 32 : index
        %get3A_406 = tpu.vector_load %arg10[%get3A_403, %get3A_404, %get3A_405] {strides = array<i32>} : memref<8x128x64xf32, #tpu.memory_space<vmem>>, vector<16xf32>,
        %mul3A_407 = vector.broadcast %squeeze3A_239 : f32 to vector<16xf32>
        %mul3A_408 = arith.mulf %mul3A_407, %get3A_406 : vector<16xf32>
        %add3A_409 = arith.addf %add3A_401, %mul3A_408 : vector<16xf32>
        %get3A_410 = arith.constant 4 : i32
        %get3A_411 = arith.index_cast %get3A_410 : i32 to index
        %get3A_412 = arith.index_cast %while3A_231 : i32 to index
        %get3A_413 = arith.constant 32 : index
        %get3A_414 = tpu.vector_load %arg10[%get3A_411, %get3A_412, %get3A_413] {strides = array<i32>} : memref<8x128x64xf32, #tpu.memory_space<vmem>>, vector<16xf32>,
        %mul3A_415 = vector.broadcast %squeeze3A_241 : f32 to vector<16xf32>
        %mul3A_416 = arith.mulf %mul3A_415, %get3A_414 : vector<16xf32>
        %add3A_417 = arith.addf %add3A_409, %mul3A_416 : vector<16xf32>
        %get3A_418 = arith.constant 5 : i32
        %get3A_419 = arith.index_cast %get3A_418 : i32 to index
        %get3A_420 = arith.index_cast %while3A_231 : i32 to index
        %get3A_421 = arith.constant 32 : index
        %get3A_422 = tpu.vector_load %arg10[%get3A_419, %get3A_420, %get3A_421] {strides = array<i32>} : memref<8x128x64xf32, #tpu.memory_space<vmem>>, vector<16xf32>,
        %mul3A_423 = vector.broadcast %squeeze3A_243 : f32 to vector<16xf32>
        %mul3A_424 = arith.mulf %mul3A_423, %get3A_422 : vector<16xf32>
        %add3A_425 = arith.addf %add3A_417, %mul3A_424 : vector<16xf32>
        %get3A_426 = arith.constant 6 : i32
        %get3A_427 = arith.index_cast %get3A_426 : i32 to index
        %get3A_428 = arith.index_cast %while3A_231 : i32 to index
        %get3A_429 = arith.constant 32 : index
        %get3A_430 = tpu.vector_load %arg10[%get3A_427, %get3A_428, %get3A_429] {strides = array<i32>} : memref<8x128x64xf32, #tpu.memory_space<vmem>>, vector<16xf32>,
        %mul3A_431 = vector.broadcast %squeeze3A_245 : f32 to vector<16xf32>
        %mul3A_432 = arith.mulf %mul3A_431, %get3A_430 : vector<16xf32>
        %add3A_433 = arith.addf %add3A_425, %mul3A_432 : vector<16xf32>
        %get3A_434 = arith.constant 7 : i32
        %get3A_435 = arith.index_cast %get3A_434 : i32 to index
        %get3A_436 = arith.index_cast %while3A_231 : i32 to index
        %get3A_437 = arith.constant 32 : index
        %get3A_438 = tpu.vector_load %arg10[%get3A_435, %get3A_436, %get3A_437] {strides = array<i32>} : memref<8x128x64xf32, #tpu.memory_space<vmem>>, vector<16xf32>,
        %mul3A_439 = vector.broadcast %squeeze3A_247 : f32 to vector<16xf32>
        %mul3A_440 = arith.mulf %mul3A_439, %get3A_438 : vector<16xf32>
        %add3A_441 = arith.addf %add3A_433, %mul3A_440 : vector<16xf32>
        %swap3A_442 = arith.index_cast %while3A_231 : i32 to index
        %swap3A_443 = arith.constant 32 : index
        %swap3A_444 = tpu.vector_load %arg11[%swap3A_442, %swap3A_443] {strides = array<i32>} : memref<128x64xf32, #tpu.memory_space<vmem>>, vector<16xf32>,
        tpu.vector_store %arg11[%swap3A_442, %swap3A_443], %add3A_441 {strides = array<i32>} : memref<128x64xf32, #tpu.memory_space<vmem>>, vector<16xf32>,
        %get3A_445 = arith.constant 0 : i32
        %get3A_446 = arith.index_cast %get3A_445 : i32 to index
        %get3A_447 = arith.index_cast %while3A_231 : i32 to index
        %get3A_448 = arith.constant 48 : index
        %get3A_449 = tpu.vector_load %arg10[%get3A_446, %get3A_447, %get3A_448] {strides = array<i32>} : memref<8x128x64xf32, #tpu.memory_space<vmem>>, vector<16xf32>,
        %mul3A_450 = vector.broadcast %squeeze3A : f32 to vector<16xf32>
        %mul3A_451 = arith.mulf %mul3A_450, %get3A_449 : vector<16xf32>
        %get3A_452 = arith.constant 1 : i32
        %get3A_453 = arith.index_cast %get3A_452 : i32 to index
        %get3A_454 = arith.index_cast %while3A_231 : i32 to index
        %get3A_455 = arith.constant 48 : index
        %get3A_456 = tpu.vector_load %arg10[%get3A_453, %get3A_454, %get3A_455] {strides = array<i32>} : memref<8x128x64xf32, #tpu.memory_space<vmem>>, vector<16xf32>,
        %mul3A_457 = vector.broadcast %squeeze3A_235 : f32 to vector<16xf32>
        %mul3A_458 = arith.mulf %mul3A_457, %get3A_456 : vector<16xf32>
        %add3A_459 = arith.addf %mul3A_451, %mul3A_458 : vector<16xf32>
        %get3A_460 = arith.constant 2 : i32
        %get3A_461 = arith.index_cast %get3A_460 : i32 to index
        %get3A_462 = arith.index_cast %while3A_231 : i32 to index
        %get3A_463 = arith.constant 48 : index
        %get3A_464 = tpu.vector_load %arg10[%get3A_461, %get3A_462, %get3A_463] {strides = array<i32>} : memref<8x128x64xf32, #tpu.memory_space<vmem>>, vector<16xf32>,
        %mul3A_465 = vector.broadcast %squeeze3A_237 : f32 to vector<16xf32>
        %mul3A_466 = arith.mulf %mul3A_465, %get3A_464 : vector<16xf32>
        %add3A_467 = arith.addf %add3A_459, %mul3A_466 : vector<16xf32>
        %get3A_468 = arith.constant 3 : i32
        %get3A_469 = arith.index_cast %get3A_468 : i32 to index
        %get3A_470 = arith.index_cast %while3A_231 : i32 to index
        %get3A_471 = arith.constant 48 : index
        %get3A_472 = tpu.vector_load %arg10[%get3A_469, %get3A_470, %get3A_471] {strides = array<i32>} : memref<8x128x64xf32, #tpu.memory_space<vmem>>, vector<16xf32>,
        %mul3A_473 = vector.broadcast %squeeze3A_239 : f32 to vector<16xf32>
        %mul3A_474 = arith.mulf %mul3A_473, %get3A_472 : vector<16xf32>
        %add3A_475 = arith.addf %add3A_467, %mul3A_474 : vector<16xf32>
        %get3A_476 = arith.constant 4 : i32
        %get3A_477 = arith.index_cast %get3A_476 : i32 to index
        %get3A_478 = arith.index_cast %while3A_231 : i32 to index
        %get3A_479 = arith.constant 48 : index
        %get3A_480 = tpu.vector_load %arg10[%get3A_477, %get3A_478, %get3A_479] {strides = array<i32>} : memref<8x128x64xf32, #tpu.memory_space<vmem>>, vector<16xf32>,
        %mul3A_481 = vector.broadcast %squeeze3A_241 : f32 to vector<16xf32>
        %mul3A_482 = arith.mulf %mul3A_481, %get3A_480 : vector<16xf32>
        %add3A_483 = arith.addf %add3A_475, %mul3A_482 : vector<16xf32>
        %get3A_484 = arith.constant 5 : i32
        %get3A_485 = arith.index_cast %get3A_484 : i32 to index
        %get3A_486 = arith.index_cast %while3A_231 : i32 to index
        %get3A_487 = arith.constant 48 : index
        %get3A_488 = tpu.vector_load %arg10[%get3A_485, %get3A_486, %get3A_487] {strides = array<i32>} : memref<8x128x64xf32, #tpu.memory_space<vmem>>, vector<16xf32>,
        %mul3A_489 = vector.broadcast %squeeze3A_243 : f32 to vector<16xf32>
        %mul3A_490 = arith.mulf %mul3A_489, %get3A_488 : vector<16xf32>
        %add3A_491 = arith.addf %add3A_483, %mul3A_490 : vector<16xf32>
        %get3A_492 = arith.constant 6 : i32
        %get3A_493 = arith.index_cast %get3A_492 : i32 to index
        %get3A_494 = arith.index_cast %while3A_231 : i32 to index
        %get3A_495 = arith.constant 48 : index
        %get3A_496 = tpu.vector_load %arg10[%get3A_493, %get3A_494, %get3A_495] {strides = array<i32>} : memref<8x128x64xf32, #tpu.memory_space<vmem>>, vector<16xf32>,
        %mul3A_497 = vector.broadcast %squeeze3A_245 : f32 to vector<16xf32>
        %mul3A_498 = arith.mulf %mul3A_497, %get3A_496 : vector<16xf32>
        %add3A_499 = arith.addf %add3A_491, %mul3A_498 : vector<16xf32>
        %get3A_500 = arith.constant 7 : i32
        %get3A_501 = arith.index_cast %get3A_500 : i32 to index
        %get3A_502 = arith.index_cast %while3A_231 : i32 to index
        %get3A_503 = arith.constant 48 : index
        %get3A_504 = tpu.vector_load %arg10[%get3A_501, %get3A_502, %get3A_503] {strides = array<i32>} : memref<8x128x64xf32, #tpu.memory_space<vmem>>, vector<16xf32>,
        %mul3A_505 = vector.broadcast %squeeze3A_247 : f32 to vector<16xf32>
        %mul3A_506 = arith.mulf %mul3A_505, %get3A_504 : vector<16xf32>
        %add3A_507 = arith.addf %add3A_499, %mul3A_506 : vector<16xf32>
        %swap3A_508 = arith.index_cast %while3A_231 : i32 to index
        %swap3A_509 = arith.constant 48 : index
        %swap3A_510 = tpu.vector_load %arg11[%swap3A_508, %swap3A_509] {strides = array<i32>} : memref<128x64xf32, #tpu.memory_space<vmem>>, vector<16xf32>,
        tpu.vector_store %arg11[%swap3A_508, %swap3A_509], %add3A_507 {strides = array<i32>} : memref<128x64xf32, #tpu.memory_space<vmem>>, vector<16xf32>,
      }
      "tpu.region"() ({
        %run_scoped3A_231 = tpu.sem_alloc : memref<!tpu.dma_semaphore, #tpu.memory_space<semaphore_mem>>
        %dma_start3A_232 = arith.constant 0 : i32
        %dma_start3A_233 = tpu.memref_slice %arg6[%add3A_16, %dma_start3A_232] : memref<131072x64xf32, #tpu.memory_space<hbm>> -> memref<128x64xf32, #tpu.memory_space<hbm>>
        %dma_start3A_234 = arith.constant 0 : i32
        %dma_start3A_235 = tpu.memref_slice %arg6[%add3A_16, %dma_start3A_234] : memref<131072x64xf32, #tpu.memory_space<hbm>> -> memref<128x64xf32, #tpu.memory_space<hbm>>
        tpu.enqueue_dma source(%arg11 : memref<128x64xf32, #tpu.memory_space<vmem>>) target(%dma_start3A_235 : memref<128x64xf32, #tpu.memory_space<hbm>>) target_semaphore(%run_scoped3A_231 : memref<!tpu.dma_semaphore, #tpu.memory_space<semaphore_mem>>)
        %dma_wait3A_236 = arith.constant 0 : i32
        %dma_wait3A_237 = tpu.memref_slice %arg6[%add3A_16, %dma_wait3A_236] : memref<131072x64xf32, #tpu.memory_space<hbm>> -> memref<128x64xf32, #tpu.memory_space<hbm>>
        %dma_wait3A_238 = arith.constant 0 : i32
        %dma_wait3A_239 = tpu.memref_slice %arg6[%add3A_16, %dma_wait3A_238] : memref<131072x64xf32, #tpu.memory_space<hbm>> -> memref<128x64xf32, #tpu.memory_space<hbm>>
        tpu.wait_dma2 semaphore(%run_scoped3A_231 : memref<!tpu.dma_semaphore, #tpu.memory_space<semaphore_mem>>) src(%arg11 : memref<128x64xf32, #tpu.memory_space<vmem>>) dst(%dma_wait3A_239 : memref<128x64xf32, #tpu.memory_space<hbm>>)
        tpu.yield
      }) : () -> ()
    }
    return
  }
}

</mosaic_0001>

<sc_bundles>
// kernel: kernel.3.cloned.1.call-start
scs
__scs_entry_jumppad:
0x0: {  	(pc) =	sbr.rel $0x88, $3  }
0x1: {  	(tag) =	ssettag $0x0;
	lr =	simm.s32 $0x1  }
0x2: {  	[smem:$0x3F9F] =	sst lr;
	_ =	strace $0xD0000000  }
0x3: {  	_ = 	snop  }
0x4: {  	_ = 	snop  }
0x5: {  	_ = 	snop  }
0x6: {  	_ = 	snop  }
0x7: {  	_ = 	snop  }
__scs_overlays_trampoline_lowered:
0x8: {  	[smem:$0x3FAE] =	sst s0  }
0x9: {  	[smem:$0x3FAF] =	sst s1  }
0xa: {  	[smem:$0x3FB0] =	sst s2  }
0xb: {  	[smem:$0x3FB1] =	sst s3  }
0xc: {  	[smem:$0x3FB2] =	sst s4  }
0xd: {  	[smem:$0x3FB3] =	sst s5  }
0xe: {  	[smem:$0x3FB4] =	sst s6  }
0xf: {  	[smem:$0x3FB5] =	sst s7  }
0x10: {  	[smem:$0x3FB6] =	sst s8  }
0x11: {  	[smem:$0x3FB7] =	sst s9;
	s0 =	simm.s32 @!p0 $0x0  }
0x12: {  	s1 =	sld [smem:$0x3F9D];
	s0 =	simm.s32 @p0 $0x1  }
0x13: {  	[smem:$0x3FB8] =	sst s0;
	s0 =	simm.s32 @!p1 $0x0  }
0x14: {  	s2 =	sld [smem:$0x3F9C];
	s0 =	simm.s32 @p1 $0x1  }
0x15: {  	[smem:$0x3FB9] =	sst s0;
	s0 =	simm.s32 @!p2 $0x0  }
0x16: {  	s3 =	sld [smem:$0x3FDB];
	s0 =	simm.s32 @p2 $0x1  }
0x17: {  	s4 =	simm.s32 $0x1BF5;
	[smem:$0x3FBB] =	sst s0  }
0x18: {  	s0 =	sld [smem:$0x3F9E];
	_ =	swait.ge [sflag:s4], $0x0  }
0x19: {  	s7 =	sld [smem:$0x3F9F]  }
0x1a: {  	s8 =	sadd.s32 $0xFFFFE003, lr  }
0x1b: {  	s9 =	sadd.s32 $0xFFFFFEF7, lr;
	s5 =	simm.s32 $0xFFFFFFFF;
	p2 =	slt.u32 s8, $0xFFFFF086  }
0x1c: {  	p1 =	slt.u32 s9, $0xF7A;
	s5 =	simm.s32 @!p2 $0x0  }
0x1d: {  	s5 =	simm.s32 @p1 $0x1;
	p0 =	seq.s32 s7, s2  }
0x1e: {  	s7 =	smul.u32 @!p0 $0xF7A, s2;
	p2 =	seq.s32 @!p0 s5, $0x0  }
0x1f: {  	s9 =	smul.u32 $0xF7A, s1;
	s8 =	simm.s32 @!p0 $0x1BF5;
	p2 =	por !p2, p0  }
0x20: {  	[sflag:s8] =	ssyncset.s32 @!p0 $0xFFFFF086;
	s6 =	sadd.s32 @!p0 s3, s7;
	s7 =	simm.s32 @!p0 $0x108  }
0x21: {  	s3 =	sadd.s32 s3, s9;
	s6 =	sadd.s32 @!p0 $0x88, s6;
	s7 =	simm.s32 @p2 $0x1082  }
0x22: {  	[simem:s7], [sflag:s8] =	dma.local @!p0 [hbm:s6], $0xF7A  }
0x23: {  	s9 =	sor.u32 $0xD0000000, s2;
	s6 =	simm.s32 $0x108;
	_ =	swait.ge @!p0 [sflag:s8], $0x0  }
0x24: {  	s3 =	sadd.s32 $0x88, s3;
	s6 =	simm.s32 @!p1 $0x1082;
	[sflag:s4] =	ssyncset.s32 $0xFFFFF086  }
0x25: {  	[simem:s6], [sflag:s4] =	dma.local [hbm:s3], $0xF7A  }
0x26: {  	[smem:$0x3F9F] =	sst s1;
	(tag) =	ssettag s2;
	_ =	strace s9  }
0x27: {  	s1 =	sld [smem:$0x3FAF]  }
0x28: {  	s2 =	sld [smem:$0x3FB0]  }
0x29: {  	s4 =	sld [smem:$0x3FB2]  }
0x2a: {  	p0 =	seq.s32 s5, $0x0;
	s5 =	sld [smem:$0x3FB3]  }
0x2b: {  	s6 =	sld [smem:$0x3FB4]  }
0x2c: {  	s7 =	sld [smem:$0x3FB5]  }
0x2d: {  	s3 =	simm.s32 $0x108;
	s8 =	sld [smem:$0x3FB6]  }
0x2e: {  	s3 =	simm.s32 @!p0 $0x1082;
	s9 =	sld [smem:$0x3FB7]  }
0x2f: {  	lr =	sadd.s32 s0, s3;
	s0 =	sld [smem:$0x3FAE]  }
0x30: {  	s3 =	sld [smem:$0x3FB1]  }
0x31: {  	[smem:$0x3FBA] =	sst s10  }
0x32: {  	s10 =	sld [smem:$0x3FB8];
	_ =	sdelay $0x3  }
0x33: {  	p0 =	seq.s32 s10, $0x1;
	s10 =	sld [smem:$0x3FBA];
	_ =	sdelay $0x3  }
0x34: {  	[smem:$0x3FBA] =	sst s10  }
0x35: {  	s10 =	sld [smem:$0x3FB9];
	_ =	sdelay $0x3  }
0x36: {  	p1 =	seq.s32 s10, $0x1;
	s10 =	sld [smem:$0x3FBA];
	_ =	sdelay $0x3  }
0x37: {  	[smem:$0x3FBA] =	sst s10  }
0x38: {  	s10 =	sld [smem:$0x3FBB]  }
0x39: {  	_ = 	snop;
	(pc) =	sbr.ind lr, $3  }
0x3a: {  	_ = 	snop  }
0x3b: {  	_ = 	snop  }
0x3c: {  	p2 =	seq.s32 s10, $0x1;
	s10 =	sld [smem:$0x3FBA]  }
0x3d: {  	_ =	shalt  }
0x3e: {  	_ =	shalt  }
0x3f: {  	_ =	shalt  }
0x40: {  	_ =	shalt  }
0x41: {  	_ =	shalt  }
0x42: {  	_ =	shalt  }
0x43: {  	_ =	shalt  }
0x44: {  	_ =	shalt  }
0x45: {  	_ =	shalt  }
0x46: {  	_ =	shalt  }
0x47: {  	_ =	shalt  }
0x48: {  	_ =	shalt  }
0x49: {  	_ =	shalt  }
0x4a: {  	_ =	shalt  }
0x4b: {  	_ =	shalt  }
0x4c: {  	_ =	shalt  }
0x4d: {  	_ =	shalt  }
0x4e: {  	_ =	shalt  }
0x4f: {  	_ =	shalt  }
0x50: {  	_ =	shalt  }
0x51: {  	_ =	shalt  }
0x52: {  	_ =	shalt  }
0x53: {  	_ =	shalt  }
0x54: {  	_ =	shalt  }
0x55: {  	_ =	shalt  }
0x56: {  	_ =	shalt  }
0x57: {  	_ =	shalt  }
0x58: {  	_ =	shalt  }
0x59: {  	_ =	shalt  }
0x5a: {  	_ =	shalt  }
0x5b: {  	_ =	shalt  }
0x5c: {  	_ =	shalt  }
0x5d: {  	_ =	shalt  }
0x5e: {  	_ =	shalt  }
0x5f: {  	_ =	shalt  }
0x60: {  	_ =	shalt  }
0x61: {  	_ =	shalt  }
0x62: {  	_ =	shalt  }
0x63: {  	_ =	shalt  }
0x64: {  	_ =	shalt  }
0x65: {  	_ =	shalt  }
0x66: {  	_ =	shalt  }
0x67: {  	_ =	shalt  }
0x68: {  	_ =	shalt  }
0x69: {  	_ =	shalt  }
0x6a: {  	_ =	shalt  }
0x6b: {  	_ =	shalt  }
0x6c: {  	_ =	shalt  }
0x6d: {  	_ =	shalt  }
0x6e: {  	_ =	shalt  }
0x6f: {  	_ =	shalt  }
0x70: {  	_ =	shalt  }
0x71: {  	_ =	shalt  }
0x72: {  	_ =	shalt  }
0x73: {  	_ =	shalt  }
0x74: {  	_ =	shalt  }
0x75: {  	_ =	shalt  }
0x76: {  	_ =	shalt  }
0x77: {  	_ =	shalt  }
0x78: {  	_ =	shalt  }
0x79: {  	_ =	shalt  }
0x7a: {  	_ =	shalt  }
0x7b: {  	_ =	shalt  }
0x7c: {  	_ =	shalt  }
0x7d: {  	_ =	shalt  }
0x7e: {  	_ =	shalt  }
0x7f: {  	_ =	shalt  }
0x80: {  	_ =	shalt  }
0x81: {  	_ =	shalt  }
0x82: {  	_ =	shalt  }
0x83: {  	_ =	shalt  }
0x84: {  	_ =	shalt  }
0x85: {  	_ =	shalt  }
0x86: {  	_ =	shalt  }
0x87: {  	_ =	shalt  }
.Lfunc_end0:
.L_simem_size_0:
called_computation.1_lowered:
.L_overlay_start_0:
0x88: {  	s2 =	sld [smem:$0x3FD9]  }
0x89: {  	s3 =	sld [smem:$0x3FFE];
	_ =	sdelay $0x1  }
0x8a: {  	s1 =	srdreg.scid  }
0x8b: {  	s0 =	sand.u32 $0x1, s1  }
0x8c: {  	s17 =	sshll.u32 s0, $0xA;
	s2 =	sadd.s32 s3, s2  }
0x8d: {  	s2 =	sadd.s32 s2, s17  }
0x8e: {  	[smem:$0x3FC6] =	sst s2  }
0x8f: {  	_ = 	snop  }
0x90: {  	s2 =	sld [smem:$0x3FD0];
	(tm) =	ssettm $0x1  }
0x91: {  	s18 =	sld [smem:$0x3FFB];
	_ =	sdelay $0x3  }
0x92: {  	_ =	strace s18  }
0x93: {  	s3 =	sld [smem:$0x3FFC];
	_ =	sdelay $0x3  }
0x94: {  	_ =	strace s3  }
0x95: {  	s3 =	sld [smem:$0x3FFD];
	_ =	sdelay $0x3  }
0x96: {  	_ =	strace s3  }
0x97: {  	_ =	strace $0x8FFFFFFF  }
0x98: {  	s19 =	sld [smem:$0x3FDB];
	_ =	sdelay $0x1  }
0x99: {  	s4 =	simm.s32 $_scs_section_size  }
0x9a: {  	s5 =	simm.s32 $_size__tile_overlayer_lowered;
	s6 =	simm.s32 $_tile_overlayer_lowered  }
0x9b: {  	s22 =	simm.s32 $0x1BFF;
	s21 =	sshll.u32 s6, $0x1;
	s3 =	sadd.s32 s4, s19  }
0x9c: {  	s7 =	simm.s32 $0x0;
	s20 =	sshll.u32 s5, $0x1;
	s5 =	sadd.s32 s21, s3  }
0x9d: {  	[timem:s7], [sflag:s22] =	dma.local [hbm:s5], s20  }
0x9e: {  	_ =	swait.ge [sflag:s22], s20  }
0x9f: {  	s4 =	ssub.s32 $0x0, s20;
	[sflag:s22] =	ssyncset.done $0x0  }
0xa0: {  	[sflag:s22] =	ssyncadd.s32 s4;
	_ =	sdelay $0x1  }
0xa1: {  	s23 =	simm.s32 $0x1B8B  }
0xa2: {  	_ =	swait.ge [sflag:s23], $0x1  }
0xa3: {  	[sflag:s23] =	ssyncset.done $0x0  }
0xa4: {  	s25 =	simm.s32 $0x1B8E;
	s24 =	sld [smem:$0x3FFE];
	[sflag:s23] =	ssyncadd.s32 $0xFFFFFFFF  }
0xa5: {  	s26 =	simm.s32 $execute0_lowered;
	[smem:$0x3FD2] =	sst s25  }
0xa6: {  	s5 =	sshll.u32 s26, $0x1;
	_ =	strace $0x80000046;
	[dreg:$0x1] =	wrdreg $0xFFFFFFFF  }
0xa7: {  	s28 =	simm.s32 $_size_execute0_lowered;
	s3 =	sadd.s32 s3, s5;
	[dreg:$0x0] =	wrdreg $0x0  }
0xa8: {  	s5 =	sshll.u32 s28, $0x1;
	[dreg:$0x2] =	wrdreg s3  }
0xa9: {  	[dreg:$0x3] =	wrdreg s5  }
0xaa: {  	[dreg:$0x4] =	wrdreg $0xC0  }
0xab: {  	_ =	task [dreg:s7], $0x5FFFF  }
0xac: {  	[dreg:$0x1] =	wrdreg $0xFFFFFFFF  }
0xad: {  	[dreg:$0x0] =	wrdreg $0x60  }
0xae: {  	[dreg:$0x2] =	wrdreg s24  }
0xaf: {  	[dreg:$0x3] =	wrdreg s2  }
0xb0: {  	[dreg:$0x4] =	wrdreg $0x9  }
0xb1: {  	_ =	task.clear_ibuf [dreg:s7], $0x5FFFF;
	_ =	strace $0x90000046  }
0xb2: {  	s29 =	simm.s32 $0x9;
	_ =	strace $0x80000048  }
0xb3: {  	_ =	swait.ge [sflag:s29], $0x1  }
0xb4: {  	[sflag:s29] =	ssyncadd.s32 $0xFFFFFFFF  }
0xb5: {  	_ =	strace $0x90000048  }
0xb6: {  	_ =	sfence  }
0xb7: {  	s30 =	sld [smem:$0x0];
	_ =	sdelay $0x2  }
0xb8: {  	s31 =	sshll.u32 s1, $0xD;
	s1 =	sshrl.u32 s1, $0x2  }
0xb9: {  	s3 =	sand.u32 $0x4000, s31;
	s1 =	sadd.s32 s1, s30  }
0xba: {  	s0 =	sor.u32 s3, s0;
	s1 =	sshll.u32 s1, $0x11  }
0xbb: {  	s0 =	sor.u32 s1, s0  }
0xbc: {  	s0 =	sadd.s32 $0x8F2B, s0  }
0xbd: {  	[sflag:s0] =	ssyncadd.remote.s32 $0x1  }
0xbe: {  	_ =	sfence.sel $0xFFFF  }
0xbf: {  	[dreg:$0x0] =	wrdreg $0xFFFFFFFF;
	(pc) =	sbr.abs _section_cstart, $3  }
0xc0: {  	[dreg:$0x1] =	wrdreg $0xFFFFFFFF  }
0xc1: {  	_ =	task.clear_ibuf [dreg:s7], $0x2FFFF;
	_ =	strace $0x9FFFFFFF  }
0xc2: {  	(tm) =	ssettm $0x7FFFFFFF  }
0xc3: {  	_ =	shalt  }
tec
execute0_lowered:
.L_overlay_start_1:
0x0: {  	(tag) =	ssettag $0x1  }
0x1: {  	s0 =	rddreg [dreg:$0x0];
	s1 =	simm.s32 $0x0;
	s25 =	srdreg.scid  }
0x2: {  	s7 =	stileid.u32;
	s10 =	simm.s32 $0x2;
	s12 =	simm.s32 $0x580  }
0x3: {  	s13 =	simm.s32 $0x80;
	s16 =	simm.s32 $0x200;
	s17 =	simm.s32 $0x2D80  }
0x4: {  	s18 =	simm.s32 $0x280;
	s19 =	simm.s32 $0x4D80;
	s20 =	simm.s32 $0x300  }
0x5: {  	s21 =	simm.s32 $0x6D80;
	s22 =	simm.s32 $0x380;
	s23 =	simm.s32 $0x8D80  }
0x6: {  	s24 =	simm.s32 $0x400;
	s28 =	simm.s32 $0xCD80;
	s29 =	simm.s32 $0x500  }
0x7: {  	s30 =	simm.s32 $0xED80;
	s31 =	simm.s32 $0x1;
	[smem:$0x7FF] =	sst s1  }
0x8: {  	s4 =	sadd.s32 $0x8A00, s0;
	s5 =	sadd.s32 $0x4A00, s0;
	s1 =	sand.u32 $0x1, s25  }
0x9: {  	s6 =	sadd.s32 $0xA00, s0;
	s8 =	sshll.u32 s7, $0xD;
	s2 =	ssub.s32 $0x2, s1  }
0xa: {  	s7 =	sadd.s32 $0x80CA00, s0;
	s25 =	simm.s32 $0xAD80;
	s3 =	sshrl.u32 s2, $0x1  }
0xb: {  	_ =	strace $0x80000047;
	s1 =	sshll.u32 s1, $0xC;
	s26 =	ssub.s32 s2, s3  }
0xc: {  	v0 =	vlaneseq.u32;
	s8 =	sor.u32 s1, s8;
	s2 =	simm.s32 $0x0;
	s0 =	smax.u32 s26, $0x1  }
0xd: {  	v0 =	vmul.u32 $0x10, v0;
	s26 =	simm.s32 $0x480;
	[dreg:$0x3] =	wrdreg s0;
	s0 =	simm.s32 $0x10D80  }
.LBB2_1:
0xe: {  	[dreg:$0x4] =	wrdreg s2;
	s9 =	simm.s32 $0x0  }
.LBB2_2:
0xf: {  	s1 =	sshll.u32 s9, $0x7  }
0x10: {  	s3 =	sadd.s32 s8, s1  }
0x11: {  	s2 =	sshrl.u32 s3, $0x3  }
0x12: {  	s11 =	simm.s32 $0x0;
	s14 =	sadd.s32 s4, s2  }
0x13: {  	[tilespmem:s11], [sflag:$0x2] =	stream.linear.gather [hbm4b:s14+s11], $0x80, $0x38;
	[tilespmem:$0x12D80] =	vst v63  }
0x14: {  	_ =	swait.ge [sflag:s10], $0x80  }
0x15: {  	[sflag:s10] =	ssyncset.done $0x0  }
0x16: {  	s1 =	simm.s32 $0x80;
	s14 =	sadd.s32 s5, s2;
	[sflag:s10] =	ssyncadd.s32 $0xFFFFFF80  }
0x17: {  	[tilespmem:s1], [sflag:$0x2] =	stream.linear.gather [hbm4b:s14+s11], $0x80, $0x38;
	[tilespmem:$0x12D80] =	vst v63  }
0x18: {  	_ =	swait.ge [sflag:s10], $0x80  }
0x19: {  	[sflag:s10] =	ssyncset.done $0x0  }
0x1a: {  	s15 =	simm.s32 $0x100;
	s2 =	sadd.s32 s6, s2;
	[sflag:s10] =	ssyncadd.s32 $0xFFFFFF80  }
0x1b: {  	[tilespmem:s15], [sflag:$0x2] =	stream.linear.gather [hbm4b:s2+s11], $0x80, $0x38;
	[tilespmem:$0x12D80] =	vst v63  }
0x1c: {  	_ =	swait.ge [sflag:s10], $0x80  }
0x1d: {  	[sflag:s10] =	ssyncset.done $0x0  }
0x1e: {  	[sflag:s10] =	ssyncadd.s32 $0xFFFFFF80  }
0x1f: {  	v1 =	vld [tilespmem:s1+$0x0]  }
0x20: {  	v2 =	vld [tilespmem:s1+$0xFFFFFF80]  }
0x21: {  	v3 =	vld [tilespmem:s1+$0x80];
	_ =	sdelay $0x3  }
0x22: {  	v1 =	vadd.f32 $1.000000000e+00, v1  }
0x23: {  	v2 =	vadd.f32 $1.000000000e+00, v2;
	v3 =	vadd.f32 $1.000000000e+00, v3  }
0x24: {  	v1 =	vmul.f32 $6.400000000e+01, v1  }
0x25: {  	v2 =	vmul.f32 $6.400000000e+01, v2;
	v3 =	vmul.f32 $6.400000000e+01, v3  }
0x26: {  	v4 =	vtrunc.f32 v1  }
0x27: {  	v5 =	vtrunc.f32 v2;
	v6 =	vtrunc.f32 v3  }
0x28: {  	v4 =	vcvt.f32.s32 v4;
	v5 =	vcvt.f32.s32 v5  }
0x29: {  	v6 =	vcvt.f32.s32 v6  }
0x2a: {  	v7 =	vcvt.s32.f32 v4;
	v8 =	vcvt.s32.f32 v5  }
0x2b: {  	v9 =	vmov s11;
	v10 =	vcvt.s32.f32 v6  }
0x2c: {  	v9 =	vshll.u32 v9, $0x4;
	v1 =	vsub.f32 v1, v7;
	v2 =	vsub.f32 v2, v8  }
0x2d: {  	v9 =	vor.u32 v0, v9;
	v5 =	vmul.u32 $0x466F45D, v5;
	v3 =	vsub.f32 v3, v10  }
0x2e: {  	v4 =	vmul.u32 $0x127409F, v4;
	v7 =	vsub.f32 $1.000000000e+00, v1;
	v8 =	vsub.f32 $1.000000000e+00, v2  }
0x2f: {  	v16 =	vor.u32 $0x1, v9;
	v6 =	vmul.u32 $0x4F9FFB7, v6;
	v59 =	vadd.s32 $0x466F45D, v5  }
0x30: {  	v11 =	vxor.u32 v5, v4;
	v13 =	vsub.f32 $1.000000000e+00, v3;
	v14 =	vmul.f32 v7, v8  }
0x31: {  	v12 =	vxor.u32 v4, v59;
	v15 =	vxor.u32 v6, v11;
	v4 =	vadd.s32 $0x127409F, v4  }
0x32: {  	s2 =	simm.s32 $0x380;
	v15 =	vand.u32 $0x7FFFF, v15;
	v7 =	vmul.f32 v7, v2;
	v17 =	vmul.f32 v13, v14  }
0x33: {  	v19 =	vor.u32 $0x2, v9;
	v18 =	vxor.u32 v6, v12;
	v5 =	vxor.u32 v5, v4;
	[tilespmem:s2+$0xFFFFFE00] =	vst v15  }
0x34: {  	v18 =	vand.u32 $0x7FFFF, v18;
	v8 =	vmul.f32 v1, v8;
	v60 =	vmul.f32 v13, v7;
	[tilespmem:v9+s12+$0x0] =	vst.idx.msk $0xffff, v17  }
0x35: {  	v21 =	vor.u32 $0x3, v9;
	v4 =	vxor.u32 v59, v4;
	v61 =	vxor.u32 v6, v5;
	[tilespmem:s2+$0xFFFFFE80] =	vst v18  }
0x36: {  	v2 =	vmul.f32 v1, v2;
	v1 =	vand.u32 $0x7FFFF, v61;
	v20 =	vmul.f32 v13, v8;
	[tilespmem:v16+s12+$0x0] =	vst.idx.msk $0xffff, v60  }
0x37: {  	v10 =	vxor.u32 v6, v4;
	[tilespmem:s2+$0xFFFFFF00] =	vst v1;
	v1 =	vor.u32 $0x4, v9  }
0x38: {  	v6 =	vadd.s32 $0x4F9FFB7, v6;
	v10 =	vand.u32 $0x7FFFF, v10;
	v13 =	vmul.f32 v13, v2;
	[tilespmem:v19+s12+$0x0] =	vst.idx.msk $0xffff, v20  }
0x39: {  	v11 =	vxor.u32 v11, v6;
	[tilespmem:s2+$0xFFFFFF80] =	vst v10  }
0x3a: {  	v11 =	vand.u32 $0x7FFFF, v11;
	v14 =	vmul.f32 v14, v3;
	[tilespmem:v21+s12+$0x0] =	vst.idx.msk $0xffff, v13  }
0x3b: {  	v62 =	vor.u32 $0x5, v9;
	v12 =	vxor.u32 v12, v6;
	[tilespmem:s2+$0x0] =	vst v11  }
0x3c: {  	v63 =	vxor.u32 v6, v5;
	v5 =	vand.u32 $0x7FFFF, v12;
	[tilespmem:v1+s12+$0x0] =	vst.idx.msk $0xffff, v14  }
0x3d: {  	[tilespmem:s2+$0x80] =	vst v5;
	v5 =	vor.u32 $0x6, v9  }
0x3e: {  	v7 =	vmul.f32 v7, v3  }
0x3f: {  	v1 =	vxor.u32 v6, v4;
	v4 =	vor.u32 $0x7, v9  }
0x40: {  	s14 =	simm.s32 $0x380;
	s11 =	simm.s32 $0x10;
	v2 =	vmul.f32 v3, v2;
	v3 =	vmul.f32 v3, v8;
	v6 =	vand.u32 $0x7FFFF, v63;
	[tilespmem:v62+s12+$0x0] =	vst.idx.msk $0xffff, v7  }
.LBB2_3:
0x41: {  	p0 =	sne.s32 s11, $0x70;
	[tilespmem:s2+$0x100] =	vst v6;
	s14 =	sadd.s32 $0x10, s14;
	s1 =	sadd.s32 $0x10, s1  }
0x42: {  	v1 =	vand.u32 $0x7FFFF, v1;
	s15 =	smov.u32 s11;
	s11 =	sadd.s32 $0x10, s11;
	[tilespmem:v5+s12+$0x0] =	vst.idx.msk $0xffff, v3  }
0x43: {  	[tilespmem:s2+$0x180] =	vst v1;
	s2 =	smov.u32 s14  }
0x44: {  	[tilespmem:v4+s12+$0x0] =	vst.idx.msk $0xffff, v2  }
0x45: {  	v1 =	vld [tilespmem:s1+$0x0]  }
0x46: {  	v2 =	vld [tilespmem:s1+$0xFFFFFF80]  }
0x47: {  	v3 =	vld [tilespmem:s1+$0x80];
	_ =	sdelay $0x2  }
0x48: {  	v1 =	vadd.f32 $1.000000000e+00, v1  }
0x49: {  	v2 =	vadd.f32 $1.000000000e+00, v2  }
0x4a: {  	v1 =	vmul.f32 $6.400000000e+01, v1;
	v3 =	vadd.f32 $1.000000000e+00, v3  }
0x4b: {  	v2 =	vmul.f32 $6.400000000e+01, v2  }
0x4c: {  	v3 =	vmul.f32 $6.400000000e+01, v3;
	v4 =	vtrunc.f32 v1  }
0x4d: {  	v6 =	vmov s15;
	v5 =	vtrunc.f32 v2;
	v4 =	vcvt.f32.s32 v4  }
0x4e: {  	v6 =	vshll.u32 v6, $0x4;
	v5 =	vcvt.f32.s32 v5;
	v7 =	vtrunc.f32 v3  }
0x4f: {  	v7 =	vcvt.f32.s32 v7;
	v8 =	vcvt.s32.f32 v4  }
0x50: {  	v4 =	vmul.u32 $0x127409F, v4;
	v9 =	vcvt.s32.f32 v5;
	v5 =	vmul.u32 $0x466F45D, v5  }
0x51: {  	v1 =	vsub.f32 v1, v8;
	v8 =	vcvt.s32.f32 v7;
	v7 =	vmul.u32 $0x4F9FFB7, v7  }
0x52: {  	v2 =	vsub.f32 v2, v9;
	v9 =	vadd.s32 $0x466F45D, v5;
	v10 =	vxor.u32 v5, v4  }
0x53: {  	v3 =	vsub.f32 v3, v8;
	v8 =	vsub.f32 $1.000000000e+00, v1;
	v11 =	vxor.u32 v4, v9  }
0x54: {  	v6 =	vor.u32 v0, v6;
	v13 =	vxor.u32 v7, v10;
	v12 =	vsub.f32 $1.000000000e+00, v2  }
0x55: {  	v15 =	vor.u32 $0x1, v6;
	v13 =	vand.u32 $0x7FFFF, v13;
	v14 =	vmul.f32 v8, v2  }
0x56: {  	v16 =	vsub.f32 $1.000000000e+00, v3;
	v8 =	vmul.f32 v8, v12;
	v12 =	vmul.f32 v1, v12  }
0x57: {  	v18 =	vor.u32 $0x2, v6;
	v4 =	vadd.s32 $0x127409F, v4;
	v17 =	vxor.u32 v7, v11  }
0x58: {  	v5 =	vxor.u32 v5, v4;
	v20 =	vmul.f32 v16, v14;
	v19 =	vmul.f32 v16, v8  }
0x59: {  	v21 =	vmul.f32 v16, v12;
	[tilespmem:s14+$0xFFFFFE00] =	vst v13;
	v13 =	vand.u32 $0x7FFFF, v17;
	v17 =	vxor.u32 v7, v5  }
0x5a: {  	v4 =	vxor.u32 v9, v4;
	v9 =	vor.u32 $0x3, v6;
	v2 =	vmul.f32 v1, v2;
	[tilespmem:v6+s12+$0x0] =	vst.idx.msk $0xffff, v19  }
0x5b: {  	v19 =	vadd.s32 $0x4F9FFB7, v7;
	v7 =	vxor.u32 v7, v4;
	[tilespmem:s14+$0xFFFFFE80] =	vst v13;
	v13 =	vand.u32 $0x7FFFF, v17  }
0x5c: {  	v1 =	vxor.u32 v19, v4;
	[tilespmem:v15+s12+$0x0] =	vst.idx.msk $0xffff, v20;
	v15 =	vxor.u32 v19, v5  }
0x5d: {  	v4 =	vmul.f32 v16, v2;
	v5 =	vxor.u32 v10, v19;
	v10 =	vor.u32 $0x4, v6;
	[tilespmem:s14+$0xFFFFFF00] =	vst v13  }
0x5e: {  	v8 =	vmul.f32 v8, v3;
	v7 =	vand.u32 $0x7FFFF, v7;
	v11 =	vxor.u32 v11, v19;
	[tilespmem:v18+s12+$0x0] =	vst.idx.msk $0xffff, v21  }
0x5f: {  	v2 =	vmul.f32 v3, v2;
	v13 =	vor.u32 $0x5, v6;
	[tilespmem:s14+$0xFFFFFF80] =	vst v7;
	v7 =	vmul.f32 v14, v3  }
.Ltmp0:
0x60: {  	v3 =	vmul.f32 v3, v12;
	[tilespmem:v9+s12+$0x0] =	vst.idx.msk $0xffff, v4;
	v4 =	vand.u32 $0x7FFFF, v5;
	(pc) =	sbr.rel @p0 .LBB2_3-.Ltmp0, $4  }
0x61: {  	v5 =	vor.u32 $0x6, v6;
	[tilespmem:s14+$0x0] =	vst v4  }
0x62: {  	v4 =	vand.u32 $0x7FFFF, v11;
	[tilespmem:v10+s12+$0x0] =	vst.idx.msk $0xffff, v8  }
0x63: {  	[tilespmem:s14+$0x80] =	vst v4;
	v4 =	vor.u32 $0x7, v6  }
0x64: {  	v6 =	vand.u32 $0x7FFFF, v15;
	[tilespmem:v13+s12+$0x0] =	vst.idx.msk $0xffff, v7  }
0x65: {  	_ =	sdelay $0x2  }
0x66: {  	[tilespmem:s2+$0x100] =	vst v6  }
0x67: {  	v1 =	vand.u32 $0x7FFFF, v1;
	[tilespmem:v5+s12+$0x0] =	vst.idx.msk $0xffff, v3  }
0x68: {  	[tilespmem:s2+$0x180] =	vst v1  }
0x69: {  	s1 =	simm.s32 $0x180;
	s15 =	simm.s32 $0xD80;
	[tilespmem:v4+s12+$0x0] =	vst.idx.msk $0xffff, v2  }
0x6a: {  	[tilespmem:s15], [sflag:$0x1] =	stream.indirect.gather [hbm4b:s7+s13], $0x40, s1, s13, $0xb8;
	[tilespmem:$0x12D80] =	vst v63  }
0x6b: {  	_ = 	snop  }
0x6c: {  	[tilespmem:s17], [sflag:$0x1] =	stream.indirect.gather [hbm4b:s7+s13], $0x40, s16, s13, $0xb8;
	[tilespmem:$0x12D80] =	vst v63  }
0x6d: {  	_ = 	snop  }
0x6e: {  	[tilespmem:s19], [sflag:$0x1] =	stream.indirect.gather [hbm4b:s7+s13], $0x40, s18, s13, $0xb8;
	[tilespmem:$0x12D80] =	vst v63  }
0x6f: {  	_ = 	snop  }
0x70: {  	[tilespmem:s21], [sflag:$0x1] =	stream.indirect.gather [hbm4b:s7+s13], $0x40, s20, s13, $0xb8;
	[tilespmem:$0x12D80] =	vst v63  }
0x71: {  	_ = 	snop  }
0x72: {  	[tilespmem:s23], [sflag:$0x1] =	stream.indirect.gather [hbm4b:s7+s13], $0x40, s22, s13, $0xb8;
	[tilespmem:$0x12D80] =	vst v63  }
0x73: {  	_ = 	snop  }
0x74: {  	[tilespmem:s25], [sflag:$0x1] =	stream.indirect.gather [hbm4b:s7+s13], $0x40, s24, s13, $0xb8;
	[tilespmem:$0x12D80] =	vst v63  }
0x75: {  	_ = 	snop  }
0x76: {  	[tilespmem:s28], [sflag:$0x1] =	stream.indirect.gather [hbm4b:s7+s13], $0x40, s26, s13, $0xb8;
	[tilespmem:$0x12D80] =	vst v63  }
0x77: {  	_ = 	snop  }
0x78: {  	[tilespmem:s30], [sflag:$0x1] =	stream.indirect.gather [hbm4b:s7+s13], $0x40, s29, s13, $0xb8;
	[tilespmem:$0x12D80] =	vst v63  }
0x79: {  	_ =	swait.ge [sflag:s31], $0x2000  }
0x7a: {  	[sflag:s31] =	ssyncset.done $0x0  }
0x7b: {  	[sflag:s31] =	ssyncadd.s32 $0xFFFFE000  }
0x7c: {  	_ =	swait.ge [sflag:s31], $0x2000  }
0x7d: {  	[sflag:s31] =	ssyncset.done $0x0  }
0x7e: {  	[sflag:s31] =	ssyncadd.s32 $0xFFFFE000  }
0x7f: {  	_ =	swait.ge [sflag:s31], $0x2000  }
0x80: {  	[sflag:s31] =	ssyncset.done $0x0  }
0x81: {  	[sflag:s31] =	ssyncadd.s32 $0xFFFFE000  }
0x82: {  	_ =	swait.ge [sflag:s31], $0x2000  }
0x83: {  	[sflag:s31] =	ssyncset.done $0x0  }
0x84: {  	[sflag:s31] =	ssyncadd.s32 $0xFFFFE000  }
0x85: {  	_ =	swait.ge [sflag:s31], $0x2000  }
0x86: {  	[sflag:s31] =	ssyncset.done $0x0  }
0x87: {  	[sflag:s31] =	ssyncadd.s32 $0xFFFFE000  }
0x88: {  	_ =	swait.ge [sflag:s31], $0x2000  }
0x89: {  	[sflag:s31] =	ssyncset.done $0x0  }
0x8a: {  	[sflag:s31] =	ssyncadd.s32 $0xFFFFE000  }
0x8b: {  	_ =	swait.ge [sflag:s31], $0x2000  }
0x8c: {  	[sflag:s31] =	ssyncset.done $0x0  }
0x8d: {  	[sflag:s31] =	ssyncadd.s32 $0xFFFFE000  }
0x8e: {  	_ =	swait.ge [sflag:s31], $0x2000  }
0x8f: {  	[sflag:s31] =	ssyncset.done $0x0  }
0x90: {  	s1 =	simm.s32 $0x0;
	[sflag:s31] =	ssyncadd.s32 $0xFFFFE000  }
0x91: {  	v8 =	vld [tilespmem:s1+$0xD80]  }
0x92: {  	v9 =	vld [tilespmem:s1+$0x2D80]  }
0x93: {  	v10 =	vld [tilespmem:s1+$0xD90]  }
0x94: {  	v12 =	vld [tilespmem:s1+$0x2D90]  }
0x95: {  	v13 =	vld [tilespmem:s1+$0xDA0]  }
0x96: {  	v15 =	vld [tilespmem:s1+$0x2DA0]  }
0x97: {  	v17 =	vld [tilespmem:s1+$0xDB0]  }
0x98: {  	v19 =	vld [tilespmem:s1+$0x2DB0]  }
0x99: {  	v23 =	vld [tilespmem:s1+$0xAD90]  }
0x9a: {  	v26 =	vld [tilespmem:s1+$0x6DB0]  }
0x9b: {  	v6 =	vld [tilespmem:s1+$0x6DA0]  }
0x9c: {  	v3 =	vld [tilespmem:s1+$0xCDB0]  }
0x9d: {  	s2 =	simm.s32 $0x580;
	v2 =	vld [tilespmem:s1+$0xCDA0]  }
0x9e: {  	v5 =	vld [tilespmem:s2+$0x0]  }
0x9f: {  	v1 =	vld [tilespmem:s1+$0xEDB0]  }
0xa0: {  	v18 =	vld [tilespmem:s1+$0x8DB0]  }
0xa1: {  	v7 =	vld [tilespmem:s1+$0x8D80]  }
0xa2: {  	v20 =	vld [tilespmem:s1+$0x4D90]  }
0xa3: {  	v21 =	vld [tilespmem:s1+$0x4DA0];
	v30 =	vbroadcast v5, $0x0;
	v25 =	vbroadcast v5, $0x1  }
0xa4: {  	v24 =	vld [tilespmem:s1+$0x6D90];
	v14 =	vbroadcast v5, $0x2;
	v11 =	vbroadcast v5, $0x4  }
0xa5: {  	v27 =	vld [tilespmem:s1+$0x8DA0];
	v22 =	vbroadcast v5, $0x3;
	v34 =	vbroadcast v5, $0x5  }
0xa6: {  	v29 =	vld [tilespmem:s1+$0x4DB0];
	v16 =	vmul.f32 v9, v25;
	v9 =	vmul.f32 v13, v30  }
0xa7: {  	v31 =	vld [tilespmem:s1+$0xAD80];
	v28 =	vmul.f32 v12, v25;
	v13 =	vmul.f32 v18, v11  }
0xa8: {  	v35 =	vld [tilespmem:s1+$0xADB0];
	v12 =	vmul.f32 v15, v25;
	v21 =	vmul.f32 v21, v14  }
0xa9: {  	v15 =	vld [tilespmem:s1+$0xADA0];
	v32 =	vmul.f32 v20, v14;
	v17 =	vmul.f32 v17, v30  }
0xaa: {  	v4 =	vld [tilespmem:s1+$0xCD90];
	v10 =	vmul.f32 v10, v30;
	v18 =	vmul.f32 v27, v11  }
0xab: {  	v33 =	vld [tilespmem:s1+$0x6D80];
	v25 =	vmul.f32 v19, v25;
	v37 =	vmul.f32 v29, v14  }
0xac: {  	v20 =	vld [tilespmem:s1+$0x8D90];
	v29 =	vmul.f32 v26, v22;
	v30 =	vmul.f32 v8, v30  }
0xad: {  	v26 =	vmul.f32 v35, v34;
	v27 =	vadd.f32 v12, v9;
	v9 =	vld [tilespmem:s1+$0xEDA0];
	v36 =	vadd.f32 v28, v10  }
0xae: {  	v28 =	vld [tilespmem:s1+$0x4D80];
	v19 =	vmul.f32 v15, v34;
	v15 =	vmul.f32 v31, v34;
	v31 =	vadd.f32 v25, v17  }
0xaf: {  	v12 =	vmul.f32 v23, v34;
	v23 =	vmul.f32 v24, v22;
	v10 =	vld [tilespmem:s1+$0xED80]  }
0xb0: {  	s11 =	simm.s32 $0x100;
	v24 =	vmul.f32 v33, v22;
	v25 =	vadd.f32 v32, v36;
	v17 =	vld [tilespmem:s1+$0xED90];
	v31 =	vadd.f32 v37, v31  }
.LBB2_5:
0xb1: {  	s15 =	smov.u32 s11  }
0xb2: {  	s14 =	sshra.s32 s11, $0x2;
	v32 =	vld [tilespmem:s1+$0xCD80];
	v20 =	vmul.f32 v20, v11;
	v21 =	vadd.f32 v21, v27;
	v6 =	vmul.f32 v6, v22;
	s2 =	sadd.s32 $0x10, s2;
	s15 =	sadd.s32 $0x100, s11  }
0xb3: {  	p0 =	sne.s32 s11, $0x7F00;
	v16 =	vadd.f32 v16, v30;
	v14 =	vmul.f32 v28, v14;
	v22 =	vadd.f32 v29, v31;
	v8 =	vld [tilespmem:s14+$0xD80]  }
0xb4: {  	v7 =	vmul.f32 v7, v11;
	v11 =	vbroadcast v5, $0x6;
	v6 =	vadd.f32 v6, v21;
	v27 =	vld [tilespmem:s14+$0x2D80]  }
0xb5: {  	v5 =	vbroadcast v5, $0x7;
	v14 =	vadd.f32 v14, v16;
	v13 =	vadd.f32 v13, v22;
	v28 =	vld [tilespmem:s14+$0xD90]  }
0xb6: {  	v3 =	vmul.f32 v3, v11;
	v16 =	vadd.f32 v23, v25;
	v6 =	vadd.f32 v18, v6;
	v21 =	vld [tilespmem:s14+$0x2D90]  }
0xb7: {  	v2 =	vmul.f32 v2, v11;
	v14 =	vadd.f32 v24, v14;
	v13 =	vadd.f32 v26, v13;
	v18 =	vld [tilespmem:s14+$0xDA0]  }
0xb8: {  	v4 =	vmul.f32 v4, v11;
	v16 =	vadd.f32 v20, v16;
	v6 =	vadd.f32 v19, v6;
	v22 =	vld [tilespmem:s14+$0x2DA0]  }
0xb9: {  	v1 =	vmul.f32 v1, v5;
	v7 =	vadd.f32 v7, v14;
	v3 =	vadd.f32 v3, v13;
	v19 =	vld [tilespmem:s14+$0xDB0]  }
0xba: {  	v12 =	vadd.f32 v12, v16;
	v2 =	vadd.f32 v2, v6;
	v6 =	vmul.f32 v9, v5;
	v23 =	vld [tilespmem:s14+$0x2DB0]  }
0xbb: {  	v11 =	vmul.f32 v32, v11;
	v7 =	vadd.f32 v15, v7;
	v1 =	vadd.f32 v1, v3;
	v9 =	vld [tilespmem:s14+$0xAD90]  }
0xbc: {  	v4 =	vadd.f32 v4, v12;
	v12 =	vmul.f32 v17, v5;
	v2 =	vadd.f32 v6, v2;
	v26 =	vld [tilespmem:s14+$0x6DB0]  }
0xbd: {  	v5 =	vmul.f32 v10, v5;
	v7 =	vadd.f32 v11, v7;
	v6 =	vld [tilespmem:s14+$0x6DA0];
	[tilespmem:s1+$0x10DB0] =	vst v1  }
0xbe: {  	v4 =	vadd.f32 v12, v4;
	v3 =	vld [tilespmem:s14+$0xCDB0];
	[tilespmem:s1+$0x10DA0] =	vst v2  }
0xbf: {  	v5 =	vadd.f32 v5, v7;
	v2 =	vld [tilespmem:s14+$0xCDA0]  }
0xc0: {  	v1 =	vld [tilespmem:s14+$0xEDB0];
	[tilespmem:s1+$0x10D90] =	vst v4  }
0xc1: {  	v10 =	vld [tilespmem:s14+$0x8DB0];
	[tilespmem:s1+$0x10D80] =	vst v5;
	s1 =	smov.u32 s14  }
0xc2: {  	v5 =	vld [tilespmem:s2+$0x0]  }
0xc3: {  	v7 =	vld [tilespmem:s1+$0x8D80]  }
0xc4: {  	v12 =	vld [tilespmem:s1+$0x4D90]  }
0xc5: {  	v15 =	vld [tilespmem:s1+$0x4DA0]  }
0xc6: {  	v17 =	vld [tilespmem:s1+$0x6D90]  }
0xc7: {  	v30 =	vbroadcast v5, $0x0;
	v24 =	vbroadcast v5, $0x1;
	v4 =	vld [tilespmem:s1+$0xCD90]  }
0xc8: {  	v14 =	vbroadcast v5, $0x2;
	v11 =	vbroadcast v5, $0x4;
	v20 =	vld [tilespmem:s1+$0x8D90]  }
0xc9: {  	v16 =	vmul.f32 v27, v24;
	v18 =	vmul.f32 v18, v30;
	v25 =	vld [tilespmem:s1+$0x8DA0]  }
0xca: {  	v29 =	vmul.f32 v21, v24;
	v13 =	vmul.f32 v10, v11;
	v31 =	vld [tilespmem:s1+$0x4DB0]  }
0xcb: {  	v10 =	vmul.f32 v22, v24;
	v21 =	vmul.f32 v15, v14;
	v15 =	vld [tilespmem:s1+$0xADA0]  }
0xcc: {  	v22 =	vbroadcast v5, $0x3;
	v33 =	vmul.f32 v12, v14;
	v32 =	vld [tilespmem:s1+$0xAD80]  }
0xcd: {  	v35 =	vbroadcast v5, $0x5;
	v36 =	vmul.f32 v19, v30;
	v34 =	vld [tilespmem:s1+$0x6D80]  }
0xce: {  	v19 =	vmul.f32 v28, v30;
	v27 =	vadd.f32 v10, v18;
	v18 =	vmul.f32 v25, v11;
	v37 =	vld [tilespmem:s1+$0xADB0]  }
.Ltmp1:
0xcf: {  	v12 =	vmul.f32 v9, v35;
	v10 =	vmul.f32 v23, v24;
	v9 =	vld [tilespmem:s1+$0xEDA0];
	(pc) =	sbr.rel @p0 .LBB2_5-.Ltmp1, $4  }
0xd0: {  	v23 =	vmul.f32 v17, v22;
	v25 =	vadd.f32 v29, v19;
	v28 =	vld [tilespmem:s1+$0x4D80];
	v19 =	vmul.f32 v15, v35  }
0xd1: {  	v31 =	vmul.f32 v31, v14;
	v15 =	vmul.f32 v32, v35;
	v32 =	vadd.f32 v10, v36  }
0xd2: {  	v29 =	vmul.f32 v26, v22;
	v25 =	vadd.f32 v33, v25;
	v24 =	vmul.f32 v34, v22;
	v10 =	vld [tilespmem:s1+$0xED80]  }
0xd3: {  	s11 =	smov.u32 s15;
	v30 =	vmul.f32 v8, v30;
	v17 =	vld [tilespmem:s1+$0xED90];
	v31 =	vadd.f32 v31, v32;
	v26 =	vmul.f32 v37, v35  }
0xd4: {  	v8 =	vadd.f32 v21, v27;
	v6 =	vmul.f32 v6, v22  }
0xd5: {  	v20 =	vmul.f32 v20, v11;
	v16 =	vadd.f32 v16, v30;
	v14 =	vmul.f32 v28, v14  }
0xd6: {  	v7 =	vmul.f32 v7, v11;
	v55 =	vbroadcast v5, $0x6;
	v54 =	vadd.f32 v29, v31  }
0xd7: {  	v58 =	vbroadcast v5, $0x7;
	v6 =	vadd.f32 v6, v8;
	v56 =	vadd.f32 v14, v16  }
0xd8: {  	v57 =	vld [tilespmem:s1+$0xCD80];
	v59 =	vadd.f32 v23, v25;
	v3 =	vmul.f32 v3, v55;
	v13 =	vadd.f32 v13, v54  }
0xd9: {  	v2 =	vmul.f32 v2, v55;
	v6 =	vadd.f32 v18, v6;
	v11 =	vadd.f32 v24, v56  }
0xda: {  	v4 =	vmul.f32 v4, v55;
	v16 =	vadd.f32 v20, v59;
	v13 =	vadd.f32 v26, v13  }
0xdb: {  	v1 =	vmul.f32 v1, v58;
	v6 =	vadd.f32 v19, v6;
	v7 =	vadd.f32 v7, v11  }
0xdc: {  	v61 =	vmul.f32 v9, v58;
	v60 =	vadd.f32 v12, v16;
	v3 =	vadd.f32 v3, v13  }
0xdd: {  	v8 =	vmul.f32 v57, v55;
	v2 =	vadd.f32 v2, v6;
	v7 =	vadd.f32 v15, v7  }
0xde: {  	v62 =	vmul.f32 v17, v58;
	v1 =	vadd.f32 v1, v3;
	v3 =	vadd.f32 v4, v60  }
0xdf: {  	v5 =	vmul.f32 v10, v58;
	v2 =	vadd.f32 v61, v2;
	v63 =	vadd.f32 v8, v7  }
0xe0: {  	[tilespmem:s1+$0x10DB0] =	vst v1;
	v1 =	vadd.f32 v62, v3  }
0xe1: {  	s9 =	sadd.s32 $0x1, s9;
	[tilespmem:s1+$0x10DA0] =	vst v2;
	v2 =	vadd.f32 v5, v63  }
0xe2: {  	s2 =	sshll.u32 s3, $0x3;
	s14 =	rddreg [dreg:$0x1];
	p0 =	sne.s32 s9, $0x20;
	[tilespmem:s1+$0x10D90] =	vst v1  }
.Ltmp2:
0xe3: {  	s15 =	simm.s32 $0x0;
	[tilespmem:s1+$0x10D80] =	vst v2;
	s1 =	sadd.s32 s14, s2;
	(pc) =	sbr.rel @p0 .LBB2_2-.Ltmp2, $4  }
0xe4: {  	[hbm4b:s1+s15] =	stream.linear.scatter [tilespmem:s0], [sflag:$0x2], $0x2000, $0x38;
	[tilespmem:$0x12D80] =	vst v63  }
0xe5: {  	_ =	swait.ge [sflag:s10], $0x2000  }
0xe6: {  	[sflag:s10] =	ssyncset.done $0x0  }
0xe7: {  	[sflag:s10] =	ssyncadd.s32 $0xFFFFE000  }
0xe8: {  	s2 =	rddreg [dreg:$0x4]  }
0xe9: {  	s1 =	rddreg [dreg:$0x3];
	s2 =	sadd.s32 $0x1, s2  }
0xea: {  	p0 =	sne.s32 s2, s1  }
.Ltmp3:
0xeb: {  	_ = 	snop;
	(pc) =	sbr.rel @p0 .LBB2_1-.Ltmp3, $1  }
0xec: {  	_ =	sdelay $0x3  }
0xed: {  	_ =	sfence.sel $0x180000  }
0xee: {  	[bflag:$0x0] =	sbarrier.arrive $0xFFFF  }
0xef: {  	_ =	strace $0x90000047  }
0xf0: {  	s0 =	stileid.u32;
	[bflag:$0x2] =	sbarrier.arrive $0xFFFF  }
0xf1: {  	p0 =	sne.s32 s0, $0x0;
	s0 =	rddreg [dreg:$0x2]  }
0xf2: {  	s0 =	sadd.s32 @!p0 $0x100000, s0  }
0xf3: {  	[sflag:s0] =	ssyncadd.tile.s32 @!p0 $0x1;
	_ =	shalt  }
.Lfunc_end2:
_tile_overlayer_lowered:
.L_overlay_start_2:
0xf4: {  	(tag) =	ssettag $0x2  }
0xf5: {  	s0 =	rddreg [dreg:$0x0];
	s2 =	stileid.u32  }
0xf6: {  	s1 =	rddreg [dreg:$0x1];
	p0 =	sne.s32 s2, $0x0  }
0xf7: {  	s3 =	rddreg [dreg:$0x2];
	[bflag:$0x3] =	sbarrier.arrive $0xFFFF;
	s2 =	simm.s32 @!p0 $0x1C02  }
0xf8: {  	[timem:s3], [sflag:s2] =	dma.local @!p0 [hbm:s0], s1  }
0xf9: {  	s0 =	simm.s32 @!p0 $0x2  }
0xfa: {  	_ =	swait.ge @!p0 [sflag:s0], s1  }
0xfb: {  	s1 =	ssub.s32 @!p0 $0x0, s1;
	[sflag:s0] =	ssyncset.done @!p0 $0x0  }
0xfc: {  	[sflag:s0] =	ssyncadd.s32 @!p0 s1  }
0xfd: {  	[bflag:$0x3] =	sbarrier.arrive $0xFFFF  }
0xfe: {  	_ =	shalt  }

// kernel: sparse-core-data-format-call.cloned.1.call-start
scs
called_computation_lowered:
.L_overlay_start_0:
0x0: {  	s2 =	sld [smem:$0x3FD9]  }
0x1: {  	s3 =	sld [smem:$0x3FFE];
	_ =	sdelay $0x1  }
0x2: {  	s1 =	srdreg.scid  }
0x3: {  	s0 =	sand.u32 $0x1, s1  }
0x4: {  	s18 =	sshll.u32 s0, $0xA;
	s2 =	sadd.s32 s3, s2  }
0x5: {  	s2 =	sadd.s32 s2, s18  }
0x6: {  	[smem:$0x3FC6] =	sst s2  }
0x7: {  	_ = 	snop  }
0x8: {  	s2 =	sld [smem:$0x3FD0];
	(tm) =	ssettm $0x1  }
0x9: {  	s19 =	sld [smem:$0x3FFB];
	_ =	sdelay $0x3  }
0xa: {  	_ =	strace s19  }
0xb: {  	s3 =	sld [smem:$0x3FFC];
	_ =	sdelay $0x3  }
0xc: {  	_ =	strace s3  }
0xd: {  	s3 =	sld [smem:$0x3FFD];
	_ =	sdelay $0x3  }
0xe: {  	_ =	strace s3  }
0xf: {  	_ =	strace $0x8FFFFFFF  }
0x10: {  	s20 =	sld [smem:$0x3FDB];
	_ =	sdelay $0x1  }
0x11: {  	s4 =	simm.s32 $_scs_section_size  }
0x12: {  	s5 =	simm.s32 $_size__tile_overlayer_lowered;
	s6 =	simm.s32 $_tile_overlayer_lowered  }
0x13: {  	s23 =	simm.s32 $0x1BFF;
	s22 =	sshll.u32 s6, $0x1;
	s3 =	sadd.s32 s4, s20  }
0x14: {  	s7 =	simm.s32 $0x0;
	s21 =	sshll.u32 s5, $0x1;
	s5 =	sadd.s32 s22, s3  }
0x15: {  	[timem:s7], [sflag:s23] =	dma.local [hbm:s5], s21  }
0x16: {  	_ =	swait.ge [sflag:s23], s21  }
0x17: {  	s4 =	ssub.s32 $0x0, s21;
	[sflag:s23] =	ssyncset.done $0x0  }
0x18: {  	[sflag:s23] =	ssyncadd.s32 s4;
	_ =	sdelay $0x1  }
0x19: {  	s24 =	simm.s32 $0x1B8B  }
0x1a: {  	_ =	swait.ge [sflag:s24], $0x1  }
0x1b: {  	[sflag:s24] =	ssyncset.done $0x0  }
0x1c: {  	s26 =	simm.s32 $0x1B8E;
	s25 =	sld [smem:$0x3FFE];
	[sflag:s24] =	ssyncadd.s32 $0xFFFFFFFF  }
0x1d: {  	s27 =	simm.s32 $execute0_lowered;
	[smem:$0x3FD2] =	sst s26  }
0x1e: {  	s5 =	sshll.u32 s27, $0x1;
	_ =	strace $0x80000049;
	[dreg:$0x1] =	wrdreg $0xFFFFFFFF  }
0x1f: {  	s28 =	simm.s32 $_size_execute0_lowered;
	s3 =	sadd.s32 s3, s5;
	[dreg:$0x0] =	wrdreg $0x0  }
0x20: {  	s5 =	sshll.u32 s28, $0x1;
	[dreg:$0x2] =	wrdreg s3  }
0x21: {  	[dreg:$0x3] =	wrdreg s5  }
0x22: {  	[dreg:$0x4] =	wrdreg $0xC0  }
0x23: {  	_ =	task [dreg:s7], $0x5FFFF  }
0x24: {  	[dreg:$0x1] =	wrdreg $0xFFFFFFFF  }
0x25: {  	[dreg:$0x0] =	wrdreg $0x60  }
0x26: {  	[dreg:$0x2] =	wrdreg s25  }
0x27: {  	[dreg:$0x3] =	wrdreg s2  }
0x28: {  	[dreg:$0x4] =	wrdreg $0x9  }
0x29: {  	_ =	task.clear_ibuf [dreg:s7], $0x5FFFF;
	_ =	strace $0x90000049  }
0x2a: {  	s29 =	simm.s32 $0x9;
	_ =	strace $0x8000004B  }
0x2b: {  	_ =	swait.ge [sflag:s29], $0x1  }
0x2c: {  	[sflag:s29] =	ssyncadd.s32 $0xFFFFFFFF  }
0x2d: {  	_ =	strace $0x9000004B  }
0x2e: {  	_ =	sfence  }
0x2f: {  	s30 =	sld [smem:$0x0];
	_ =	sdelay $0x2  }
0x30: {  	s31 =	sshll.u32 s1, $0xD;
	s1 =	sshrl.u32 s1, $0x2  }
0x31: {  	s3 =	sand.u32 $0x4000, s31;
	s1 =	sadd.s32 s1, s30  }
0x32: {  	s0 =	sor.u32 s3, s0;
	s1 =	sshll.u32 s1, $0x11  }
0x33: {  	s0 =	sor.u32 s1, s0  }
0x34: {  	s0 =	sadd.s32 $0x8F2B, s0  }
0x35: {  	[sflag:s0] =	ssyncadd.remote.s32 $0x1  }
0x36: {  	_ =	sfence.sel $0xFFFF  }
0x37: {  	[dreg:$0x0] =	wrdreg $0xFFFFFFFF;
	(pc) =	sbr.abs _section_cstart, $3  }
0x38: {  	[dreg:$0x1] =	wrdreg $0xFFFFFFFF  }
0x39: {  	_ =	task.clear_ibuf [dreg:s7], $0x2FFFF;
	_ =	strace $0x9FFFFFFF  }
0x3a: {  	(tm) =	ssettm $0x7FFFFFFF  }
0x3b: {  	_ =	shalt  }
tec
execute0_lowered:
.L_overlay_start_1:
0x0: {  	(tag) =	ssettag $0x1  }
0x1: {  	s0 =	srdreg.scid  }
0x2: {  	s1 =	sshll.u32 s0, $0x4  }
0x3: {  	s4 =	rddreg [dreg:$0x0];
	s0 =	stileid.u32;
	s1 =	sand.u32 $0x10, s1  }
0x4: {  	s2 =	rddreg [dreg:$0x1];
	s7 =	simm.s32 $0x1;
	s1 =	sor.u32 s0, s1  }
0x5: {  	s8 =	simm.s32 $0x2;
	s11 =	simm.s32 $0x0;
	s3 =	sshll.u32 s1, $0x7  }
0x6: {  	s10 =	simm.s32 $0x0;
	s4 =	sadd.s32 $0xA00, s4;
	s6 =	ssub.s32 $0x20000, s3  }
.Ltmp0:
0x7: {  	s1 =	rddreg [dreg:$0x2];
	s5 =	sand.u32 $0xF80, s6;
	(pc) =	sbr.rel .LBB1_1-.Ltmp0, $4  }
0x8: {  	_ =	strace $0x8000004A;
	s9 =	smov.u32 s3;
	p0 =	sne.s32 s5, $0x0  }
0x9: {  	s6 =	sshrl.u32 s6, $0xC;
	s5 =	simm.s32 $0x1;
	s7 =	simm.s32 @!p0 $0x0  }
0xa: {  	[sflag:s5] =	ssyncpa.u1 $0x0;
	p0 =	por $0x0, $0x0;
	s6 =	sadd.s32 s7, s6  }
0xb: {  	[sflag:s8] =	ssyncpa.u1 $0x0;
	s8 =	simm.s32 $0x100000;
	s7 =	sadd.s32 $0x1, s6  }
.LBB1_4:
0xc: {  	s14 =	sshll.u32 s11, $0x3  }
0xd: {  	s15 =	sand.u32 $0x78, s11;
	s14 =	sand.u32 $0x1FC00, s14  }
0xe: {  	[tilespmem:s13+$0x810 ss:$0x81] =	vst.msk $0xffff, v2;
	s29 =	sand.u32 $0xFC000, s11;
	s30 =	sand.u32 $0x7, s11;
	s14 =	sor.u32 s15, s14  }
0xf: {  	[tilespmem:s13+$0x1020 ss:$0x81] =	vst.msk $0xffff, v0;
	s11 =	sshll.u32 s30, $0x12;
	s15 =	sadd.s32 s2, s29;
	s14 =	sshrl.u32 s14, $0x3  }
0x10: {  	[tilespmem:s13+$0x0 ss:$0x81] =	vst.msk $0xffff, v1;
	s11 =	sor.u32 $0x400, s11;
	s31 =	sadd.s32 s14, s15  }
0x11: {  	[hbm4b:s31+s11] =	stream.strided.scatter [tilespmem:s12], [sflag:$0x2], $0x2000, s8, s11, $0x20;
	[tilespmem:$0x8080] =	vst v63  }
.LBB1_5:
0x12: {  	s13 =	sadd.s32 $0x1000, s9  }
0x13: {  	p2 =	sgt.s32 s13, $0x1FFFF  }
0x14: {  	s13 =	smov.u32 @p2 s3;
	p2 =	sne.s32 s10, s7  }
.Ltmp1:
0x15: {  	p1 =	slt.u32 s10, $0x2;
	(pc) =	sbr.rel @!p2 .LBB1_6-.Ltmp1, $4  }
0x16: {  	s12 =	simm.s32 @!p1 $0x2  }
0x17: {  	s14 =	sadd.s32 $0x1, s10;
	_ =	swait.ge @!p1 [sflag:s12], $0x2000  }
0x18: {  	s11 =	smov.u32 s9;
	p0 =	por !p0, !p0;
	[sflag:s12] =	ssyncset.done @!p1 $0x0  }
0x19: {  	s10 =	smov.u32 s14;
	s9 =	smov.u32 s13;
	[sflag:s12] =	ssyncadd.s32 @!p1 $0xFFFFE000  }
.LBB1_1:
0x1a: {  	p1 =	sge.u32 s10, s6  }
0x1b: {  	s31 =	sadd.s32 $0xFFFFFFFF, s10;
	s12 =	sxor.u32 @!p1 $0xFFFFFFFF, s10;
	s13 =	sshll.u32 @!p1 s9, $0x4  }
0x1c: {  	s14 =	simm.s32 @!p1 $0x40;
	s12 =	sshll.u32 @!p1 s12, $0xD;
	s13 =	sand.u32 @!p1 $0x1FFFF0, s13  }
0x1d: {  	s15 =	simm.s32 @!p1 $0x80;
	s12 =	sand.u32 @!p1 $0x2000, s12;
	s13 =	sadd.s32 @!p1 s4, s13  }
0x1e: {  	[tilespmem:s12], [sflag:$0x1] =	stream.strided.gather @!p1 [hbm4b:s13+s14], $0x2000, s15, s14, $0x38;
	[tilespmem:$0x8080] =	vst v63  }
0x1f: {  	p1 =	sge.u32 s31, s6  }
.Ltmp2:
0x20: {  	_ = 	snop;
	(pc) =	sbr.rel @p1 .LBB1_5-.Ltmp2, $1  }
0x21: {  	_ =	sdelay $0x3  }
0x22: {  	s12 =	simm.s32 $0x1  }
0x23: {  	_ =	swait.ge [sflag:s5], $0x2000;
	s12 =	simm.s32 @!p0 $0x0  }
0x24: {  	[sflag:s5] =	ssyncset.done $0x0;
	s13 =	sshll.u32 s12, $0xD  }
0x25: {  	[sflag:s5] =	ssyncadd.s32 $0xFFFFE000;
	s16 =	sor.u32 $0x20, s13  }
0x26: {  	s12 =	smul.u32 $0x8100, s12;
	v3 =	vld [tilespmem:s16+$0x10]  }
0x27: {  	s30 =	sand.u32 $0x1, s10;
	v2 =	vld [tilespmem:s16+$0xFFFFFFF0]  }
0x28: {  	s13 =	smul.u32 $0x8100, s30;
	s12 =	sshrl.u32 s12, $0x2;
	v0 =	vld [tilespmem:s16+$0x0]  }
0x29: {  	v1 =	vld [tilespmem:s16+$0xFFFFFFE0];
	s14 =	sor.u32 $0x4000, s12  }
0x2a: {  	s31 =	sshrl.u32 s13, $0x2;
	s13 =	sadd.s32 $0x0, s14  }
0x2b: {  	s15 =	simm.s32 $0x4;
	s16 =	sadd.s32 $0x40, s16;
	s12 =	sor.u32 $0x4000, s31;
	[tilespmem:s13+$0x1830 ss:$0x81] =	vst.msk $0xffff, v3  }
.LBB1_3:
0x2c: {  	v3 =	vld [tilespmem:s16+$0x10];
	p1 =	sne.s32 s15, $0x1FC;
	[tilespmem:s13+$0x810 ss:$0x81] =	vst.msk $0xffff, v2;
	s17 =	smov.u32 s15;
	s15 =	sadd.s32 $0x4, s15  }
.Ltmp3:
0x2d: {  	v2 =	vld [tilespmem:s16+$0xFFFFFFF0];
	[tilespmem:s13+$0x1020 ss:$0x81] =	vst.msk $0xffff, v0;
	(pc) =	sbr.rel @p1 .LBB1_3-.Ltmp3, $4  }
0x2e: {  	v0 =	vld [tilespmem:s16+$0x0];
	[tilespmem:s13+$0x0 ss:$0x81] =	vst.msk $0xffff, v1  }
0x2f: {  	s13 =	sshra.s32 s17, $0x2;
	v1 =	vld [tilespmem:s16+$0xFFFFFFE0]  }
0x30: {  	s13 =	sadd.s32 s13, s14  }
0x31: {  	s16 =	sadd.s32 $0x40, s16;
	[tilespmem:s13+$0x1830 ss:$0x81] =	vst.msk $0xffff, v3  }
.Ltmp4:
0x32: {  	_ = 	snop;
	(pc) =	sbr.rel .LBB1_4-.Ltmp4, $1  }
0x33: {  	_ =	sdelay $0x3  }
.LBB1_6:
0x34: {  	_ =	sfence.sel $0x180000  }
0x35: {  	s2 =	simm.s32 $0x1;
	[bflag:$0x0] =	sbarrier.arrive $0xFFFF  }
0x36: {  	s31 =	simm.s32 $0x2;
	[sflag:s2] =	ssyncpa.u1 $0x1  }
0x37: {  	[sflag:s31] =	ssyncpa.u1 $0x1  }
0x38: {  	p0 =	sne.s32 s0, $0x0;
	_ =	strace $0x9000004A  }
0x39: {  	s0 =	sadd.s32 @!p0 $0x100000, s1;
	[bflag:$0x2] =	sbarrier.arrive $0xFFFF  }
0x3a: {  	[sflag:s0] =	ssyncadd.tile.s32 @!p0 $0x1;
	_ =	shalt  }
.Lfunc_end1:
_tile_overlayer_lowered:
.L_overlay_start_2:
0x3b: {  	(tag) =	ssettag $0x2  }
0x3c: {  	s0 =	rddreg [dreg:$0x0];
	s2 =	stileid.u32  }
0x3d: {  	s1 =	rddreg [dreg:$0x1];
	p0 =	sne.s32 s2, $0x0  }
0x3e: {  	s3 =	rddreg [dreg:$0x2];
	[bflag:$0x3] =	sbarrier.arrive $0xFFFF;
	s2 =	simm.s32 @!p0 $0x1C01  }
0x3f: {  	[timem:s3], [sflag:s2] =	dma.local @!p0 [hbm:s0], s1  }
0x40: {  	s0 =	simm.s32 @!p0 $0x1  }
0x41: {  	_ =	swait.ge @!p0 [sflag:s0], s1  }
0x42: {  	s1 =	ssub.s32 @!p0 $0x0, s1;
	[sflag:s0] =	ssyncset.done @!p0 $0x0  }
0x43: {  	[sflag:s0] =	ssyncadd.s32 @!p0 s1  }
0x44: {  	[bflag:$0x3] =	sbarrier.arrive $0xFFFF  }
0x45: {  	_ =	shalt  }

</sc_bundles>
